<compile_context>
chip_gen: v7x
topology: tpu7x:2x2x1
jax: 0.10.2.dev20260603
libtpu: 0.0.44.dev20260713+nightly
codegen_flags: <defaults>
</compile_context>

<pallas_src>
import functools

import jax
import jax.numpy as jnp
from jax import lax
from jax.experimental import pallas as pl
from jax.experimental.pallas import tpu as pltpu
from jax.experimental.pallas import tpu_sc as plsc

_N = 10000
_E = 320000
_IN = 128
_HID = 64
_OUT = 32
_ALPHA = 0.2
_BETA = 0.8

_NC, _NS = 2, 16
_NW = _NC * _NS
_CHUNK = 112
_CPW = 90
_EPAD = _NW * _CPW * _CHUNK
_NPAD = 10240
_STRIPE = _NPAD // _NS

_mesh = plsc.VectorSubcoreMesh(
    core_axis_name="c", subcore_axis_name="s", num_cores=_NC, num_subcores=_NS)


@functools.partial(
    pl.kernel,
    out_type=(jax.ShapeDtypeStruct((_NC, _NPAD), jnp.float32),
              jax.ShapeDtypeStruct((_NC, _NPAD), jnp.float32)),
    mesh=_mesh,
    scratch_types=[
        pltpu.VMEM((_CPW, 2, _CHUNK), jnp.int32),
        pltpu.VMEM((_CHUNK,), jnp.float32),
        pltpu.VMEM((_CHUNK,), jnp.float32),
        pltpu.VMEM_SHARED((_NPAD,), jnp.float32),
        pltpu.VMEM_SHARED((_NPAD,), jnp.float32),
    ],
)
def _sc_degrees(rc_hbm, ideg_out, odeg_out, idx_v, ones_v, zeros_v, iacc, oacc):
    c = lax.axis_index("c")
    s = lax.axis_index("s")
    wid = c * _NS + s

    def initbuf(g, carry):
        ones_v[pl.ds(g * 16, 16)] = jnp.ones((16,), jnp.float32)
        zeros_v[pl.ds(g * 16, 16)] = jnp.zeros((16,), jnp.float32)
        return carry
    lax.fori_loop(0, _CHUNK // 16, initbuf, None)

    def zloop(b, carry):
        off = s * _STRIPE + b * 64
        pltpu.sync_copy(zeros_v.at[pl.ds(0, 64)], iacc.at[pl.ds(off, 64)])
        pltpu.sync_copy(zeros_v.at[pl.ds(0, 64)], oacc.at[pl.ds(off, 64)])
        return carry
    lax.fori_loop(0, _STRIPE // 64, zloop, None)

    pltpu.sync_copy(rc_hbm.at[wid], idx_v)
    plsc.subcore_barrier()

    def body(i, carry):
        pltpu.sync_copy(ones_v, iacc.at[idx_v.at[i, 1]], add=True)
        pltpu.sync_copy(ones_v, oacc.at[idx_v.at[i, 0]], add=True)
        return carry
    lax.fori_loop(0, _CPW, body, None)

    plsc.subcore_barrier()
    sl = pl.ds(s * _STRIPE, _STRIPE)
    pltpu.sync_copy(iacc.at[sl], ideg_out.at[c, sl])
    pltpu.sync_copy(oacc.at[sl], odeg_out.at[c, sl])


def _make_sc_agg(with_sbe):
    D = _IN
    out_type = [jax.ShapeDtypeStruct((_NC, _NPAD, D), jnp.float32)]
    scratch = [
        pltpu.VMEM((2, _CHUNK), jnp.int32),
        pltpu.VMEM((2, _CHUNK), jnp.int32),
        pltpu.VMEM((_CHUNK, D), jnp.float32),
        pltpu.VMEM((_CHUNK, D), jnp.float32),
        pltpu.VMEM_SHARED((_NPAD, D), jnp.float32),
        pltpu.SemaphoreType.DMA,
        pltpu.SemaphoreType.DMA,
        pltpu.SemaphoreType.DMA,
        pltpu.SemaphoreType.DMA,
    ]
    if with_sbe:
        out_type.append(jax.ShapeDtypeStruct((_NC, _NPAD), jnp.float32))
        scratch += [
            pltpu.VMEM((_CHUNK,), jnp.float32),
            pltpu.VMEM((_CHUNK,), jnp.float32),
            pltpu.VMEM_SHARED((_NPAD,), jnp.float32),
        ]

    def body(*refs):
        if with_sbe:
            (feat_hbm, rc_hbm, be_hbm, out_hbm, sbe_out,
             ia, ib, fa, fb, acc, sema, semb, semia, semib,
             bea, beb, sbe_acc) = refs
        else:
            (feat_hbm, rc_hbm, out_hbm,
             ia, ib, fa, fb, acc, sema, semb, semia, semib) = refs
        c = lax.axis_index("c")
        s = lax.axis_index("s")
        wid = c * _NS + s

        def zrow(r, carry):
            for g in range(D // 16):
                fa[r, pl.ds(g * 16, 16)] = jnp.zeros((16,), jnp.float32)
            return carry
        lax.fori_loop(0, _CHUNK, zrow, None)

        def zloop(b, carry):
            pltpu.sync_copy(fa.at[pl.ds(0, 64)],
                            acc.at[pl.ds(s * _STRIPE + b * 64, 64)])
            return carry
        lax.fori_loop(0, _STRIPE // 64, zloop, None)
        if with_sbe:
            def zloop2(b, carry):
                pltpu.sync_copy(fa.at[0],
                                sbe_acc.at[pl.ds(s * _STRIPE + b * D, D)])
                return carry
            lax.fori_loop(0, _STRIPE // D, zloop2, None)
        plsc.subcore_barrier()

        def start(ibuf, fbuf, bbuf, sem):
            pltpu.async_copy(feat_hbm.at[ibuf.at[0]], fbuf, sem)
            if with_sbe:
                pltpu.async_copy(be_hbm.at[ibuf.at[0]], bbuf, sem)

        def gwait(ibuf, fbuf, bbuf, sem):
            pltpu.make_async_copy(feat_hbm.at[ibuf.at[0]], fbuf, sem).wait()
            if with_sbe:
                pltpu.make_async_copy(be_hbm.at[ibuf.at[0]], bbuf, sem).wait()

        def scat(ibuf, fbuf, bbuf):
            pltpu.sync_copy(fbuf, acc.at[ibuf.at[1]], add=True)
            if with_sbe:
                pltpu.sync_copy(bbuf, sbe_acc.at[ibuf.at[1]], add=True)

        def idx_start(k, ibuf, sem):
            pltpu.async_copy(rc_hbm.at[wid, k], ibuf, sem)

        def idx_wait(k, ibuf, sem):
            pltpu.make_async_copy(rc_hbm.at[wid, k], ibuf, sem).wait()

        bea_ = bea if with_sbe else None
        beb_ = beb if with_sbe else None

        pltpu.sync_copy(rc_hbm.at[wid, 0], ia)
        start(ia, fa, bea_, sema)
        pltpu.sync_copy(rc_hbm.at[wid, 1], ib)

        def pair(p, carry):
            k0 = 2 * p
            ka = lax.min(k0 + 2, _CPW - 1)
            kb = lax.min(k0 + 3, _CPW - 1)
            start(ib, fb, beb_, semb)
            gwait(ia, fa, bea_, sema)
            scat(ia, fa, bea_)
            idx_start(ka, ia, semia)
            gwait(ib, fb, beb_, semb)
            idx_wait(ka, ia, semia)
            start(ia, fa, bea_, sema)
            scat(ib, fb, beb_)
            idx_start(kb, ib, semib)
            idx_wait(kb, ib, semib)
            return carry
        lax.fori_loop(0, _CPW // 2, pair, None)

        pltpu.make_async_copy(feat_hbm.at[ia.at[0]], fa, sema).wait()
        if with_sbe:
            pltpu.make_async_copy(be_hbm.at[ia.at[0]], bea, sema).wait()

        plsc.subcore_barrier()
        sl = pl.ds(s * _STRIPE, _STRIPE)
        pltpu.sync_copy(acc.at[sl], out_hbm.at[c, sl])
        if with_sbe:
            pltpu.sync_copy(sbe_acc.at[sl], sbe_out.at[c, sl])

    return pl.kernel(body, out_type=tuple(out_type), mesh=_mesh,
                     scratch_types=scratch)


_sc_agg1 = _make_sc_agg(with_sbe=True)
_sc_agg2 = _make_sc_agg(with_sbe=False)


def _tc_prep_body(deg_ref, x_ref, a_ref, be_ref, xbe_ref):
    deg = deg_ref[...]
    ideg = deg[:, 0:1] + deg[:, 1:2] + 1.0
    odeg = deg[:, 2:3] + deg[:, 3:4] + 1.0
    a = jnp.exp(-_ALPHA * jnp.log(ideg))
    be = jnp.exp(-_BETA * jnp.log(odeg))
    a_ref[...] = a
    be_ref[...] = be
    xbe_ref[...] = x_ref[...] * be


_TCB = 1024


def _tc_prep(deg4, x_pad):
    grid = (_NPAD // _TCB,)
    return pl.pallas_call(
        _tc_prep_body,
        grid=grid,
        in_specs=[
            pl.BlockSpec((_TCB, 4), lambda i: (i, 0)),
            pl.BlockSpec((_TCB, _IN), lambda i: (i, 0)),
        ],
        out_specs=[
            pl.BlockSpec((_TCB, 1), lambda i: (i, 0)),
            pl.BlockSpec((_TCB, 1), lambda i: (i, 0)),
            pl.BlockSpec((_TCB, _IN), lambda i: (i, 0)),
        ],
        out_shape=[
            jax.ShapeDtypeStruct((_NPAD, 1), jnp.float32),
            jax.ShapeDtypeStruct((_NPAD, 1), jnp.float32),
            jax.ShapeDtypeStruct((_NPAD, _IN), jnp.float32),
        ],
    )(deg4, x_pad)


def _tc_mid_body(y1p_ref, xbe_ref, a_ref, be_ref, sbe_ref,
                 ws1t_ref, wt1t_ref, bs1_ref, bt1_ref,
                 cat_ref, d1_ref):
    a = a_ref[...]
    be = be_ref[...]
    y1 = a * (y1p_ref[0] + y1p_ref[1] + xbe_ref[...])
    sbe = sbe_ref[...]
    d1 = a * (sbe[:, 0:1] + sbe[:, 1:2] + be)
    s_h = jnp.maximum(
        jnp.dot(y1, ws1t_ref[...], preferred_element_type=jnp.float32)
        + d1 * bs1_ref[...], 0.0)
    t_h = jnp.maximum(
        jnp.dot(y1, wt1t_ref[...], preferred_element_type=jnp.float32)
        + d1 * bt1_ref[...], 0.0)
    cat_ref[...] = be * jnp.concatenate([t_h, s_h], axis=1)
    d1_ref[...] = d1


def _tc_mid(y1p, xbe, a1, be1, sbeT, ws1t, wt1t, bs1, bt1):
    grid = (_NPAD // _TCB,)
    full = lambda i: (0, 0)
    return pl.pallas_call(
        _tc_mid_body,
        grid=grid,
        in_specs=[
            pl.BlockSpec((_NC, _TCB, _IN), lambda i: (0, i, 0)),
            pl.BlockSpec((_TCB, _IN), lambda i: (i, 0)),
            pl.BlockSpec((_TCB, 1), lambda i: (i, 0)),
            pl.BlockSpec((_TCB, 1), lambda i: (i, 0)),
            pl.BlockSpec((_TCB, 2), lambda i: (i, 0)),
            pl.BlockSpec((_IN, _HID), full),
            pl.BlockSpec((_IN, _HID), full),
            pl.BlockSpec((1, _HID), full),
            pl.BlockSpec((1, _HID), full),
        ],
        out_specs=[
            pl.BlockSpec((_TCB, _IN), lambda i: (i, 0)),
            pl.BlockSpec((_TCB, 1), lambda i: (i, 0)),
        ],
        out_shape=[
            jax.ShapeDtypeStruct((_NPAD, _IN), jnp.float32),
            jax.ShapeDtypeStruct((_NPAD, 1), jnp.float32),
        ],
    )(y1p, xbe, a1, be1, sbeT, ws1t, wt1t, bs1, bt1)


def _tc_final_body(y2p_ref, cat_ref, a_ref, d1_ref,
                   ws2t_ref, wt2t_ref, bs2_ref, bt2_ref, out_ref):
    a = a_ref[...]
    d1 = d1_ref[...]
    y2 = a * (y2p_ref[0] + y2p_ref[1] + cat_ref[...])
    s = (jnp.dot(y2[:, :_HID], ws2t_ref[...],
                 preferred_element_type=jnp.float32) + d1 * bs2_ref[...])
    t = (jnp.dot(y2[:, _HID:], wt2t_ref[...],
                 preferred_element_type=jnp.float32) + d1 * bt2_ref[...])
    out_ref[...] = jnp.concatenate([s, t], axis=1)


def _tc_final(y2p, cat_be, a1, d1, ws2t, wt2t, bs2, bt2):
    grid = (_NPAD // _TCB,)
    full = lambda i: (0, 0)
    return pl.pallas_call(
        _tc_final_body,
        grid=grid,
        in_specs=[
            pl.BlockSpec((_NC, _TCB, _IN), lambda i: (0, i, 0)),
            pl.BlockSpec((_TCB, _IN), lambda i: (i, 0)),
            pl.BlockSpec((_TCB, 1), lambda i: (i, 0)),
            pl.BlockSpec((_TCB, 1), lambda i: (i, 0)),
            pl.BlockSpec((_HID, _OUT), full),
            pl.BlockSpec((_HID, _OUT), full),
            pl.BlockSpec((1, _OUT), full),
            pl.BlockSpec((1, _OUT), full),
        ],
        out_specs=pl.BlockSpec((_TCB, 2 * _OUT), lambda i: (i, 0)),
        out_shape=jax.ShapeDtypeStruct((_NPAD, 2 * _OUT), jnp.float32),
    )(y2p, cat_be, a1, d1, ws2t, wt2t, bs2, bt2)


def kernel(x, edge_index, edge_attr, W_s1, b_s1, W_t1, b_t1,
           W_s2, b_s2, W_t2, b_t2):
    row = edge_index[0]
    col = edge_index[1]
    npad = _EPAD - _E
    dummy = jnp.full((npad,), _NPAD - 1, jnp.int32)
    row_p = jnp.concatenate([row, dummy]).reshape(_NW, _CPW, _CHUNK)
    col_p = jnp.concatenate([col, dummy]).reshape(_NW, _CPW, _CHUNK)
    rc4 = jnp.stack([row_p, col_p], axis=2)

    ideg_p, odeg_p = _sc_degrees(rc4)
    deg4 = jnp.stack([ideg_p[0], ideg_p[1], odeg_p[0], odeg_p[1]], axis=1)
    x_pad = jnp.pad(x, ((0, _NPAD - _N), (0, 0)))
    a1, be1, xbe = _tc_prep(deg4, x_pad)

    y1p, sbep = _sc_agg1(xbe, rc4, be1.reshape(_NPAD))
    sbeT = jnp.transpose(sbep)

    cat_be, d1 = _tc_mid(y1p, xbe, a1, be1, sbeT,
                         W_s1.T, W_t1.T, b_s1[None, :], b_t1[None, :])

    (y2p,) = _sc_agg2(cat_be, rc4)

    outp = _tc_final(y2p, cat_be, a1, d1,
                     W_s2.T, W_t2.T, b_s2[None, :], b_t2[None, :])
    return outp[:_N]

# --- scband reference (transcript-rebuilt; emitter-appended) ---
"""Pipeline reference for scband-digae-se-38122129719539 (READ-ONLY COPY).

The authoritative reference and input builder live on the scoring server;
editing this copy changes nothing except your own understanding.
"""

import jax, jax.numpy as jnp
import numpy as np

N = 10000
E = 320000
IN_DIM = 128
HID = 64
OUT = 32
ALPHA = 0.2
BETA = 0.8


def _lin_init(key, fan_out, fan_in):
    k1, k2 = jax.random.split(key)
    bound = 1.0 / np.sqrt(fan_in)
    W = jax.random.uniform(k1, (fan_out, fan_in), minval=-bound, maxval=bound, dtype=jnp.float32)
    b = jax.random.uniform(k2, (fan_out,), minval=-bound, maxval=bound, dtype=jnp.float32)
    return W, b


def setup_inputs(seed: int = 0) -> dict:
    key = jax.random.key(seed)
    ks = jax.random.split(key, 8)
    x = jax.random.normal(ks[0], (N, IN_DIM), dtype=jnp.float32)
    edge_index = jax.random.randint(ks[1], (2, E), 0, N, dtype=jnp.int32)
    edge_attr = jax.random.normal(ks[2], (E, 4), dtype=jnp.float32)
    W_s1, b_s1 = _lin_init(ks[3], HID, IN_DIM)
    W_t1, b_t1 = _lin_init(ks[4], HID, IN_DIM)
    W_s2, b_s2 = _lin_init(ks[5], OUT, HID)
    W_t2, b_t2 = _lin_init(ks[6], OUT, HID)
    return {"x": x, "edge_index": edge_index, "edge_attr": edge_attr,
            "W_s1": W_s1, "b_s1": b_s1, "W_t1": W_t1, "b_t1": b_t1,
            "W_s2": W_s2, "b_s2": b_s2, "W_t2": W_t2, "b_t2": b_t2}


def _directed_gcn_conv(x, W, b, row, col, n):
    # x' = Linear(x); out[i] = sum_{(j->i)} in_deg[i]^{-alpha} * out_deg[j]^{-beta} * x'[j]
    h = x @ W.T + b
    ones = jnp.ones(row.shape[0], dtype=h.dtype)
    in_deg = jnp.zeros((n,), h.dtype).at[col].add(ones)
    out_deg = jnp.zeros((n,), h.dtype).at[row].add(ones)
    a = jnp.where(in_deg > 0, jnp.power(jnp.maximum(in_deg, 1.0), -ALPHA), 0.0)
    be = jnp.where(out_deg > 0, jnp.power(jnp.maximum(out_deg, 1.0), -BETA), 0.0)
    norm = a[col] * be[row]
    msg = norm[:, None] * h[row]
    out = jnp.zeros((n, h.shape[1]), h.dtype).at[col].add(msg)
    return out


def reference(x, edge_index, edge_attr, W_s1, b_s1, W_t1, b_t1, W_s2, b_s2, W_t2, b_t2):
    # DigaeSE: u = x.clone(); v = x.clone(); s, t = encoder(u, v, edge_index); cat([s, t], dim=1)
    # Encoder = DirectedGCNConvEncoder (DiGAE): two directed GCN layers with cross source/target updates.
    row0, col0 = edge_index[0], edge_index[1]
    loop = jnp.arange(N, dtype=row0.dtype)  # self_loops=True
    row = jnp.concatenate([row0, loop])
    col = jnp.concatenate([col0, loop])
    u = x
    v = x
    s_h = jax.nn.relu(_directed_gcn_conv(v, W_s1, b_s1, row, col, N))
    t_h = jax.nn.relu(_directed_gcn_conv(u, W_t1, b_t1, row, col, N))
    s = _directed_gcn_conv(t_h, W_s2, b_s2, row, col, N)
    t = _directed_gcn_conv(s_h, W_t2, b_t2, row, col, N)
    return jnp.concatenate([s, t], axis=1)

if __name__ == "__main__":
    import jax
    _d = setup_inputs()
    print(jax.jit(kernel)(*tuple(_d.values())))

</pallas_src>

<mosaic_0001>
#map = affine_map<(d0, d1) -> (0, 0, 0, 0)>
#map1 = affine_map<(d0, d1) -> (0, 0)>
module attributes {stable_mosaic.version = 14 : i64} {
  func.func @_sc_degrees(%arg0: i32, %arg1: i32, %arg2: memref<32x90x2x112xi32, #tpu.memory_space<hbm>>, %arg3: memref<2x10240xf32, #tpu.memory_space<hbm>>, %arg4: memref<2x10240xf32, #tpu.memory_space<hbm>>, %arg5: memref<90x2x112xi32, #tpu.memory_space<vmem>>, %arg6: memref<112xf32, #tpu.memory_space<vmem>>, %arg7: memref<112xf32, #tpu.memory_space<vmem>>, %arg8: memref<10240xf32, #tpu.memory_space<vmem_shared>>, %arg9: memref<10240xf32, #tpu.memory_space<vmem_shared>>) attributes {dimension_semantics = [#tpu.dimension_semantics<core_parallel>, #tpu.dimension_semantics<subcore_parallel>], iteration_bounds = array<i64: 2, 16>, scalar_prefetch = 0 : i64, scratch_operands = 5 : i64, tpu.core_type = #tpu.core_type<sc_vector_subcore>, window_params = [{transform_indices = #map}, {transform_indices = #map1}, {transform_indices = #map1}]} {
    %mul3A = arith.constant 16 : i32
    %mul3A_0 = arith.muli %arg0, %mul3A : i32
    %add3A = arith.addi %mul3A_0, %arg1 : i32
    %scan3A = arith.constant 0 : i32
    %scan3A_1 = arith.constant 7 : i32
    %scan3A_2 = arith.addi %scan3A, %scan3A_1 : i32
    %scan3A_3 = arith.constant 1 : i32
    scf.for %scan3A_18 = %scan3A to %scan3A_2 step %scan3A_3  : i32 {
      %broadcast_in_dim3A = arith.constant 1.000000e+00 : f32
      %broadcast_in_dim3A_19 = vector.broadcast %broadcast_in_dim3A : f32 to vector<16xf32>
      %mul3A_20 = arith.constant 16 : i32
      %mul3A_21 = arith.muli %scan3A_18, %mul3A_20 : i32
      %swap3A = arith.index_cast %mul3A_21 : i32 to index
      %swap3A_22 = tpu.vector_load %arg6[%swap3A] {strides = array<i32>} : memref<112xf32, #tpu.memory_space<vmem>>, vector<16xf32>,
      %swap3A_23 = vector.shape_cast %swap3A_22 : vector<16xf32> to vector<16xf32>
      %swap3A_24 = vector.shape_cast %broadcast_in_dim3A_19 : vector<16xf32> to vector<16xf32>
      tpu.vector_store %arg6[%swap3A], %swap3A_24 {strides = array<i32>} : memref<112xf32, #tpu.memory_space<vmem>>, vector<16xf32>,
      %broadcast_in_dim3A_25 = arith.constant 0.000000e+00 : f32
      %broadcast_in_dim3A_26 = vector.broadcast %broadcast_in_dim3A_25 : f32 to vector<16xf32>
      %mul3A_27 = arith.constant 16 : i32
      %mul3A_28 = arith.muli %scan3A_18, %mul3A_27 : i32
      %swap3A_29 = arith.index_cast %mul3A_28 : i32 to index
      %swap3A_30 = tpu.vector_load %arg7[%swap3A_29] {strides = array<i32>} : memref<112xf32, #tpu.memory_space<vmem>>, vector<16xf32>,
      %swap3A_31 = vector.shape_cast %swap3A_30 : vector<16xf32> to vector<16xf32>
      %swap3A_32 = vector.shape_cast %broadcast_in_dim3A_26 : vector<16xf32> to vector<16xf32>
      tpu.vector_store %arg7[%swap3A_29], %swap3A_32 {strides = array<i32>} : memref<112xf32, #tpu.memory_space<vmem>>, vector<16xf32>,
    }
    %scan3A_4 = arith.constant 7 : i32
    %scan3A_5 = arith.constant 0 : i32
    %scan3A_6 = arith.constant 10 : i32
    %scan3A_7 = arith.addi %scan3A_5, %scan3A_6 : i32
    %scan3A_8 = arith.constant 1 : i32
    scf.for %scan3A_18 = %scan3A_5 to %scan3A_7 step %scan3A_8  : i32 {
      %mul3A_19 = arith.constant 640 : i32
      %mul3A_20 = arith.muli %arg1, %mul3A_19 : i32
      %mul3A_21 = arith.constant 64 : i32
      %mul3A_22 = arith.muli %scan3A_18, %mul3A_21 : i32
      %add3A_23 = arith.addi %mul3A_20, %mul3A_22 : i32
      "tpu.region"() ({
        %run_scoped3A = tpu.sem_alloc : memref<!tpu.dma_semaphore, #tpu.memory_space<semaphore_mem>>
        %dma_start3A = arith.constant 0 : i32
        %dma_start3A_24 = tpu.memref_slice %arg7[%dma_start3A] : memref<112xf32, #tpu.memory_space<vmem>> -> memref<64xf32, #tpu.memory_space<vmem>>
        %dma_start3A_25 = tpu.memref_slice %arg8[%add3A_23] : memref<10240xf32, #tpu.memory_space<vmem_shared>> -> memref<64xf32, #tpu.memory_space<vmem_shared>>
        %dma_start3A_26 = tpu.memref_slice %arg8[%add3A_23] : memref<10240xf32, #tpu.memory_space<vmem_shared>> -> memref<64xf32, #tpu.memory_space<vmem_shared>>
        %dma_start3A_27 = arith.constant 0 : i32
        %dma_start3A_28 = tpu.memref_slice %arg7[%dma_start3A_27] : memref<112xf32, #tpu.memory_space<vmem>> -> memref<64xf32, #tpu.memory_space<vmem>>
        tpu.enqueue_dma source(%dma_start3A_28 : memref<64xf32, #tpu.memory_space<vmem>>) target(%dma_start3A_26 : memref<64xf32, #tpu.memory_space<vmem_shared>>) target_semaphore(%run_scoped3A : memref<!tpu.dma_semaphore, #tpu.memory_space<semaphore_mem>>)
        %dma_wait3A = arith.constant 0 : i32
        %dma_wait3A_29 = tpu.memref_slice %arg7[%dma_wait3A] : memref<112xf32, #tpu.memory_space<vmem>> -> memref<64xf32, #tpu.memory_space<vmem>>
        %dma_wait3A_30 = tpu.memref_slice %arg8[%add3A_23] : memref<10240xf32, #tpu.memory_space<vmem_shared>> -> memref<64xf32, #tpu.memory_space<vmem_shared>>
        %dma_wait3A_31 = tpu.memref_slice %arg8[%add3A_23] : memref<10240xf32, #tpu.memory_space<vmem_shared>> -> memref<64xf32, #tpu.memory_space<vmem_shared>>
        %dma_wait3A_32 = arith.constant 0 : i32
        %dma_wait3A_33 = tpu.memref_slice %arg7[%dma_wait3A_32] : memref<112xf32, #tpu.memory_space<vmem>> -> memref<64xf32, #tpu.memory_space<vmem>>
        tpu.wait_dma2 semaphore(%run_scoped3A : memref<!tpu.dma_semaphore, #tpu.memory_space<semaphore_mem>>) src(%dma_wait3A_33 : memref<64xf32, #tpu.memory_space<vmem>>) dst(%dma_wait3A_31 : memref<64xf32, #tpu.memory_space<vmem_shared>>)
        tpu.yield
      }) : () -> ()
      "tpu.region"() ({
        %run_scoped3A = tpu.sem_alloc : memref<!tpu.dma_semaphore, #tpu.memory_space<semaphore_mem>>
        %dma_start3A = arith.constant 0 : i32
        %dma_start3A_24 = tpu.memref_slice %arg7[%dma_start3A] : memref<112xf32, #tpu.memory_space<vmem>> -> memref<64xf32, #tpu.memory_space<vmem>>
        %dma_start3A_25 = tpu.memref_slice %arg9[%add3A_23] : memref<10240xf32, #tpu.memory_space<vmem_shared>> -> memref<64xf32, #tpu.memory_space<vmem_shared>>
        %dma_start3A_26 = tpu.memref_slice %arg9[%add3A_23] : memref<10240xf32, #tpu.memory_space<vmem_shared>> -> memref<64xf32, #tpu.memory_space<vmem_shared>>
        %dma_start3A_27 = arith.constant 0 : i32
        %dma_start3A_28 = tpu.memref_slice %arg7[%dma_start3A_27] : memref<112xf32, #tpu.memory_space<vmem>> -> memref<64xf32, #tpu.memory_space<vmem>>
        tpu.enqueue_dma source(%dma_start3A_28 : memref<64xf32, #tpu.memory_space<vmem>>) target(%dma_start3A_26 : memref<64xf32, #tpu.memory_space<vmem_shared>>) target_semaphore(%run_scoped3A : memref<!tpu.dma_semaphore, #tpu.memory_space<semaphore_mem>>)
        %dma_wait3A = arith.constant 0 : i32
        %dma_wait3A_29 = tpu.memref_slice %arg7[%dma_wait3A] : memref<112xf32, #tpu.memory_space<vmem>> -> memref<64xf32, #tpu.memory_space<vmem>>
        %dma_wait3A_30 = tpu.memref_slice %arg9[%add3A_23] : memref<10240xf32, #tpu.memory_space<vmem_shared>> -> memref<64xf32, #tpu.memory_space<vmem_shared>>
        %dma_wait3A_31 = tpu.memref_slice %arg9[%add3A_23] : memref<10240xf32, #tpu.memory_space<vmem_shared>> -> memref<64xf32, #tpu.memory_space<vmem_shared>>
        %dma_wait3A_32 = arith.constant 0 : i32
        %dma_wait3A_33 = tpu.memref_slice %arg7[%dma_wait3A_32] : memref<112xf32, #tpu.memory_space<vmem>> -> memref<64xf32, #tpu.memory_space<vmem>>
        tpu.wait_dma2 semaphore(%run_scoped3A : memref<!tpu.dma_semaphore, #tpu.memory_space<semaphore_mem>>) src(%dma_wait3A_33 : memref<64xf32, #tpu.memory_space<vmem>>) dst(%dma_wait3A_31 : memref<64xf32, #tpu.memory_space<vmem_shared>>)
        tpu.yield
      }) : () -> ()
    }
    %scan3A_9 = arith.constant 10 : i32
    "tpu.region"() ({
      %run_scoped3A = tpu.sem_alloc : memref<!tpu.dma_semaphore, #tpu.memory_space<semaphore_mem>>
      %dma_start3A = arith.constant 0 : i32
      %dma_start3A_18 = arith.constant 0 : i32
      %dma_start3A_19 = arith.constant 0 : i32
      %dma_start3A_20 = tpu.memref_slice %arg2[%add3A, %dma_start3A, %dma_start3A_18, %dma_start3A_19] : memref<32x90x2x112xi32, #tpu.memory_space<hbm>> -> memref<1x90x2x112xi32, #tpu.memory_space<hbm>>
      %dma_start3A_21 = tpu.memref_squeeze %dma_start3A_20 : memref<1x90x2x112xi32, #tpu.memory_space<hbm>> -> memref<90x2x112xi32, #tpu.memory_space<hbm>>
      %dma_start3A_22 = arith.constant 0 : i32
      %dma_start3A_23 = arith.constant 0 : i32
      %dma_start3A_24 = arith.constant 0 : i32
      %dma_start3A_25 = tpu.memref_slice %arg2[%add3A, %dma_start3A_22, %dma_start3A_23, %dma_start3A_24] : memref<32x90x2x112xi32, #tpu.memory_space<hbm>> -> memref<1x90x2x112xi32, #tpu.memory_space<hbm>>
      %dma_start3A_26 = tpu.memref_squeeze %dma_start3A_25 : memref<1x90x2x112xi32, #tpu.memory_space<hbm>> -> memref<90x2x112xi32, #tpu.memory_space<hbm>>
      tpu.enqueue_dma source(%dma_start3A_26 : memref<90x2x112xi32, #tpu.memory_space<hbm>>) target(%arg5 : memref<90x2x112xi32, #tpu.memory_space<vmem>>) target_semaphore(%run_scoped3A : memref<!tpu.dma_semaphore, #tpu.memory_space<semaphore_mem>>)
      %dma_wait3A = arith.constant 0 : i32
      %dma_wait3A_27 = arith.constant 0 : i32
      %dma_wait3A_28 = arith.constant 0 : i32
      %dma_wait3A_29 = tpu.memref_slice %arg2[%add3A, %dma_wait3A, %dma_wait3A_27, %dma_wait3A_28] : memref<32x90x2x112xi32, #tpu.memory_space<hbm>> -> memref<1x90x2x112xi32, #tpu.memory_space<hbm>>
      %dma_wait3A_30 = tpu.memref_squeeze %dma_wait3A_29 : memref<1x90x2x112xi32, #tpu.memory_space<hbm>> -> memref<90x2x112xi32, #tpu.memory_space<hbm>>
      %dma_wait3A_31 = arith.constant 0 : i32
      %dma_wait3A_32 = arith.constant 0 : i32
      %dma_wait3A_33 = arith.constant 0 : i32
      %dma_wait3A_34 = tpu.memref_slice %arg2[%add3A, %dma_wait3A_31, %dma_wait3A_32, %dma_wait3A_33] : memref<32x90x2x112xi32, #tpu.memory_space<hbm>> -> memref<1x90x2x112xi32, #tpu.memory_space<hbm>>
      %dma_wait3A_35 = tpu.memref_squeeze %dma_wait3A_34 : memref<1x90x2x112xi32, #tpu.memory_space<hbm>> -> memref<90x2x112xi32, #tpu.memory_space<hbm>>
      tpu.wait_dma2 semaphore(%run_scoped3A : memref<!tpu.dma_semaphore, #tpu.memory_space<semaphore_mem>>) src(%dma_wait3A_35 : memref<90x2x112xi32, #tpu.memory_space<hbm>>) dst(%arg5 : memref<90x2x112xi32, #tpu.memory_space<vmem>>)
      tpu.yield
    }) : () -> ()
    %barrier3A = arith.constant 0 : index
    tpu.barrier barrier_id(%barrier3A)
    %scan3A_10 = arith.constant 0 : i32
    %scan3A_11 = arith.constant 90 : i32
    %scan3A_12 = arith.addi %scan3A_10, %scan3A_11 : i32
    %scan3A_13 = arith.constant 1 : i32
    scf.for %scan3A_18 = %scan3A_10 to %scan3A_12 step %scan3A_13  : i32 {
      %run_scoped3A = arith.constant 1 : i32
      "tpu.region"() ({
        %run_scoped3A_20 = tpu.sem_alloc : memref<!tpu.dma_semaphore, #tpu.memory_space<semaphore_mem>>
        %dma_start3A = arith.constant 0 : i32
        %dma_start3A_21 = tpu.memref_slice %arg5[%scan3A_18, %run_scoped3A, %dma_start3A] : memref<90x2x112xi32, #tpu.memory_space<vmem>> -> memref<1x1x112xi32, #tpu.memory_space<vmem>>
        %dma_start3A_22 = tpu.memref_squeeze %dma_start3A_21 : memref<1x1x112xi32, #tpu.memory_space<vmem>> -> memref<112xi32, #tpu.memory_space<vmem>>
        %dma_start3A_23 = arith.constant 0 : i32
        %dma_start3A_24 = tpu.memref_slice %arg8[%dma_start3A_23] : memref<10240xf32, #tpu.memory_space<vmem_shared>> -> memref<10240xf32, #tpu.memory_space<vmem_shared>>
        tpu.enqueue_indirect_dma source(%arg6 : memref<112xf32, #tpu.memory_space<vmem>>) target(%dma_start3A_24 : memref<10240xf32, #tpu.memory_space<vmem_shared>>) offsets(%dma_start3A_22 : memref<112xi32, #tpu.memory_space<vmem>>) semaphore(%run_scoped3A_20 : memref<!tpu.dma_semaphore, #tpu.memory_space<semaphore_mem>>) {add = true}
        %dma_wait3A = arith.constant 0 : i32
        %dma_wait3A_25 = tpu.memref_slice %arg5[%scan3A_18, %run_scoped3A, %dma_wait3A] : memref<90x2x112xi32, #tpu.memory_space<vmem>> -> memref<1x1x112xi32, #tpu.memory_space<vmem>>
        %dma_wait3A_26 = tpu.memref_squeeze %dma_wait3A_25 : memref<1x1x112xi32, #tpu.memory_space<vmem>> -> memref<112xi32, #tpu.memory_space<vmem>>
        %dma_wait3A_27 = arith.constant 0 : i32
        %dma_wait3A_28 = tpu.memref_slice %arg8[%dma_wait3A_27] : memref<10240xf32, #tpu.memory_space<vmem_shared>> -> memref<10240xf32, #tpu.memory_space<vmem_shared>>
        tpu.wait_indirect_dma semaphore(%run_scoped3A_20 : memref<!tpu.dma_semaphore, #tpu.memory_space<semaphore_mem>>) src(%arg6 : memref<112xf32, #tpu.memory_space<vmem>>) dst(%dma_wait3A_28 : memref<10240xf32, #tpu.memory_space<vmem_shared>>)
        tpu.yield
      }) : () -> ()
      %run_scoped3A_19 = arith.constant 0 : i32
      "tpu.region"() ({
        %run_scoped3A_20 = tpu.sem_alloc : memref<!tpu.dma_semaphore, #tpu.memory_space<semaphore_mem>>
        %dma_start3A = arith.constant 0 : i32
        %dma_start3A_21 = tpu.memref_slice %arg5[%scan3A_18, %run_scoped3A_19, %dma_start3A] : memref<90x2x112xi32, #tpu.memory_space<vmem>> -> memref<1x1x112xi32, #tpu.memory_space<vmem>>
        %dma_start3A_22 = tpu.memref_squeeze %dma_start3A_21 : memref<1x1x112xi32, #tpu.memory_space<vmem>> -> memref<112xi32, #tpu.memory_space<vmem>>
        %dma_start3A_23 = arith.constant 0 : i32
        %dma_start3A_24 = tpu.memref_slice %arg9[%dma_start3A_23] : memref<10240xf32, #tpu.memory_space<vmem_shared>> -> memref<10240xf32, #tpu.memory_space<vmem_shared>>
        tpu.enqueue_indirect_dma source(%arg6 : memref<112xf32, #tpu.memory_space<vmem>>) target(%dma_start3A_24 : memref<10240xf32, #tpu.memory_space<vmem_shared>>) offsets(%dma_start3A_22 : memref<112xi32, #tpu.memory_space<vmem>>) semaphore(%run_scoped3A_20 : memref<!tpu.dma_semaphore, #tpu.memory_space<semaphore_mem>>) {add = true}
        %dma_wait3A = arith.constant 0 : i32
        %dma_wait3A_25 = tpu.memref_slice %arg5[%scan3A_18, %run_scoped3A_19, %dma_wait3A] : memref<90x2x112xi32, #tpu.memory_space<vmem>> -> memref<1x1x112xi32, #tpu.memory_space<vmem>>
        %dma_wait3A_26 = tpu.memref_squeeze %dma_wait3A_25 : memref<1x1x112xi32, #tpu.memory_space<vmem>> -> memref<112xi32, #tpu.memory_space<vmem>>
        %dma_wait3A_27 = arith.constant 0 : i32
        %dma_wait3A_28 = tpu.memref_slice %arg9[%dma_wait3A_27] : memref<10240xf32, #tpu.memory_space<vmem_shared>> -> memref<10240xf32, #tpu.memory_space<vmem_shared>>
        tpu.wait_indirect_dma semaphore(%run_scoped3A_20 : memref<!tpu.dma_semaphore, #tpu.memory_space<semaphore_mem>>) src(%arg6 : memref<112xf32, #tpu.memory_space<vmem>>) dst(%dma_wait3A_28 : memref<10240xf32, #tpu.memory_space<vmem_shared>>)
        tpu.yield
      }) : () -> ()
    }
    %scan3A_14 = arith.constant 90 : i32
    %barrier3A_15 = arith.constant 0 : index
    tpu.barrier barrier_id(%barrier3A_15)
    %mul3A_16 = arith.constant 640 : i32
    %mul3A_17 = arith.muli %arg1, %mul3A_16 : i32
    "tpu.region"() ({
      %run_scoped3A = tpu.sem_alloc : memref<!tpu.dma_semaphore, #tpu.memory_space<semaphore_mem>>
      %dma_start3A = tpu.memref_slice %arg3[%arg0, %mul3A_17] : memref<2x10240xf32, #tpu.memory_space<hbm>> -> memref<1x640xf32, #tpu.memory_space<hbm>>
      %dma_start3A_18 = tpu.memref_squeeze %dma_start3A : memref<1x640xf32, #tpu.memory_space<hbm>> -> memref<640xf32, #tpu.memory_space<hbm>>
      %dma_start3A_19 = tpu.memref_slice %arg8[%mul3A_17] : memref<10240xf32, #tpu.memory_space<vmem_shared>> -> memref<640xf32, #tpu.memory_space<vmem_shared>>
      tpu.enqueue_dma source(%dma_start3A_19 : memref<640xf32, #tpu.memory_space<vmem_shared>>) target(%dma_start3A_18 : memref<640xf32, #tpu.memory_space<hbm>>) target_semaphore(%run_scoped3A : memref<!tpu.dma_semaphore, #tpu.memory_space<semaphore_mem>>)
      %dma_wait3A = tpu.memref_slice %arg3[%arg0, %mul3A_17] : memref<2x10240xf32, #tpu.memory_space<hbm>> -> memref<1x640xf32, #tpu.memory_space<hbm>>
      %dma_wait3A_20 = tpu.memref_squeeze %dma_wait3A : memref<1x640xf32, #tpu.memory_space<hbm>> -> memref<640xf32, #tpu.memory_space<hbm>>
      %dma_wait3A_21 = tpu.memref_slice %arg8[%mul3A_17] : memref<10240xf32, #tpu.memory_space<vmem_shared>> -> memref<640xf32, #tpu.memory_space<vmem_shared>>
      tpu.wait_dma2 semaphore(%run_scoped3A : memref<!tpu.dma_semaphore, #tpu.memory_space<semaphore_mem>>) src(%dma_wait3A_21 : memref<640xf32, #tpu.memory_space<vmem_shared>>) dst(%dma_wait3A_20 : memref<640xf32, #tpu.memory_space<hbm>>)
      tpu.yield
    }) : () -> ()
    "tpu.region"() ({
      %run_scoped3A = tpu.sem_alloc : memref<!tpu.dma_semaphore, #tpu.memory_space<semaphore_mem>>
      %dma_start3A = tpu.memref_slice %arg4[%arg0, %mul3A_17] : memref<2x10240xf32, #tpu.memory_space<hbm>> -> memref<1x640xf32, #tpu.memory_space<hbm>>
      %dma_start3A_18 = tpu.memref_squeeze %dma_start3A : memref<1x640xf32, #tpu.memory_space<hbm>> -> memref<640xf32, #tpu.memory_space<hbm>>
      %dma_start3A_19 = tpu.memref_slice %arg9[%mul3A_17] : memref<10240xf32, #tpu.memory_space<vmem_shared>> -> memref<640xf32, #tpu.memory_space<vmem_shared>>
      tpu.enqueue_dma source(%dma_start3A_19 : memref<640xf32, #tpu.memory_space<vmem_shared>>) target(%dma_start3A_18 : memref<640xf32, #tpu.memory_space<hbm>>) target_semaphore(%run_scoped3A : memref<!tpu.dma_semaphore, #tpu.memory_space<semaphore_mem>>)
      %dma_wait3A = tpu.memref_slice %arg4[%arg0, %mul3A_17] : memref<2x10240xf32, #tpu.memory_space<hbm>> -> memref<1x640xf32, #tpu.memory_space<hbm>>
      %dma_wait3A_20 = tpu.memref_squeeze %dma_wait3A : memref<1x640xf32, #tpu.memory_space<hbm>> -> memref<640xf32, #tpu.memory_space<hbm>>
      %dma_wait3A_21 = tpu.memref_slice %arg9[%mul3A_17] : memref<10240xf32, #tpu.memory_space<vmem_shared>> -> memref<640xf32, #tpu.memory_space<vmem_shared>>
      tpu.wait_dma2 semaphore(%run_scoped3A : memref<!tpu.dma_semaphore, #tpu.memory_space<semaphore_mem>>) src(%dma_wait3A_21 : memref<640xf32, #tpu.memory_space<vmem_shared>>) dst(%dma_wait3A_20 : memref<640xf32, #tpu.memory_space<hbm>>)
      tpu.yield
    }) : () -> ()
    return
  }
}

#map = affine_map<(d0, d1) -> (0, 0)>
#map1 = affine_map<(d0, d1) -> (0, 0, 0, 0)>
#map2 = affine_map<(d0, d1) -> (0)>
#map3 = affine_map<(d0, d1) -> (0, 0, 0)>
module attributes {stable_mosaic.version = 14 : i64} {
  func.func @body(%arg0: i32, %arg1: i32, %arg2: memref<10240x128xf32, #tpu.memory_space<hbm>>, %arg3: memref<32x90x2x112xi32, #tpu.memory_space<hbm>>, %arg4: memref<10240xf32, #tpu.memory_space<hbm>>, %arg5: memref<2x10240x128xf32, #tpu.memory_space<hbm>>, %arg6: memref<2x10240xf32, #tpu.memory_space<hbm>>, %arg7: memref<2x112xi32, #tpu.memory_space<vmem>>, %arg8: memref<2x112xi32, #tpu.memory_space<vmem>>, %arg9: memref<112x128xf32, #tpu.memory_space<vmem>>, %arg10: memref<112x128xf32, #tpu.memory_space<vmem>>, %arg11: memref<10240x128xf32, #tpu.memory_space<vmem_shared>>, %arg12: memref<!tpu.dma_semaphore, #tpu.memory_space<semaphore_mem>>, %arg13: memref<!tpu.dma_semaphore, #tpu.memory_space<semaphore_mem>>, %arg14: memref<!tpu.dma_semaphore, #tpu.memory_space<semaphore_mem>>, %arg15: memref<!tpu.dma_semaphore, #tpu.memory_space<semaphore_mem>>, %arg16: memref<112xf32, #tpu.memory_space<vmem>>, %arg17: memref<112xf32, #tpu.memory_space<vmem>>, %arg18: memref<10240xf32, #tpu.memory_space<vmem_shared>>) attributes {dimension_semantics = [#tpu.dimension_semantics<core_parallel>, #tpu.dimension_semantics<subcore_parallel>], iteration_bounds = array<i64: 2, 16>, scalar_prefetch = 0 : i64, scratch_operands = 12 : i64, tpu.core_type = #tpu.core_type<sc_vector_subcore>, window_params = [{transform_indices = #map}, {transform_indices = #map1}, {transform_indices = #map2}, {transform_indices = #map3}, {transform_indices = #map}]} {
    %mul3A = arith.constant 16 : i32
    %mul3A_0 = arith.muli %arg0, %mul3A : i32
    %add3A = arith.addi %mul3A_0, %arg1 : i32
    %scan3A = arith.constant 0 : i32
    %scan3A_1 = arith.constant 112 : i32
    %scan3A_2 = arith.addi %scan3A, %scan3A_1 : i32
    %scan3A_3 = arith.constant 1 : i32
    scf.for %scan3A_48 = %scan3A to %scan3A_2 step %scan3A_3  : i32 {
      %broadcast_in_dim3A = arith.constant 0.000000e+00 : f32
      %broadcast_in_dim3A_49 = vector.broadcast %broadcast_in_dim3A : f32 to vector<16xf32>
      %swap3A = arith.index_cast %scan3A_48 : i32 to index
      %swap3A_50 = arith.constant 0 : index
      %swap3A_51 = tpu.vector_load %arg9[%swap3A, %swap3A_50] {strides = array<i32>} : memref<112x128xf32, #tpu.memory_space<vmem>>, vector<1x16xf32>,
      %swap3A_52 = vector.shape_cast %swap3A_51 : vector<1x16xf32> to vector<16xf32>
      %swap3A_53 = vector.shape_cast %broadcast_in_dim3A_49 : vector<16xf32> to vector<1x16xf32>
      tpu.vector_store %arg9[%swap3A, %swap3A_50], %swap3A_53 {strides = array<i32>} : memref<112x128xf32, #tpu.memory_space<vmem>>, vector<1x16xf32>,
      %broadcast_in_dim3A_54 = arith.constant 0.000000e+00 : f32
      %broadcast_in_dim3A_55 = vector.broadcast %broadcast_in_dim3A_54 : f32 to vector<16xf32>
      %swap3A_56 = arith.index_cast %scan3A_48 : i32 to index
      %swap3A_57 = arith.constant 16 : index
      %swap3A_58 = tpu.vector_load %arg9[%swap3A_56, %swap3A_57] {strides = array<i32>} : memref<112x128xf32, #tpu.memory_space<vmem>>, vector<1x16xf32>,
      %swap3A_59 = vector.shape_cast %swap3A_58 : vector<1x16xf32> to vector<16xf32>
      %swap3A_60 = vector.shape_cast %broadcast_in_dim3A_55 : vector<16xf32> to vector<1x16xf32>
      tpu.vector_store %arg9[%swap3A_56, %swap3A_57], %swap3A_60 {strides = array<i32>} : memref<112x128xf32, #tpu.memory_space<vmem>>, vector<1x16xf32>,
      %broadcast_in_dim3A_61 = arith.constant 0.000000e+00 : f32
      %broadcast_in_dim3A_62 = vector.broadcast %broadcast_in_dim3A_61 : f32 to vector<16xf32>
      %swap3A_63 = arith.index_cast %scan3A_48 : i32 to index
      %swap3A_64 = arith.constant 32 : index
      %swap3A_65 = tpu.vector_load %arg9[%swap3A_63, %swap3A_64] {strides = array<i32>} : memref<112x128xf32, #tpu.memory_space<vmem>>, vector<1x16xf32>,
      %swap3A_66 = vector.shape_cast %swap3A_65 : vector<1x16xf32> to vector<16xf32>
      %swap3A_67 = vector.shape_cast %broadcast_in_dim3A_62 : vector<16xf32> to vector<1x16xf32>
      tpu.vector_store %arg9[%swap3A_63, %swap3A_64], %swap3A_67 {strides = array<i32>} : memref<112x128xf32, #tpu.memory_space<vmem>>, vector<1x16xf32>,
      %broadcast_in_dim3A_68 = arith.constant 0.000000e+00 : f32
      %broadcast_in_dim3A_69 = vector.broadcast %broadcast_in_dim3A_68 : f32 to vector<16xf32>
      %swap3A_70 = arith.index_cast %scan3A_48 : i32 to index
      %swap3A_71 = arith.constant 48 : index
      %swap3A_72 = tpu.vector_load %arg9[%swap3A_70, %swap3A_71] {strides = array<i32>} : memref<112x128xf32, #tpu.memory_space<vmem>>, vector<1x16xf32>,
      %swap3A_73 = vector.shape_cast %swap3A_72 : vector<1x16xf32> to vector<16xf32>
      %swap3A_74 = vector.shape_cast %broadcast_in_dim3A_69 : vector<16xf32> to vector<1x16xf32>
      tpu.vector_store %arg9[%swap3A_70, %swap3A_71], %swap3A_74 {strides = array<i32>} : memref<112x128xf32, #tpu.memory_space<vmem>>, vector<1x16xf32>,
      %broadcast_in_dim3A_75 = arith.constant 0.000000e+00 : f32
      %broadcast_in_dim3A_76 = vector.broadcast %broadcast_in_dim3A_75 : f32 to vector<16xf32>
      %swap3A_77 = arith.index_cast %scan3A_48 : i32 to index
      %swap3A_78 = arith.constant 64 : index
      %swap3A_79 = tpu.vector_load %arg9[%swap3A_77, %swap3A_78] {strides = array<i32>} : memref<112x128xf32, #tpu.memory_space<vmem>>, vector<1x16xf32>,
      %swap3A_80 = vector.shape_cast %swap3A_79 : vector<1x16xf32> to vector<16xf32>
      %swap3A_81 = vector.shape_cast %broadcast_in_dim3A_76 : vector<16xf32> to vector<1x16xf32>
      tpu.vector_store %arg9[%swap3A_77, %swap3A_78], %swap3A_81 {strides = array<i32>} : memref<112x128xf32, #tpu.memory_space<vmem>>, vector<1x16xf32>,
      %broadcast_in_dim3A_82 = arith.constant 0.000000e+00 : f32
      %broadcast_in_dim3A_83 = vector.broadcast %broadcast_in_dim3A_82 : f32 to vector<16xf32>
      %swap3A_84 = arith.index_cast %scan3A_48 : i32 to index
      %swap3A_85 = arith.constant 80 : index
      %swap3A_86 = tpu.vector_load %arg9[%swap3A_84, %swap3A_85] {strides = array<i32>} : memref<112x128xf32, #tpu.memory_space<vmem>>, vector<1x16xf32>,
      %swap3A_87 = vector.shape_cast %swap3A_86 : vector<1x16xf32> to vector<16xf32>
      %swap3A_88 = vector.shape_cast %broadcast_in_dim3A_83 : vector<16xf32> to vector<1x16xf32>
      tpu.vector_store %arg9[%swap3A_84, %swap3A_85], %swap3A_88 {strides = array<i32>} : memref<112x128xf32, #tpu.memory_space<vmem>>, vector<1x16xf32>,
      %broadcast_in_dim3A_89 = arith.constant 0.000000e+00 : f32
      %broadcast_in_dim3A_90 = vector.broadcast %broadcast_in_dim3A_89 : f32 to vector<16xf32>
      %swap3A_91 = arith.index_cast %scan3A_48 : i32 to index
      %swap3A_92 = arith.constant 96 : index
      %swap3A_93 = tpu.vector_load %arg9[%swap3A_91, %swap3A_92] {strides = array<i32>} : memref<112x128xf32, #tpu.memory_space<vmem>>, vector<1x16xf32>,
      %swap3A_94 = vector.shape_cast %swap3A_93 : vector<1x16xf32> to vector<16xf32>
      %swap3A_95 = vector.shape_cast %broadcast_in_dim3A_90 : vector<16xf32> to vector<1x16xf32>
      tpu.vector_store %arg9[%swap3A_91, %swap3A_92], %swap3A_95 {strides = array<i32>} : memref<112x128xf32, #tpu.memory_space<vmem>>, vector<1x16xf32>,
      %broadcast_in_dim3A_96 = arith.constant 0.000000e+00 : f32
      %broadcast_in_dim3A_97 = vector.broadcast %broadcast_in_dim3A_96 : f32 to vector<16xf32>
      %swap3A_98 = arith.index_cast %scan3A_48 : i32 to index
      %swap3A_99 = arith.constant 112 : index
      %swap3A_100 = tpu.vector_load %arg9[%swap3A_98, %swap3A_99] {strides = array<i32>} : memref<112x128xf32, #tpu.memory_space<vmem>>, vector<1x16xf32>,
      %swap3A_101 = vector.shape_cast %swap3A_100 : vector<1x16xf32> to vector<16xf32>
      %swap3A_102 = vector.shape_cast %broadcast_in_dim3A_97 : vector<16xf32> to vector<1x16xf32>
      tpu.vector_store %arg9[%swap3A_98, %swap3A_99], %swap3A_102 {strides = array<i32>} : memref<112x128xf32, #tpu.memory_space<vmem>>, vector<1x16xf32>,
    }
    %scan3A_4 = arith.constant 112 : i32
    %scan3A_5 = arith.constant 0 : i32
    %scan3A_6 = arith.constant 10 : i32
    %scan3A_7 = arith.addi %scan3A_5, %scan3A_6 : i32
    %scan3A_8 = arith.constant 1 : i32
    scf.for %scan3A_48 = %scan3A_5 to %scan3A_7 step %scan3A_8  : i32 {
      %mul3A_49 = arith.constant 640 : i32
      %mul3A_50 = arith.muli %arg1, %mul3A_49 : i32
      %mul3A_51 = arith.constant 64 : i32
      %mul3A_52 = arith.muli %scan3A_48, %mul3A_51 : i32
      %add3A_53 = arith.addi %mul3A_50, %mul3A_52 : i32
      "tpu.region"() ({
        %run_scoped3A_54 = tpu.sem_alloc : memref<!tpu.dma_semaphore, #tpu.memory_space<semaphore_mem>>
        %dma_start3A_55 = arith.constant 0 : i32
        %dma_start3A_56 = arith.constant 0 : i32
        %dma_start3A_57 = tpu.memref_slice %arg9[%dma_start3A_55, %dma_start3A_56] : memref<112x128xf32, #tpu.memory_space<vmem>> -> memref<64x128xf32, #tpu.memory_space<vmem>>
        %dma_start3A_58 = arith.constant 0 : i32
        %dma_start3A_59 = tpu.memref_slice %arg11[%add3A_53, %dma_start3A_58] : memref<10240x128xf32, #tpu.memory_space<vmem_shared>> -> memref<64x128xf32, #tpu.memory_space<vmem_shared>>
        %dma_start3A_60 = arith.constant 0 : i32
        %dma_start3A_61 = tpu.memref_slice %arg11[%add3A_53, %dma_start3A_60] : memref<10240x128xf32, #tpu.memory_space<vmem_shared>> -> memref<64x128xf32, #tpu.memory_space<vmem_shared>>
        %dma_start3A_62 = arith.constant 0 : i32
        %dma_start3A_63 = arith.constant 0 : i32
        %dma_start3A_64 = tpu.memref_slice %arg9[%dma_start3A_62, %dma_start3A_63] : memref<112x128xf32, #tpu.memory_space<vmem>> -> memref<64x128xf32, #tpu.memory_space<vmem>>
        tpu.enqueue_dma source(%dma_start3A_64 : memref<64x128xf32, #tpu.memory_space<vmem>>) target(%dma_start3A_61 : memref<64x128xf32, #tpu.memory_space<vmem_shared>>) target_semaphore(%run_scoped3A_54 : memref<!tpu.dma_semaphore, #tpu.memory_space<semaphore_mem>>)
        %dma_wait3A_65 = arith.constant 0 : i32
        %dma_wait3A_66 = arith.constant 0 : i32
        %dma_wait3A_67 = tpu.memref_slice %arg9[%dma_wait3A_65, %dma_wait3A_66] : memref<112x128xf32, #tpu.memory_space<vmem>> -> memref<64x128xf32, #tpu.memory_space<vmem>>
        %dma_wait3A_68 = arith.constant 0 : i32
        %dma_wait3A_69 = tpu.memref_slice %arg11[%add3A_53, %dma_wait3A_68] : memref<10240x128xf32, #tpu.memory_space<vmem_shared>> -> memref<64x128xf32, #tpu.memory_space<vmem_shared>>
        %dma_wait3A_70 = arith.constant 0 : i32
        %dma_wait3A_71 = tpu.memref_slice %arg11[%add3A_53, %dma_wait3A_70] : memref<10240x128xf32, #tpu.memory_space<vmem_shared>> -> memref<64x128xf32, #tpu.memory_space<vmem_shared>>
        %dma_wait3A_72 = arith.constant 0 : i32
        %dma_wait3A_73 = arith.constant 0 : i32
        %dma_wait3A_74 = tpu.memref_slice %arg9[%dma_wait3A_72, %dma_wait3A_73] : memref<112x128xf32, #tpu.memory_space<vmem>> -> memref<64x128xf32, #tpu.memory_space<vmem>>
        tpu.wait_dma2 semaphore(%run_scoped3A_54 : memref<!tpu.dma_semaphore, #tpu.memory_space<semaphore_mem>>) src(%dma_wait3A_74 : memref<64x128xf32, #tpu.memory_space<vmem>>) dst(%dma_wait3A_71 : memref<64x128xf32, #tpu.memory_space<vmem_shared>>)
        tpu.yield
      }) : () -> ()
    }
    %scan3A_9 = arith.constant 10 : i32
    %scan3A_10 = arith.constant 0 : i32
    %scan3A_11 = arith.constant 5 : i32
    %scan3A_12 = arith.addi %scan3A_10, %scan3A_11 : i32
    %scan3A_13 = arith.constant 1 : i32
    scf.for %scan3A_48 = %scan3A_10 to %scan3A_12 step %scan3A_13  : i32 {
      %mul3A_49 = arith.constant 640 : i32
      %mul3A_50 = arith.muli %arg1, %mul3A_49 : i32
      %mul3A_51 = arith.constant 128 : i32
      %mul3A_52 = arith.muli %scan3A_48, %mul3A_51 : i32
      %add3A_53 = arith.addi %mul3A_50, %mul3A_52 : i32
      %run_scoped3A_54 = arith.constant 0 : i32
      "tpu.region"() ({
        %run_scoped3A_55 = tpu.sem_alloc : memref<!tpu.dma_semaphore, #tpu.memory_space<semaphore_mem>>
        %dma_start3A_56 = arith.constant 0 : i32
        %dma_start3A_57 = tpu.memref_slice %arg9[%run_scoped3A_54, %dma_start3A_56] : memref<112x128xf32, #tpu.memory_space<vmem>> -> memref<1x128xf32, #tpu.memory_space<vmem>>
        %dma_start3A_58 = tpu.memref_squeeze %dma_start3A_57 : memref<1x128xf32, #tpu.memory_space<vmem>> -> memref<128xf32, #tpu.memory_space<vmem>>
        %dma_start3A_59 = tpu.memref_slice %arg18[%add3A_53] : memref<10240xf32, #tpu.memory_space<vmem_shared>> -> memref<128xf32, #tpu.memory_space<vmem_shared>>
        %dma_start3A_60 = tpu.memref_slice %arg18[%add3A_53] : memref<10240xf32, #tpu.memory_space<vmem_shared>> -> memref<128xf32, #tpu.memory_space<vmem_shared>>
        %dma_start3A_61 = arith.constant 0 : i32
        %dma_start3A_62 = tpu.memref_slice %arg9[%run_scoped3A_54, %dma_start3A_61] : memref<112x128xf32, #tpu.memory_space<vmem>> -> memref<1x128xf32, #tpu.memory_space<vmem>>
        %dma_start3A_63 = tpu.memref_squeeze %dma_start3A_62 : memref<1x128xf32, #tpu.memory_space<vmem>> -> memref<128xf32, #tpu.memory_space<vmem>>
        tpu.enqueue_dma source(%dma_start3A_63 : memref<128xf32, #tpu.memory_space<vmem>>) target(%dma_start3A_60 : memref<128xf32, #tpu.memory_space<vmem_shared>>) target_semaphore(%run_scoped3A_55 : memref<!tpu.dma_semaphore, #tpu.memory_space<semaphore_mem>>)
        %dma_wait3A_64 = arith.constant 0 : i32
        %dma_wait3A_65 = tpu.memref_slice %arg9[%run_scoped3A_54, %dma_wait3A_64] : memref<112x128xf32, #tpu.memory_space<vmem>> -> memref<1x128xf32, #tpu.memory_space<vmem>>
        %dma_wait3A_66 = tpu.memref_squeeze %dma_wait3A_65 : memref<1x128xf32, #tpu.memory_space<vmem>> -> memref<128xf32, #tpu.memory_space<vmem>>
        %dma_wait3A_67 = tpu.memref_slice %arg18[%add3A_53] : memref<10240xf32, #tpu.memory_space<vmem_shared>> -> memref<128xf32, #tpu.memory_space<vmem_shared>>
        %dma_wait3A_68 = tpu.memref_slice %arg18[%add3A_53] : memref<10240xf32, #tpu.memory_space<vmem_shared>> -> memref<128xf32, #tpu.memory_space<vmem_shared>>
        %dma_wait3A_69 = arith.constant 0 : i32
        %dma_wait3A_70 = tpu.memref_slice %arg9[%run_scoped3A_54, %dma_wait3A_69] : memref<112x128xf32, #tpu.memory_space<vmem>> -> memref<1x128xf32, #tpu.memory_space<vmem>>
        %dma_wait3A_71 = tpu.memref_squeeze %dma_wait3A_70 : memref<1x128xf32, #tpu.memory_space<vmem>> -> memref<128xf32, #tpu.memory_space<vmem>>
        tpu.wait_dma2 semaphore(%run_scoped3A_55 : memref<!tpu.dma_semaphore, #tpu.memory_space<semaphore_mem>>) src(%dma_wait3A_71 : memref<128xf32, #tpu.memory_space<vmem>>) dst(%dma_wait3A_68 : memref<128xf32, #tpu.memory_space<vmem_shared>>)
        tpu.yield
      }) : () -> ()
    }
    %scan3A_14 = arith.constant 5 : i32
    %barrier3A = arith.constant 0 : index
    tpu.barrier barrier_id(%barrier3A)
    %run_scoped3A = arith.constant 0 : i32
    "tpu.region"() ({
      %run_scoped3A_48 = tpu.sem_alloc : memref<!tpu.dma_semaphore, #tpu.memory_space<semaphore_mem>>
      %dma_start3A_49 = arith.constant 0 : i32
      %dma_start3A_50 = arith.constant 0 : i32
      %dma_start3A_51 = tpu.memref_slice %arg3[%add3A, %run_scoped3A, %dma_start3A_49, %dma_start3A_50] : memref<32x90x2x112xi32, #tpu.memory_space<hbm>> -> memref<1x1x2x112xi32, #tpu.memory_space<hbm>>
      %dma_start3A_52 = tpu.memref_squeeze %dma_start3A_51 : memref<1x1x2x112xi32, #tpu.memory_space<hbm>> -> memref<2x112xi32, #tpu.memory_space<hbm>>
      %dma_start3A_53 = arith.constant 0 : i32
      %dma_start3A_54 = arith.constant 0 : i32
      %dma_start3A_55 = tpu.memref_slice %arg3[%add3A, %run_scoped3A, %dma_start3A_53, %dma_start3A_54] : memref<32x90x2x112xi32, #tpu.memory_space<hbm>> -> memref<1x1x2x112xi32, #tpu.memory_space<hbm>>
      %dma_start3A_56 = tpu.memref_squeeze %dma_start3A_55 : memref<1x1x2x112xi32, #tpu.memory_space<hbm>> -> memref<2x112xi32, #tpu.memory_space<hbm>>
      tpu.enqueue_dma source(%dma_start3A_56 : memref<2x112xi32, #tpu.memory_space<hbm>>) target(%arg7 : memref<2x112xi32, #tpu.memory_space<vmem>>) target_semaphore(%run_scoped3A_48 : memref<!tpu.dma_semaphore, #tpu.memory_space<semaphore_mem>>)
      %dma_wait3A_57 = arith.constant 0 : i32
      %dma_wait3A_58 = arith.constant 0 : i32
      %dma_wait3A_59 = tpu.memref_slice %arg3[%add3A, %run_scoped3A, %dma_wait3A_57, %dma_wait3A_58] : memref<32x90x2x112xi32, #tpu.memory_space<hbm>> -> memref<1x1x2x112xi32, #tpu.memory_space<hbm>>
      %dma_wait3A_60 = tpu.memref_squeeze %dma_wait3A_59 : memref<1x1x2x112xi32, #tpu.memory_space<hbm>> -> memref<2x112xi32, #tpu.memory_space<hbm>>
      %dma_wait3A_61 = arith.constant 0 : i32
      %dma_wait3A_62 = arith.constant 0 : i32
      %dma_wait3A_63 = tpu.memref_slice %arg3[%add3A, %run_scoped3A, %dma_wait3A_61, %dma_wait3A_62] : memref<32x90x2x112xi32, #tpu.memory_space<hbm>> -> memref<1x1x2x112xi32, #tpu.memory_space<hbm>>
      %dma_wait3A_64 = tpu.memref_squeeze %dma_wait3A_63 : memref<1x1x2x112xi32, #tpu.memory_space<hbm>> -> memref<2x112xi32, #tpu.memory_space<hbm>>
      tpu.wait_dma2 semaphore(%run_scoped3A_48 : memref<!tpu.dma_semaphore, #tpu.memory_space<semaphore_mem>>) src(%dma_wait3A_64 : memref<2x112xi32, #tpu.memory_space<hbm>>) dst(%arg7 : memref<2x112xi32, #tpu.memory_space<vmem>>)
      tpu.yield
    }) : () -> ()
    %dma_start3A = arith.constant 0 : i32
    %dma_start3A_15 = arith.constant 0 : i32
    %dma_start3A_16 = tpu.memref_slice %arg7[%dma_start3A, %dma_start3A_15] : memref<2x112xi32, #tpu.memory_space<vmem>> -> memref<1x112xi32, #tpu.memory_space<vmem>>
    %dma_start3A_17 = tpu.memref_squeeze %dma_start3A_16 : memref<1x112xi32, #tpu.memory_space<vmem>> -> memref<112xi32, #tpu.memory_space<vmem>>
    %dma_start3A_18 = arith.constant 0 : i32
    %dma_start3A_19 = arith.constant 0 : i32
    %dma_start3A_20 = tpu.memref_slice %arg2[%dma_start3A_18, %dma_start3A_19] : memref<10240x128xf32, #tpu.memory_space<hbm>> -> memref<10240x128xf32, #tpu.memory_space<hbm>>
    tpu.enqueue_indirect_dma source(%dma_start3A_20 : memref<10240x128xf32, #tpu.memory_space<hbm>>) target(%arg9 : memref<112x128xf32, #tpu.memory_space<vmem>>) offsets(%dma_start3A_17 : memref<112xi32, #tpu.memory_space<vmem>>) semaphore(%arg12 : memref<!tpu.dma_semaphore, #tpu.memory_space<semaphore_mem>>)
    %dma_start3A_21 = arith.constant 0 : i32
    %dma_start3A_22 = arith.constant 0 : i32
    %dma_start3A_23 = tpu.memref_slice %arg7[%dma_start3A_21, %dma_start3A_22] : memref<2x112xi32, #tpu.memory_space<vmem>> -> memref<1x112xi32, #tpu.memory_space<vmem>>
    %dma_start3A_24 = tpu.memref_squeeze %dma_start3A_23 : memref<1x112xi32, #tpu.memory_space<vmem>> -> memref<112xi32, #tpu.memory_space<vmem>>
    %dma_start3A_25 = arith.constant 0 : i32
    %dma_start3A_26 = tpu.memref_slice %arg4[%dma_start3A_25] : memref<10240xf32, #tpu.memory_space<hbm>> -> memref<10240xf32, #tpu.memory_space<hbm>>
    tpu.enqueue_indirect_dma source(%dma_start3A_26 : memref<10240xf32, #tpu.memory_space<hbm>>) target(%arg16 : memref<112xf32, #tpu.memory_space<vmem>>) offsets(%dma_start3A_24 : memref<112xi32, #tpu.memory_space<vmem>>) semaphore(%arg12 : memref<!tpu.dma_semaphore, #tpu.memory_space<semaphore_mem>>)
    %run_scoped3A_27 = arith.constant 1 : i32
    "tpu.region"() ({
      %run_scoped3A_48 = tpu.sem_alloc : memref<!tpu.dma_semaphore, #tpu.memory_space<semaphore_mem>>
      %dma_start3A_49 = arith.constant 0 : i32
      %dma_start3A_50 = arith.constant 0 : i32
      %dma_start3A_51 = tpu.memref_slice %arg3[%add3A, %run_scoped3A_27, %dma_start3A_49, %dma_start3A_50] : memref<32x90x2x112xi32, #tpu.memory_space<hbm>> -> memref<1x1x2x112xi32, #tpu.memory_space<hbm>>
      %dma_start3A_52 = tpu.memref_squeeze %dma_start3A_51 : memref<1x1x2x112xi32, #tpu.memory_space<hbm>> -> memref<2x112xi32, #tpu.memory_space<hbm>>
      %dma_start3A_53 = arith.constant 0 : i32
      %dma_start3A_54 = arith.constant 0 : i32
      %dma_start3A_55 = tpu.memref_slice %arg3[%add3A, %run_scoped3A_27, %dma_start3A_53, %dma_start3A_54] : memref<32x90x2x112xi32, #tpu.memory_space<hbm>> -> memref<1x1x2x112xi32, #tpu.memory_space<hbm>>
      %dma_start3A_56 = tpu.memref_squeeze %dma_start3A_55 : memref<1x1x2x112xi32, #tpu.memory_space<hbm>> -> memref<2x112xi32, #tpu.memory_space<hbm>>
      tpu.enqueue_dma source(%dma_start3A_56 : memref<2x112xi32, #tpu.memory_space<hbm>>) target(%arg8 : memref<2x112xi32, #tpu.memory_space<vmem>>) target_semaphore(%run_scoped3A_48 : memref<!tpu.dma_semaphore, #tpu.memory_space<semaphore_mem>>)
      %dma_wait3A_57 = arith.constant 0 : i32
      %dma_wait3A_58 = arith.constant 0 : i32
      %dma_wait3A_59 = tpu.memref_slice %arg3[%add3A, %run_scoped3A_27, %dma_wait3A_57, %dma_wait3A_58] : memref<32x90x2x112xi32, #tpu.memory_space<hbm>> -> memref<1x1x2x112xi32, #tpu.memory_space<hbm>>
      %dma_wait3A_60 = tpu.memref_squeeze %dma_wait3A_59 : memref<1x1x2x112xi32, #tpu.memory_space<hbm>> -> memref<2x112xi32, #tpu.memory_space<hbm>>
      %dma_wait3A_61 = arith.constant 0 : i32
      %dma_wait3A_62 = arith.constant 0 : i32
      %dma_wait3A_63 = tpu.memref_slice %arg3[%add3A, %run_scoped3A_27, %dma_wait3A_61, %dma_wait3A_62] : memref<32x90x2x112xi32, #tpu.memory_space<hbm>> -> memref<1x1x2x112xi32, #tpu.memory_space<hbm>>
      %dma_wait3A_64 = tpu.memref_squeeze %dma_wait3A_63 : memref<1x1x2x112xi32, #tpu.memory_space<hbm>> -> memref<2x112xi32, #tpu.memory_space<hbm>>
      tpu.wait_dma2 semaphore(%run_scoped3A_48 : memref<!tpu.dma_semaphore, #tpu.memory_space<semaphore_mem>>) src(%dma_wait3A_64 : memref<2x112xi32, #tpu.memory_space<hbm>>) dst(%arg8 : memref<2x112xi32, #tpu.memory_space<vmem>>)
      tpu.yield
    }) : () -> ()
    %scan3A_28 = arith.constant 0 : i32
    %scan3A_29 = arith.constant 45 : i32
    %scan3A_30 = arith.addi %scan3A_28, %scan3A_29 : i32
    %scan3A_31 = arith.constant 1 : i32
    scf.for %scan3A_48 = %scan3A_28 to %scan3A_30 step %scan3A_31  : i32 {
      %mul3A_49 = arith.constant 2 : i32
      %mul3A_50 = arith.muli %mul3A_49, %scan3A_48 : i32
      %add3A_51 = arith.constant 2 : i32
      %add3A_52 = arith.addi %mul3A_50, %add3A_51 : i32
      %min3A = arith.constant 89 : i32
      %min3A_53 = arith.minsi %add3A_52, %min3A : i32
      %add3A_54 = arith.constant 3 : i32
      %add3A_55 = arith.addi %mul3A_50, %add3A_54 : i32
      %min3A_56 = arith.constant 89 : i32
      %min3A_57 = arith.minsi %add3A_55, %min3A_56 : i32
      %dma_start3A_58 = arith.constant 0 : i32
      %dma_start3A_59 = arith.constant 0 : i32
      %dma_start3A_60 = tpu.memref_slice %arg8[%dma_start3A_58, %dma_start3A_59] : memref<2x112xi32, #tpu.memory_space<vmem>> -> memref<1x112xi32, #tpu.memory_space<vmem>>
      %dma_start3A_61 = tpu.memref_squeeze %dma_start3A_60 : memref<1x112xi32, #tpu.memory_space<vmem>> -> memref<112xi32, #tpu.memory_space<vmem>>
      %dma_start3A_62 = arith.constant 0 : i32
      %dma_start3A_63 = arith.constant 0 : i32
      %dma_start3A_64 = tpu.memref_slice %arg2[%dma_start3A_62, %dma_start3A_63] : memref<10240x128xf32, #tpu.memory_space<hbm>> -> memref<10240x128xf32, #tpu.memory_space<hbm>>
      tpu.enqueue_indirect_dma source(%dma_start3A_64 : memref<10240x128xf32, #tpu.memory_space<hbm>>) target(%arg10 : memref<112x128xf32, #tpu.memory_space<vmem>>) offsets(%dma_start3A_61 : memref<112xi32, #tpu.memory_space<vmem>>) semaphore(%arg13 : memref<!tpu.dma_semaphore, #tpu.memory_space<semaphore_mem>>)
      %dma_start3A_65 = arith.constant 0 : i32
      %dma_start3A_66 = arith.constant 0 : i32
      %dma_start3A_67 = tpu.memref_slice %arg8[%dma_start3A_65, %dma_start3A_66] : memref<2x112xi32, #tpu.memory_space<vmem>> -> memref<1x112xi32, #tpu.memory_space<vmem>>
      %dma_start3A_68 = tpu.memref_squeeze %dma_start3A_67 : memref<1x112xi32, #tpu.memory_space<vmem>> -> memref<112xi32, #tpu.memory_space<vmem>>
      %dma_start3A_69 = arith.constant 0 : i32
      %dma_start3A_70 = tpu.memref_slice %arg4[%dma_start3A_69] : memref<10240xf32, #tpu.memory_space<hbm>> -> memref<10240xf32, #tpu.memory_space<hbm>>
      tpu.enqueue_indirect_dma source(%dma_start3A_70 : memref<10240xf32, #tpu.memory_space<hbm>>) target(%arg17 : memref<112xf32, #tpu.memory_space<vmem>>) offsets(%dma_start3A_68 : memref<112xi32, #tpu.memory_space<vmem>>) semaphore(%arg13 : memref<!tpu.dma_semaphore, #tpu.memory_space<semaphore_mem>>)
      %dma_wait3A_71 = arith.constant 0 : i32
      %dma_wait3A_72 = arith.constant 0 : i32
      %dma_wait3A_73 = tpu.memref_slice %arg7[%dma_wait3A_71, %dma_wait3A_72] : memref<2x112xi32, #tpu.memory_space<vmem>> -> memref<1x112xi32, #tpu.memory_space<vmem>>
      %dma_wait3A_74 = tpu.memref_squeeze %dma_wait3A_73 : memref<1x112xi32, #tpu.memory_space<vmem>> -> memref<112xi32, #tpu.memory_space<vmem>>
      %dma_wait3A_75 = arith.constant 0 : i32
      %dma_wait3A_76 = arith.constant 0 : i32
      %dma_wait3A_77 = tpu.memref_slice %arg2[%dma_wait3A_75, %dma_wait3A_76] : memref<10240x128xf32, #tpu.memory_space<hbm>> -> memref<10240x128xf32, #tpu.memory_space<hbm>>
      tpu.wait_indirect_dma semaphore(%arg12 : memref<!tpu.dma_semaphore, #tpu.memory_space<semaphore_mem>>) src(%dma_wait3A_77 : memref<10240x128xf32, #tpu.memory_space<hbm>>) dst(%arg9 : memref<112x128xf32, #tpu.memory_space<vmem>>)
      %dma_wait3A_78 = arith.constant 0 : i32
      %dma_wait3A_79 = arith.constant 0 : i32
      %dma_wait3A_80 = tpu.memref_slice %arg7[%dma_wait3A_78, %dma_wait3A_79] : memref<2x112xi32, #tpu.memory_space<vmem>> -> memref<1x112xi32, #tpu.memory_space<vmem>>
      %dma_wait3A_81 = tpu.memref_squeeze %dma_wait3A_80 : memref<1x112xi32, #tpu.memory_space<vmem>> -> memref<112xi32, #tpu.memory_space<vmem>>
      %dma_wait3A_82 = arith.constant 0 : i32
      %dma_wait3A_83 = tpu.memref_slice %arg4[%dma_wait3A_82] : memref<10240xf32, #tpu.memory_space<hbm>> -> memref<10240xf32, #tpu.memory_space<hbm>>
      tpu.wait_indirect_dma semaphore(%arg12 : memref<!tpu.dma_semaphore, #tpu.memory_space<semaphore_mem>>) src(%dma_wait3A_83 : memref<10240xf32, #tpu.memory_space<hbm>>) dst(%arg16 : memref<112xf32, #tpu.memory_space<vmem>>)
      %run_scoped3A_84 = arith.constant 1 : i32
      "tpu.region"() ({
        %run_scoped3A_146 = tpu.sem_alloc : memref<!tpu.dma_semaphore, #tpu.memory_space<semaphore_mem>>
        %dma_start3A_147 = arith.constant 0 : i32
        %dma_start3A_148 = tpu.memref_slice %arg7[%run_scoped3A_84, %dma_start3A_147] : memref<2x112xi32, #tpu.memory_space<vmem>> -> memref<1x112xi32, #tpu.memory_space<vmem>>
        %dma_start3A_149 = tpu.memref_squeeze %dma_start3A_148 : memref<1x112xi32, #tpu.memory_space<vmem>> -> memref<112xi32, #tpu.memory_space<vmem>>
        %dma_start3A_150 = arith.constant 0 : i32
        %dma_start3A_151 = arith.constant 0 : i32
        %dma_start3A_152 = tpu.memref_slice %arg11[%dma_start3A_150, %dma_start3A_151] : memref<10240x128xf32, #tpu.memory_space<vmem_shared>> -> memref<10240x128xf32, #tpu.memory_space<vmem_shared>>
        tpu.enqueue_indirect_dma source(%arg9 : memref<112x128xf32, #tpu.memory_space<vmem>>) target(%dma_start3A_152 : memref<10240x128xf32, #tpu.memory_space<vmem_shared>>) offsets(%dma_start3A_149 : memref<112xi32, #tpu.memory_space<vmem>>) semaphore(%run_scoped3A_146 : memref<!tpu.dma_semaphore, #tpu.memory_space<semaphore_mem>>) {add = true}
        %dma_wait3A_153 = arith.constant 0 : i32
        %dma_wait3A_154 = tpu.memref_slice %arg7[%run_scoped3A_84, %dma_wait3A_153] : memref<2x112xi32, #tpu.memory_space<vmem>> -> memref<1x112xi32, #tpu.memory_space<vmem>>
        %dma_wait3A_155 = tpu.memref_squeeze %dma_wait3A_154 : memref<1x112xi32, #tpu.memory_space<vmem>> -> memref<112xi32, #tpu.memory_space<vmem>>
        %dma_wait3A_156 = arith.constant 0 : i32
        %dma_wait3A_157 = arith.constant 0 : i32
        %dma_wait3A_158 = tpu.memref_slice %arg11[%dma_wait3A_156, %dma_wait3A_157] : memref<10240x128xf32, #tpu.memory_space<vmem_shared>> -> memref<10240x128xf32, #tpu.memory_space<vmem_shared>>
        tpu.wait_indirect_dma semaphore(%run_scoped3A_146 : memref<!tpu.dma_semaphore, #tpu.memory_space<semaphore_mem>>) src(%arg9 : memref<112x128xf32, #tpu.memory_space<vmem>>) dst(%dma_wait3A_158 : memref<10240x128xf32, #tpu.memory_space<vmem_shared>>)
        tpu.yield
      }) : () -> ()
      %run_scoped3A_85 = arith.constant 1 : i32
      "tpu.region"() ({
        %run_scoped3A_146 = tpu.sem_alloc : memref<!tpu.dma_semaphore, #tpu.memory_space<semaphore_mem>>
        %dma_start3A_147 = arith.constant 0 : i32
        %dma_start3A_148 = tpu.memref_slice %arg7[%run_scoped3A_85, %dma_start3A_147] : memref<2x112xi32, #tpu.memory_space<vmem>> -> memref<1x112xi32, #tpu.memory_space<vmem>>
        %dma_start3A_149 = tpu.memref_squeeze %dma_start3A_148 : memref<1x112xi32, #tpu.memory_space<vmem>> -> memref<112xi32, #tpu.memory_space<vmem>>
        %dma_start3A_150 = arith.constant 0 : i32
        %dma_start3A_151 = tpu.memref_slice %arg18[%dma_start3A_150] : memref<10240xf32, #tpu.memory_space<vmem_shared>> -> memref<10240xf32, #tpu.memory_space<vmem_shared>>
        tpu.enqueue_indirect_dma source(%arg16 : memref<112xf32, #tpu.memory_space<vmem>>) target(%dma_start3A_151 : memref<10240xf32, #tpu.memory_space<vmem_shared>>) offsets(%dma_start3A_149 : memref<112xi32, #tpu.memory_space<vmem>>) semaphore(%run_scoped3A_146 : memref<!tpu.dma_semaphore, #tpu.memory_space<semaphore_mem>>) {add = true}
        %dma_wait3A_152 = arith.constant 0 : i32
        %dma_wait3A_153 = tpu.memref_slice %arg7[%run_scoped3A_85, %dma_wait3A_152] : memref<2x112xi32, #tpu.memory_space<vmem>> -> memref<1x112xi32, #tpu.memory_space<vmem>>
        %dma_wait3A_154 = tpu.memref_squeeze %dma_wait3A_153 : memref<1x112xi32, #tpu.memory_space<vmem>> -> memref<112xi32, #tpu.memory_space<vmem>>
        %dma_wait3A_155 = arith.constant 0 : i32
        %dma_wait3A_156 = tpu.memref_slice %arg18[%dma_wait3A_155] : memref<10240xf32, #tpu.memory_space<vmem_shared>> -> memref<10240xf32, #tpu.memory_space<vmem_shared>>
        tpu.wait_indirect_dma semaphore(%run_scoped3A_146 : memref<!tpu.dma_semaphore, #tpu.memory_space<semaphore_mem>>) src(%arg16 : memref<112xf32, #tpu.memory_space<vmem>>) dst(%dma_wait3A_156 : memref<10240xf32, #tpu.memory_space<vmem_shared>>)
        tpu.yield
      }) : () -> ()
      %dma_start3A_86 = arith.constant 0 : i32
      %dma_start3A_87 = arith.constant 0 : i32
      %dma_start3A_88 = tpu.memref_slice %arg3[%add3A, %min3A_53, %dma_start3A_86, %dma_start3A_87] : memref<32x90x2x112xi32, #tpu.memory_space<hbm>> -> memref<1x1x2x112xi32, #tpu.memory_space<hbm>>
      %dma_start3A_89 = tpu.memref_squeeze %dma_start3A_88 : memref<1x1x2x112xi32, #tpu.memory_space<hbm>> -> memref<2x112xi32, #tpu.memory_space<hbm>>
      %dma_start3A_90 = arith.constant 0 : i32
      %dma_start3A_91 = arith.constant 0 : i32
      %dma_start3A_92 = tpu.memref_slice %arg3[%add3A, %min3A_53, %dma_start3A_90, %dma_start3A_91] : memref<32x90x2x112xi32, #tpu.memory_space<hbm>> -> memref<1x1x2x112xi32, #tpu.memory_space<hbm>>
      %dma_start3A_93 = tpu.memref_squeeze %dma_start3A_92 : memref<1x1x2x112xi32, #tpu.memory_space<hbm>> -> memref<2x112xi32, #tpu.memory_space<hbm>>
      tpu.enqueue_dma source(%dma_start3A_93 : memref<2x112xi32, #tpu.memory_space<hbm>>) target(%arg7 : memref<2x112xi32, #tpu.memory_space<vmem>>) target_semaphore(%arg14 : memref<!tpu.dma_semaphore, #tpu.memory_space<semaphore_mem>>)
      %dma_wait3A_94 = arith.constant 0 : i32
      %dma_wait3A_95 = arith.constant 0 : i32
      %dma_wait3A_96 = tpu.memref_slice %arg8[%dma_wait3A_94, %dma_wait3A_95] : memref<2x112xi32, #tpu.memory_space<vmem>> -> memref<1x112xi32, #tpu.memory_space<vmem>>
      %dma_wait3A_97 = tpu.memref_squeeze %dma_wait3A_96 : memref<1x112xi32, #tpu.memory_space<vmem>> -> memref<112xi32, #tpu.memory_space<vmem>>
      %dma_wait3A_98 = arith.constant 0 : i32
      %dma_wait3A_99 = arith.constant 0 : i32
      %dma_wait3A_100 = tpu.memref_slice %arg2[%dma_wait3A_98, %dma_wait3A_99] : memref<10240x128xf32, #tpu.memory_space<hbm>> -> memref<10240x128xf32, #tpu.memory_space<hbm>>
      tpu.wait_indirect_dma semaphore(%arg13 : memref<!tpu.dma_semaphore, #tpu.memory_space<semaphore_mem>>) src(%dma_wait3A_100 : memref<10240x128xf32, #tpu.memory_space<hbm>>) dst(%arg10 : memref<112x128xf32, #tpu.memory_space<vmem>>)
      %dma_wait3A_101 = arith.constant 0 : i32
      %dma_wait3A_102 = arith.constant 0 : i32
      %dma_wait3A_103 = tpu.memref_slice %arg8[%dma_wait3A_101, %dma_wait3A_102] : memref<2x112xi32, #tpu.memory_space<vmem>> -> memref<1x112xi32, #tpu.memory_space<vmem>>
      %dma_wait3A_104 = tpu.memref_squeeze %dma_wait3A_103 : memref<1x112xi32, #tpu.memory_space<vmem>> -> memref<112xi32, #tpu.memory_space<vmem>>
      %dma_wait3A_105 = arith.constant 0 : i32
      %dma_wait3A_106 = tpu.memref_slice %arg4[%dma_wait3A_105] : memref<10240xf32, #tpu.memory_space<hbm>> -> memref<10240xf32, #tpu.memory_space<hbm>>
      tpu.wait_indirect_dma semaphore(%arg13 : memref<!tpu.dma_semaphore, #tpu.memory_space<semaphore_mem>>) src(%dma_wait3A_106 : memref<10240xf32, #tpu.memory_space<hbm>>) dst(%arg17 : memref<112xf32, #tpu.memory_space<vmem>>)
      %dma_wait3A_107 = arith.constant 0 : i32
      %dma_wait3A_108 = arith.constant 0 : i32
      %dma_wait3A_109 = tpu.memref_slice %arg3[%add3A, %min3A_53, %dma_wait3A_107, %dma_wait3A_108] : memref<32x90x2x112xi32, #tpu.memory_space<hbm>> -> memref<1x1x2x112xi32, #tpu.memory_space<hbm>>
      %dma_wait3A_110 = tpu.memref_squeeze %dma_wait3A_109 : memref<1x1x2x112xi32, #tpu.memory_space<hbm>> -> memref<2x112xi32, #tpu.memory_space<hbm>>
      %dma_wait3A_111 = arith.constant 0 : i32
      %dma_wait3A_112 = arith.constant 0 : i32
      %dma_wait3A_113 = tpu.memref_slice %arg3[%add3A, %min3A_53, %dma_wait3A_111, %dma_wait3A_112] : memref<32x90x2x112xi32, #tpu.memory_space<hbm>> -> memref<1x1x2x112xi32, #tpu.memory_space<hbm>>
      %dma_wait3A_114 = tpu.memref_squeeze %dma_wait3A_113 : memref<1x1x2x112xi32, #tpu.memory_space<hbm>> -> memref<2x112xi32, #tpu.memory_space<hbm>>
      tpu.wait_dma2 semaphore(%arg14 : memref<!tpu.dma_semaphore, #tpu.memory_space<semaphore_mem>>) src(%dma_wait3A_114 : memref<2x112xi32, #tpu.memory_space<hbm>>) dst(%arg7 : memref<2x112xi32, #tpu.memory_space<vmem>>)
      %dma_start3A_115 = arith.constant 0 : i32
      %dma_start3A_116 = arith.constant 0 : i32
      %dma_start3A_117 = tpu.memref_slice %arg7[%dma_start3A_115, %dma_start3A_116] : memref<2x112xi32, #tpu.memory_space<vmem>> -> memref<1x112xi32, #tpu.memory_space<vmem>>
      %dma_start3A_118 = tpu.memref_squeeze %dma_start3A_117 : memref<1x112xi32, #tpu.memory_space<vmem>> -> memref<112xi32, #tpu.memory_space<vmem>>
      %dma_start3A_119 = arith.constant 0 : i32
      %dma_start3A_120 = arith.constant 0 : i32
      %dma_start3A_121 = tpu.memref_slice %arg2[%dma_start3A_119, %dma_start3A_120] : memref<10240x128xf32, #tpu.memory_space<hbm>> -> memref<10240x128xf32, #tpu.memory_space<hbm>>
      tpu.enqueue_indirect_dma source(%dma_start3A_121 : memref<10240x128xf32, #tpu.memory_space<hbm>>) target(%arg9 : memref<112x128xf32, #tpu.memory_space<vmem>>) offsets(%dma_start3A_118 : memref<112xi32, #tpu.memory_space<vmem>>) semaphore(%arg12 : memref<!tpu.dma_semaphore, #tpu.memory_space<semaphore_mem>>)
      %dma_start3A_122 = arith.constant 0 : i32
      %dma_start3A_123 = arith.constant 0 : i32
      %dma_start3A_124 = tpu.memref_slice %arg7[%dma_start3A_122, %dma_start3A_123] : memref<2x112xi32, #tpu.memory_space<vmem>> -> memref<1x112xi32, #tpu.memory_space<vmem>>
      %dma_start3A_125 = tpu.memref_squeeze %dma_start3A_124 : memref<1x112xi32, #tpu.memory_space<vmem>> -> memref<112xi32, #tpu.memory_space<vmem>>
      %dma_start3A_126 = arith.constant 0 : i32
      %dma_start3A_127 = tpu.memref_slice %arg4[%dma_start3A_126] : memref<10240xf32, #tpu.memory_space<hbm>> -> memref<10240xf32, #tpu.memory_space<hbm>>
      tpu.enqueue_indirect_dma source(%dma_start3A_127 : memref<10240xf32, #tpu.memory_space<hbm>>) target(%arg16 : memref<112xf32, #tpu.memory_space<vmem>>) offsets(%dma_start3A_125 : memref<112xi32, #tpu.memory_space<vmem>>) semaphore(%arg12 : memref<!tpu.dma_semaphore, #tpu.memory_space<semaphore_mem>>)
      %run_scoped3A_128 = arith.constant 1 : i32
      "tpu.region"() ({
        %run_scoped3A_146 = tpu.sem_alloc : memref<!tpu.dma_semaphore, #tpu.memory_space<semaphore_mem>>
        %dma_start3A_147 = arith.constant 0 : i32
        %dma_start3A_148 = tpu.memref_slice %arg8[%run_scoped3A_128, %dma_start3A_147] : memref<2x112xi32, #tpu.memory_space<vmem>> -> memref<1x112xi32, #tpu.memory_space<vmem>>
        %dma_start3A_149 = tpu.memref_squeeze %dma_start3A_148 : memref<1x112xi32, #tpu.memory_space<vmem>> -> memref<112xi32, #tpu.memory_space<vmem>>
        %dma_start3A_150 = arith.constant 0 : i32
        %dma_start3A_151 = arith.constant 0 : i32
        %dma_start3A_152 = tpu.memref_slice %arg11[%dma_start3A_150, %dma_start3A_151] : memref<10240x128xf32, #tpu.memory_space<vmem_shared>> -> memref<10240x128xf32, #tpu.memory_space<vmem_shared>>
        tpu.enqueue_indirect_dma source(%arg10 : memref<112x128xf32, #tpu.memory_space<vmem>>) target(%dma_start3A_152 : memref<10240x128xf32, #tpu.memory_space<vmem_shared>>) offsets(%dma_start3A_149 : memref<112xi32, #tpu.memory_space<vmem>>) semaphore(%run_scoped3A_146 : memref<!tpu.dma_semaphore, #tpu.memory_space<semaphore_mem>>) {add = true}
        %dma_wait3A_153 = arith.constant 0 : i32
        %dma_wait3A_154 = tpu.memref_slice %arg8[%run_scoped3A_128, %dma_wait3A_153] : memref<2x112xi32, #tpu.memory_space<vmem>> -> memref<1x112xi32, #tpu.memory_space<vmem>>
        %dma_wait3A_155 = tpu.memref_squeeze %dma_wait3A_154 : memref<1x112xi32, #tpu.memory_space<vmem>> -> memref<112xi32, #tpu.memory_space<vmem>>
        %dma_wait3A_156 = arith.constant 0 : i32
        %dma_wait3A_157 = arith.constant 0 : i32
        %dma_wait3A_158 = tpu.memref_slice %arg11[%dma_wait3A_156, %dma_wait3A_157] : memref<10240x128xf32, #tpu.memory_space<vmem_shared>> -> memref<10240x128xf32, #tpu.memory_space<vmem_shared>>
        tpu.wait_indirect_dma semaphore(%run_scoped3A_146 : memref<!tpu.dma_semaphore, #tpu.memory_space<semaphore_mem>>) src(%arg10 : memref<112x128xf32, #tpu.memory_space<vmem>>) dst(%dma_wait3A_158 : memref<10240x128xf32, #tpu.memory_space<vmem_shared>>)
        tpu.yield
      }) : () -> ()
      %run_scoped3A_129 = arith.constant 1 : i32
      "tpu.region"() ({
        %run_scoped3A_146 = tpu.sem_alloc : memref<!tpu.dma_semaphore, #tpu.memory_space<semaphore_mem>>
        %dma_start3A_147 = arith.constant 0 : i32
        %dma_start3A_148 = tpu.memref_slice %arg8[%run_scoped3A_129, %dma_start3A_147] : memref<2x112xi32, #tpu.memory_space<vmem>> -> memref<1x112xi32, #tpu.memory_space<vmem>>
        %dma_start3A_149 = tpu.memref_squeeze %dma_start3A_148 : memref<1x112xi32, #tpu.memory_space<vmem>> -> memref<112xi32, #tpu.memory_space<vmem>>
        %dma_start3A_150 = arith.constant 0 : i32
        %dma_start3A_151 = tpu.memref_slice %arg18[%dma_start3A_150] : memref<10240xf32, #tpu.memory_space<vmem_shared>> -> memref<10240xf32, #tpu.memory_space<vmem_shared>>
        tpu.enqueue_indirect_dma source(%arg17 : memref<112xf32, #tpu.memory_space<vmem>>) target(%dma_start3A_151 : memref<10240xf32, #tpu.memory_space<vmem_shared>>) offsets(%dma_start3A_149 : memref<112xi32, #tpu.memory_space<vmem>>) semaphore(%run_scoped3A_146 : memref<!tpu.dma_semaphore, #tpu.memory_space<semaphore_mem>>) {add = true}
        %dma_wait3A_152 = arith.constant 0 : i32
        %dma_wait3A_153 = tpu.memref_slice %arg8[%run_scoped3A_129, %dma_wait3A_152] : memref<2x112xi32, #tpu.memory_space<vmem>> -> memref<1x112xi32, #tpu.memory_space<vmem>>
        %dma_wait3A_154 = tpu.memref_squeeze %dma_wait3A_153 : memref<1x112xi32, #tpu.memory_space<vmem>> -> memref<112xi32, #tpu.memory_space<vmem>>
        %dma_wait3A_155 = arith.constant 0 : i32
        %dma_wait3A_156 = tpu.memref_slice %arg18[%dma_wait3A_155] : memref<10240xf32, #tpu.memory_space<vmem_shared>> -> memref<10240xf32, #tpu.memory_space<vmem_shared>>
        tpu.wait_indirect_dma semaphore(%run_scoped3A_146 : memref<!tpu.dma_semaphore, #tpu.memory_space<semaphore_mem>>) src(%arg17 : memref<112xf32, #tpu.memory_space<vmem>>) dst(%dma_wait3A_156 : memref<10240xf32, #tpu.memory_space<vmem_shared>>)
        tpu.yield
      }) : () -> ()
      %dma_start3A_130 = arith.constant 0 : i32
      %dma_start3A_131 = arith.constant 0 : i32
      %dma_start3A_132 = tpu.memref_slice %arg3[%add3A, %min3A_57, %dma_start3A_130, %dma_start3A_131] : memref<32x90x2x112xi32, #tpu.memory_space<hbm>> -> memref<1x1x2x112xi32, #tpu.memory_space<hbm>>
      %dma_start3A_133 = tpu.memref_squeeze %dma_start3A_132 : memref<1x1x2x112xi32, #tpu.memory_space<hbm>> -> memref<2x112xi32, #tpu.memory_space<hbm>>
      %dma_start3A_134 = arith.constant 0 : i32
      %dma_start3A_135 = arith.constant 0 : i32
      %dma_start3A_136 = tpu.memref_slice %arg3[%add3A, %min3A_57, %dma_start3A_134, %dma_start3A_135] : memref<32x90x2x112xi32, #tpu.memory_space<hbm>> -> memref<1x1x2x112xi32, #tpu.memory_space<hbm>>
      %dma_start3A_137 = tpu.memref_squeeze %dma_start3A_136 : memref<1x1x2x112xi32, #tpu.memory_space<hbm>> -> memref<2x112xi32, #tpu.memory_space<hbm>>
      tpu.enqueue_dma source(%dma_start3A_137 : memref<2x112xi32, #tpu.memory_space<hbm>>) target(%arg8 : memref<2x112xi32, #tpu.memory_space<vmem>>) target_semaphore(%arg15 : memref<!tpu.dma_semaphore, #tpu.memory_space<semaphore_mem>>)
      %dma_wait3A_138 = arith.constant 0 : i32
      %dma_wait3A_139 = arith.constant 0 : i32
      %dma_wait3A_140 = tpu.memref_slice %arg3[%add3A, %min3A_57, %dma_wait3A_138, %dma_wait3A_139] : memref<32x90x2x112xi32, #tpu.memory_space<hbm>> -> memref<1x1x2x112xi32, #tpu.memory_space<hbm>>
      %dma_wait3A_141 = tpu.memref_squeeze %dma_wait3A_140 : memref<1x1x2x112xi32, #tpu.memory_space<hbm>> -> memref<2x112xi32, #tpu.memory_space<hbm>>
      %dma_wait3A_142 = arith.constant 0 : i32
      %dma_wait3A_143 = arith.constant 0 : i32
      %dma_wait3A_144 = tpu.memref_slice %arg3[%add3A, %min3A_57, %dma_wait3A_142, %dma_wait3A_143] : memref<32x90x2x112xi32, #tpu.memory_space<hbm>> -> memref<1x1x2x112xi32, #tpu.memory_space<hbm>>
      %dma_wait3A_145 = tpu.memref_squeeze %dma_wait3A_144 : memref<1x1x2x112xi32, #tpu.memory_space<hbm>> -> memref<2x112xi32, #tpu.memory_space<hbm>>
      tpu.wait_dma2 semaphore(%arg15 : memref<!tpu.dma_semaphore, #tpu.memory_space<semaphore_mem>>) src(%dma_wait3A_145 : memref<2x112xi32, #tpu.memory_space<hbm>>) dst(%arg8 : memref<2x112xi32, #tpu.memory_space<vmem>>)
    }
    %scan3A_32 = arith.constant 45 : i32
    %dma_wait3A = arith.constant 0 : i32
    %dma_wait3A_33 = arith.constant 0 : i32
    %dma_wait3A_34 = tpu.memref_slice %arg7[%dma_wait3A, %dma_wait3A_33] : memref<2x112xi32, #tpu.memory_space<vmem>> -> memref<1x112xi32, #tpu.memory_space<vmem>>
    %dma_wait3A_35 = tpu.memref_squeeze %dma_wait3A_34 : memref<1x112xi32, #tpu.memory_space<vmem>> -> memref<112xi32, #tpu.memory_space<vmem>>
    %dma_wait3A_36 = arith.constant 0 : i32
    %dma_wait3A_37 = arith.constant 0 : i32
    %dma_wait3A_38 = tpu.memref_slice %arg2[%dma_wait3A_36, %dma_wait3A_37] : memref<10240x128xf32, #tpu.memory_space<hbm>> -> memref<10240x128xf32, #tpu.memory_space<hbm>>
    tpu.wait_indirect_dma semaphore(%arg12 : memref<!tpu.dma_semaphore, #tpu.memory_space<semaphore_mem>>) src(%dma_wait3A_38 : memref<10240x128xf32, #tpu.memory_space<hbm>>) dst(%arg9 : memref<112x128xf32, #tpu.memory_space<vmem>>)
    %dma_wait3A_39 = arith.constant 0 : i32
    %dma_wait3A_40 = arith.constant 0 : i32
    %dma_wait3A_41 = tpu.memref_slice %arg7[%dma_wait3A_39, %dma_wait3A_40] : memref<2x112xi32, #tpu.memory_space<vmem>> -> memref<1x112xi32, #tpu.memory_space<vmem>>
    %dma_wait3A_42 = tpu.memref_squeeze %dma_wait3A_41 : memref<1x112xi32, #tpu.memory_space<vmem>> -> memref<112xi32, #tpu.memory_space<vmem>>
    %dma_wait3A_43 = arith.constant 0 : i32
    %dma_wait3A_44 = tpu.memref_slice %arg4[%dma_wait3A_43] : memref<10240xf32, #tpu.memory_space<hbm>> -> memref<10240xf32, #tpu.memory_space<hbm>>
    tpu.wait_indirect_dma semaphore(%arg12 : memref<!tpu.dma_semaphore, #tpu.memory_space<semaphore_mem>>) src(%dma_wait3A_44 : memref<10240xf32, #tpu.memory_space<hbm>>) dst(%arg16 : memref<112xf32, #tpu.memory_space<vmem>>)
    %barrier3A_45 = arith.constant 0 : index
    tpu.barrier barrier_id(%barrier3A_45)
    %mul3A_46 = arith.constant 640 : i32
    %mul3A_47 = arith.muli %arg1, %mul3A_46 : i32
    "tpu.region"() ({
      %run_scoped3A_48 = tpu.sem_alloc : memref<!tpu.dma_semaphore, #tpu.memory_space<semaphore_mem>>
      %dma_start3A_49 = arith.constant 0 : i32
      %dma_start3A_50 = tpu.memref_slice %arg5[%arg0, %mul3A_47, %dma_start3A_49] : memref<2x10240x128xf32, #tpu.memory_space<hbm>> -> memref<1x640x128xf32, #tpu.memory_space<hbm>>
      %dma_start3A_51 = tpu.memref_squeeze %dma_start3A_50 : memref<1x640x128xf32, #tpu.memory_space<hbm>> -> memref<640x128xf32, #tpu.memory_space<hbm>>
      %dma_start3A_52 = arith.constant 0 : i32
      %dma_start3A_53 = tpu.memref_slice %arg11[%mul3A_47, %dma_start3A_52] : memref<10240x128xf32, #tpu.memory_space<vmem_shared>> -> memref<640x128xf32, #tpu.memory_space<vmem_shared>>
      tpu.enqueue_dma source(%dma_start3A_53 : memref<640x128xf32, #tpu.memory_space<vmem_shared>>) target(%dma_start3A_51 : memref<640x128xf32, #tpu.memory_space<hbm>>) target_semaphore(%run_scoped3A_48 : memref<!tpu.dma_semaphore, #tpu.memory_space<semaphore_mem>>)
      %dma_wait3A_54 = arith.constant 0 : i32
      %dma_wait3A_55 = tpu.memref_slice %arg5[%arg0, %mul3A_47, %dma_wait3A_54] : memref<2x10240x128xf32, #tpu.memory_space<hbm>> -> memref<1x640x128xf32, #tpu.memory_space<hbm>>
      %dma_wait3A_56 = tpu.memref_squeeze %dma_wait3A_55 : memref<1x640x128xf32, #tpu.memory_space<hbm>> -> memref<640x128xf32, #tpu.memory_space<hbm>>
      %dma_wait3A_57 = arith.constant 0 : i32
      %dma_wait3A_58 = tpu.memref_slice %arg11[%mul3A_47, %dma_wait3A_57] : memref<10240x128xf32, #tpu.memory_space<vmem_shared>> -> memref<640x128xf32, #tpu.memory_space<vmem_shared>>
      tpu.wait_dma2 semaphore(%run_scoped3A_48 : memref<!tpu.dma_semaphore, #tpu.memory_space<semaphore_mem>>) src(%dma_wait3A_58 : memref<640x128xf32, #tpu.memory_space<vmem_shared>>) dst(%dma_wait3A_56 : memref<640x128xf32, #tpu.memory_space<hbm>>)
      tpu.yield
    }) : () -> ()
    "tpu.region"() ({
      %run_scoped3A_48 = tpu.sem_alloc : memref<!tpu.dma_semaphore, #tpu.memory_space<semaphore_mem>>
      %dma_start3A_49 = tpu.memref_slice %arg6[%arg0, %mul3A_47] : memref<2x10240xf32, #tpu.memory_space<hbm>> -> memref<1x640xf32, #tpu.memory_space<hbm>>
      %dma_start3A_50 = tpu.memref_squeeze %dma_start3A_49 : memref<1x640xf32, #tpu.memory_space<hbm>> -> memref<640xf32, #tpu.memory_space<hbm>>
      %dma_start3A_51 = tpu.memref_slice %arg18[%mul3A_47] : memref<10240xf32, #tpu.memory_space<vmem_shared>> -> memref<640xf32, #tpu.memory_space<vmem_shared>>
      tpu.enqueue_dma source(%dma_start3A_51 : memref<640xf32, #tpu.memory_space<vmem_shared>>) target(%dma_start3A_50 : memref<640xf32, #tpu.memory_space<hbm>>) target_semaphore(%run_scoped3A_48 : memref<!tpu.dma_semaphore, #tpu.memory_space<semaphore_mem>>)
      %dma_wait3A_52 = tpu.memref_slice %arg6[%arg0, %mul3A_47] : memref<2x10240xf32, #tpu.memory_space<hbm>> -> memref<1x640xf32, #tpu.memory_space<hbm>>
      %dma_wait3A_53 = tpu.memref_squeeze %dma_wait3A_52 : memref<1x640xf32, #tpu.memory_space<hbm>> -> memref<640xf32, #tpu.memory_space<hbm>>
      %dma_wait3A_54 = tpu.memref_slice %arg18[%mul3A_47] : memref<10240xf32, #tpu.memory_space<vmem_shared>> -> memref<640xf32, #tpu.memory_space<vmem_shared>>
      tpu.wait_dma2 semaphore(%run_scoped3A_48 : memref<!tpu.dma_semaphore, #tpu.memory_space<semaphore_mem>>) src(%dma_wait3A_54 : memref<640xf32, #tpu.memory_space<vmem_shared>>) dst(%dma_wait3A_53 : memref<640xf32, #tpu.memory_space<hbm>>)
      tpu.yield
    }) : () -> ()
    return
  }
}

#map = affine_map<(d0, d1) -> (0, 0)>
#map1 = affine_map<(d0, d1) -> (0, 0, 0, 0)>
#map2 = affine_map<(d0, d1) -> (0, 0, 0)>
module attributes {stable_mosaic.version = 14 : i64} {
  func.func @body(%arg0: i32, %arg1: i32, %arg2: memref<10240x128xf32, #tpu.memory_space<hbm>>, %arg3: memref<32x90x2x112xi32, #tpu.memory_space<hbm>>, %arg4: memref<2x10240x128xf32, #tpu.memory_space<hbm>>, %arg5: memref<2x112xi32, #tpu.memory_space<vmem>>, %arg6: memref<2x112xi32, #tpu.memory_space<vmem>>, %arg7: memref<112x128xf32, #tpu.memory_space<vmem>>, %arg8: memref<112x128xf32, #tpu.memory_space<vmem>>, %arg9: memref<10240x128xf32, #tpu.memory_space<vmem_shared>>, %arg10: memref<!tpu.dma_semaphore, #tpu.memory_space<semaphore_mem>>, %arg11: memref<!tpu.dma_semaphore, #tpu.memory_space<semaphore_mem>>, %arg12: memref<!tpu.dma_semaphore, #tpu.memory_space<semaphore_mem>>, %arg13: memref<!tpu.dma_semaphore, #tpu.memory_space<semaphore_mem>>) attributes {dimension_semantics = [#tpu.dimension_semantics<core_parallel>, #tpu.dimension_semantics<subcore_parallel>], iteration_bounds = array<i64: 2, 16>, scalar_prefetch = 0 : i64, scratch_operands = 9 : i64, tpu.core_type = #tpu.core_type<sc_vector_subcore>, window_params = [{transform_indices = #map}, {transform_indices = #map1}, {transform_indices = #map2}]} {
    %mul3A = arith.constant 16 : i32
    %mul3A_0 = arith.muli %arg0, %mul3A : i32
    %add3A = arith.addi %mul3A_0, %arg1 : i32
    %scan3A = arith.constant 0 : i32
    %scan3A_1 = arith.constant 112 : i32
    %scan3A_2 = arith.addi %scan3A, %scan3A_1 : i32
    %scan3A_3 = arith.constant 1 : i32
    scf.for %scan3A_31 = %scan3A to %scan3A_2 step %scan3A_3  : i32 {
      %broadcast_in_dim3A = arith.constant 0.000000e+00 : f32
      %broadcast_in_dim3A_32 = vector.broadcast %broadcast_in_dim3A : f32 to vector<16xf32>
      %swap3A = arith.index_cast %scan3A_31 : i32 to index
      %swap3A_33 = arith.constant 0 : index
      %swap3A_34 = tpu.vector_load %arg7[%swap3A, %swap3A_33] {strides = array<i32>} : memref<112x128xf32, #tpu.memory_space<vmem>>, vector<1x16xf32>,
      %swap3A_35 = vector.shape_cast %swap3A_34 : vector<1x16xf32> to vector<16xf32>
      %swap3A_36 = vector.shape_cast %broadcast_in_dim3A_32 : vector<16xf32> to vector<1x16xf32>
      tpu.vector_store %arg7[%swap3A, %swap3A_33], %swap3A_36 {strides = array<i32>} : memref<112x128xf32, #tpu.memory_space<vmem>>, vector<1x16xf32>,
      %broadcast_in_dim3A_37 = arith.constant 0.000000e+00 : f32
      %broadcast_in_dim3A_38 = vector.broadcast %broadcast_in_dim3A_37 : f32 to vector<16xf32>
      %swap3A_39 = arith.index_cast %scan3A_31 : i32 to index
      %swap3A_40 = arith.constant 16 : index
      %swap3A_41 = tpu.vector_load %arg7[%swap3A_39, %swap3A_40] {strides = array<i32>} : memref<112x128xf32, #tpu.memory_space<vmem>>, vector<1x16xf32>,
      %swap3A_42 = vector.shape_cast %swap3A_41 : vector<1x16xf32> to vector<16xf32>
      %swap3A_43 = vector.shape_cast %broadcast_in_dim3A_38 : vector<16xf32> to vector<1x16xf32>
      tpu.vector_store %arg7[%swap3A_39, %swap3A_40], %swap3A_43 {strides = array<i32>} : memref<112x128xf32, #tpu.memory_space<vmem>>, vector<1x16xf32>,
      %broadcast_in_dim3A_44 = arith.constant 0.000000e+00 : f32
      %broadcast_in_dim3A_45 = vector.broadcast %broadcast_in_dim3A_44 : f32 to vector<16xf32>
      %swap3A_46 = arith.index_cast %scan3A_31 : i32 to index
      %swap3A_47 = arith.constant 32 : index
      %swap3A_48 = tpu.vector_load %arg7[%swap3A_46, %swap3A_47] {strides = array<i32>} : memref<112x128xf32, #tpu.memory_space<vmem>>, vector<1x16xf32>,
      %swap3A_49 = vector.shape_cast %swap3A_48 : vector<1x16xf32> to vector<16xf32>
      %swap3A_50 = vector.shape_cast %broadcast_in_dim3A_45 : vector<16xf32> to vector<1x16xf32>
      tpu.vector_store %arg7[%swap3A_46, %swap3A_47], %swap3A_50 {strides = array<i32>} : memref<112x128xf32, #tpu.memory_space<vmem>>, vector<1x16xf32>,
      %broadcast_in_dim3A_51 = arith.constant 0.000000e+00 : f32
      %broadcast_in_dim3A_52 = vector.broadcast %broadcast_in_dim3A_51 : f32 to vector<16xf32>
      %swap3A_53 = arith.index_cast %scan3A_31 : i32 to index
      %swap3A_54 = arith.constant 48 : index
      %swap3A_55 = tpu.vector_load %arg7[%swap3A_53, %swap3A_54] {strides = array<i32>} : memref<112x128xf32, #tpu.memory_space<vmem>>, vector<1x16xf32>,
      %swap3A_56 = vector.shape_cast %swap3A_55 : vector<1x16xf32> to vector<16xf32>
      %swap3A_57 = vector.shape_cast %broadcast_in_dim3A_52 : vector<16xf32> to vector<1x16xf32>
      tpu.vector_store %arg7[%swap3A_53, %swap3A_54], %swap3A_57 {strides = array<i32>} : memref<112x128xf32, #tpu.memory_space<vmem>>, vector<1x16xf32>,
      %broadcast_in_dim3A_58 = arith.constant 0.000000e+00 : f32
      %broadcast_in_dim3A_59 = vector.broadcast %broadcast_in_dim3A_58 : f32 to vector<16xf32>
      %swap3A_60 = arith.index_cast %scan3A_31 : i32 to index
      %swap3A_61 = arith.constant 64 : index
      %swap3A_62 = tpu.vector_load %arg7[%swap3A_60, %swap3A_61] {strides = array<i32>} : memref<112x128xf32, #tpu.memory_space<vmem>>, vector<1x16xf32>,
      %swap3A_63 = vector.shape_cast %swap3A_62 : vector<1x16xf32> to vector<16xf32>
      %swap3A_64 = vector.shape_cast %broadcast_in_dim3A_59 : vector<16xf32> to vector<1x16xf32>
      tpu.vector_store %arg7[%swap3A_60, %swap3A_61], %swap3A_64 {strides = array<i32>} : memref<112x128xf32, #tpu.memory_space<vmem>>, vector<1x16xf32>,
      %broadcast_in_dim3A_65 = arith.constant 0.000000e+00 : f32
      %broadcast_in_dim3A_66 = vector.broadcast %broadcast_in_dim3A_65 : f32 to vector<16xf32>
      %swap3A_67 = arith.index_cast %scan3A_31 : i32 to index
      %swap3A_68 = arith.constant 80 : index
      %swap3A_69 = tpu.vector_load %arg7[%swap3A_67, %swap3A_68] {strides = array<i32>} : memref<112x128xf32, #tpu.memory_space<vmem>>, vector<1x16xf32>,
      %swap3A_70 = vector.shape_cast %swap3A_69 : vector<1x16xf32> to vector<16xf32>
      %swap3A_71 = vector.shape_cast %broadcast_in_dim3A_66 : vector<16xf32> to vector<1x16xf32>
      tpu.vector_store %arg7[%swap3A_67, %swap3A_68], %swap3A_71 {strides = array<i32>} : memref<112x128xf32, #tpu.memory_space<vmem>>, vector<1x16xf32>,
      %broadcast_in_dim3A_72 = arith.constant 0.000000e+00 : f32
      %broadcast_in_dim3A_73 = vector.broadcast %broadcast_in_dim3A_72 : f32 to vector<16xf32>
      %swap3A_74 = arith.index_cast %scan3A_31 : i32 to index
      %swap3A_75 = arith.constant 96 : index
      %swap3A_76 = tpu.vector_load %arg7[%swap3A_74, %swap3A_75] {strides = array<i32>} : memref<112x128xf32, #tpu.memory_space<vmem>>, vector<1x16xf32>,
      %swap3A_77 = vector.shape_cast %swap3A_76 : vector<1x16xf32> to vector<16xf32>
      %swap3A_78 = vector.shape_cast %broadcast_in_dim3A_73 : vector<16xf32> to vector<1x16xf32>
      tpu.vector_store %arg7[%swap3A_74, %swap3A_75], %swap3A_78 {strides = array<i32>} : memref<112x128xf32, #tpu.memory_space<vmem>>, vector<1x16xf32>,
      %broadcast_in_dim3A_79 = arith.constant 0.000000e+00 : f32
      %broadcast_in_dim3A_80 = vector.broadcast %broadcast_in_dim3A_79 : f32 to vector<16xf32>
      %swap3A_81 = arith.index_cast %scan3A_31 : i32 to index
      %swap3A_82 = arith.constant 112 : index
      %swap3A_83 = tpu.vector_load %arg7[%swap3A_81, %swap3A_82] {strides = array<i32>} : memref<112x128xf32, #tpu.memory_space<vmem>>, vector<1x16xf32>,
      %swap3A_84 = vector.shape_cast %swap3A_83 : vector<1x16xf32> to vector<16xf32>
      %swap3A_85 = vector.shape_cast %broadcast_in_dim3A_80 : vector<16xf32> to vector<1x16xf32>
      tpu.vector_store %arg7[%swap3A_81, %swap3A_82], %swap3A_85 {strides = array<i32>} : memref<112x128xf32, #tpu.memory_space<vmem>>, vector<1x16xf32>,
    }
    %scan3A_4 = arith.constant 112 : i32
    %scan3A_5 = arith.constant 0 : i32
    %scan3A_6 = arith.constant 10 : i32
    %scan3A_7 = arith.addi %scan3A_5, %scan3A_6 : i32
    %scan3A_8 = arith.constant 1 : i32
    scf.for %scan3A_31 = %scan3A_5 to %scan3A_7 step %scan3A_8  : i32 {
      %mul3A_32 = arith.constant 640 : i32
      %mul3A_33 = arith.muli %arg1, %mul3A_32 : i32
      %mul3A_34 = arith.constant 64 : i32
      %mul3A_35 = arith.muli %scan3A_31, %mul3A_34 : i32
      %add3A_36 = arith.addi %mul3A_33, %mul3A_35 : i32
      "tpu.region"() ({
        %run_scoped3A_37 = tpu.sem_alloc : memref<!tpu.dma_semaphore, #tpu.memory_space<semaphore_mem>>
        %dma_start3A_38 = arith.constant 0 : i32
        %dma_start3A_39 = arith.constant 0 : i32
        %dma_start3A_40 = tpu.memref_slice %arg7[%dma_start3A_38, %dma_start3A_39] : memref<112x128xf32, #tpu.memory_space<vmem>> -> memref<64x128xf32, #tpu.memory_space<vmem>>
        %dma_start3A_41 = arith.constant 0 : i32
        %dma_start3A_42 = tpu.memref_slice %arg9[%add3A_36, %dma_start3A_41] : memref<10240x128xf32, #tpu.memory_space<vmem_shared>> -> memref<64x128xf32, #tpu.memory_space<vmem_shared>>
        %dma_start3A_43 = arith.constant 0 : i32
        %dma_start3A_44 = tpu.memref_slice %arg9[%add3A_36, %dma_start3A_43] : memref<10240x128xf32, #tpu.memory_space<vmem_shared>> -> memref<64x128xf32, #tpu.memory_space<vmem_shared>>
        %dma_start3A_45 = arith.constant 0 : i32
        %dma_start3A_46 = arith.constant 0 : i32
        %dma_start3A_47 = tpu.memref_slice %arg7[%dma_start3A_45, %dma_start3A_46] : memref<112x128xf32, #tpu.memory_space<vmem>> -> memref<64x128xf32, #tpu.memory_space<vmem>>
        tpu.enqueue_dma source(%dma_start3A_47 : memref<64x128xf32, #tpu.memory_space<vmem>>) target(%dma_start3A_44 : memref<64x128xf32, #tpu.memory_space<vmem_shared>>) target_semaphore(%run_scoped3A_37 : memref<!tpu.dma_semaphore, #tpu.memory_space<semaphore_mem>>)
        %dma_wait3A_48 = arith.constant 0 : i32
        %dma_wait3A_49 = arith.constant 0 : i32
        %dma_wait3A_50 = tpu.memref_slice %arg7[%dma_wait3A_48, %dma_wait3A_49] : memref<112x128xf32, #tpu.memory_space<vmem>> -> memref<64x128xf32, #tpu.memory_space<vmem>>
        %dma_wait3A_51 = arith.constant 0 : i32
        %dma_wait3A_52 = tpu.memref_slice %arg9[%add3A_36, %dma_wait3A_51] : memref<10240x128xf32, #tpu.memory_space<vmem_shared>> -> memref<64x128xf32, #tpu.memory_space<vmem_shared>>
        %dma_wait3A_53 = arith.constant 0 : i32
        %dma_wait3A_54 = tpu.memref_slice %arg9[%add3A_36, %dma_wait3A_53] : memref<10240x128xf32, #tpu.memory_space<vmem_shared>> -> memref<64x128xf32, #tpu.memory_space<vmem_shared>>
        %dma_wait3A_55 = arith.constant 0 : i32
        %dma_wait3A_56 = arith.constant 0 : i32
        %dma_wait3A_57 = tpu.memref_slice %arg7[%dma_wait3A_55, %dma_wait3A_56] : memref<112x128xf32, #tpu.memory_space<vmem>> -> memref<64x128xf32, #tpu.memory_space<vmem>>
        tpu.wait_dma2 semaphore(%run_scoped3A_37 : memref<!tpu.dma_semaphore, #tpu.memory_space<semaphore_mem>>) src(%dma_wait3A_57 : memref<64x128xf32, #tpu.memory_space<vmem>>) dst(%dma_wait3A_54 : memref<64x128xf32, #tpu.memory_space<vmem_shared>>)
        tpu.yield
      }) : () -> ()
    }
    %scan3A_9 = arith.constant 10 : i32
    %barrier3A = arith.constant 0 : index
    tpu.barrier barrier_id(%barrier3A)
    %run_scoped3A = arith.constant 0 : i32
    "tpu.region"() ({
      %run_scoped3A_31 = tpu.sem_alloc : memref<!tpu.dma_semaphore, #tpu.memory_space<semaphore_mem>>
      %dma_start3A_32 = arith.constant 0 : i32
      %dma_start3A_33 = arith.constant 0 : i32
      %dma_start3A_34 = tpu.memref_slice %arg3[%add3A, %run_scoped3A, %dma_start3A_32, %dma_start3A_33] : memref<32x90x2x112xi32, #tpu.memory_space<hbm>> -> memref<1x1x2x112xi32, #tpu.memory_space<hbm>>
      %dma_start3A_35 = tpu.memref_squeeze %dma_start3A_34 : memref<1x1x2x112xi32, #tpu.memory_space<hbm>> -> memref<2x112xi32, #tpu.memory_space<hbm>>
      %dma_start3A_36 = arith.constant 0 : i32
      %dma_start3A_37 = arith.constant 0 : i32
      %dma_start3A_38 = tpu.memref_slice %arg3[%add3A, %run_scoped3A, %dma_start3A_36, %dma_start3A_37] : memref<32x90x2x112xi32, #tpu.memory_space<hbm>> -> memref<1x1x2x112xi32, #tpu.memory_space<hbm>>
      %dma_start3A_39 = tpu.memref_squeeze %dma_start3A_38 : memref<1x1x2x112xi32, #tpu.memory_space<hbm>> -> memref<2x112xi32, #tpu.memory_space<hbm>>
      tpu.enqueue_dma source(%dma_start3A_39 : memref<2x112xi32, #tpu.memory_space<hbm>>) target(%arg5 : memref<2x112xi32, #tpu.memory_space<vmem>>) target_semaphore(%run_scoped3A_31 : memref<!tpu.dma_semaphore, #tpu.memory_space<semaphore_mem>>)
      %dma_wait3A_40 = arith.constant 0 : i32
      %dma_wait3A_41 = arith.constant 0 : i32
      %dma_wait3A_42 = tpu.memref_slice %arg3[%add3A, %run_scoped3A, %dma_wait3A_40, %dma_wait3A_41] : memref<32x90x2x112xi32, #tpu.memory_space<hbm>> -> memref<1x1x2x112xi32, #tpu.memory_space<hbm>>
      %dma_wait3A_43 = tpu.memref_squeeze %dma_wait3A_42 : memref<1x1x2x112xi32, #tpu.memory_space<hbm>> -> memref<2x112xi32, #tpu.memory_space<hbm>>
      %dma_wait3A_44 = arith.constant 0 : i32
      %dma_wait3A_45 = arith.constant 0 : i32
      %dma_wait3A_46 = tpu.memref_slice %arg3[%add3A, %run_scoped3A, %dma_wait3A_44, %dma_wait3A_45] : memref<32x90x2x112xi32, #tpu.memory_space<hbm>> -> memref<1x1x2x112xi32, #tpu.memory_space<hbm>>
      %dma_wait3A_47 = tpu.memref_squeeze %dma_wait3A_46 : memref<1x1x2x112xi32, #tpu.memory_space<hbm>> -> memref<2x112xi32, #tpu.memory_space<hbm>>
      tpu.wait_dma2 semaphore(%run_scoped3A_31 : memref<!tpu.dma_semaphore, #tpu.memory_space<semaphore_mem>>) src(%dma_wait3A_47 : memref<2x112xi32, #tpu.memory_space<hbm>>) dst(%arg5 : memref<2x112xi32, #tpu.memory_space<vmem>>)
      tpu.yield
    }) : () -> ()
    %dma_start3A = arith.constant 0 : i32
    %dma_start3A_10 = arith.constant 0 : i32
    %dma_start3A_11 = tpu.memref_slice %arg5[%dma_start3A, %dma_start3A_10] : memref<2x112xi32, #tpu.memory_space<vmem>> -> memref<1x112xi32, #tpu.memory_space<vmem>>
    %dma_start3A_12 = tpu.memref_squeeze %dma_start3A_11 : memref<1x112xi32, #tpu.memory_space<vmem>> -> memref<112xi32, #tpu.memory_space<vmem>>
    %dma_start3A_13 = arith.constant 0 : i32
    %dma_start3A_14 = arith.constant 0 : i32
    %dma_start3A_15 = tpu.memref_slice %arg2[%dma_start3A_13, %dma_start3A_14] : memref<10240x128xf32, #tpu.memory_space<hbm>> -> memref<10240x128xf32, #tpu.memory_space<hbm>>
    tpu.enqueue_indirect_dma source(%dma_start3A_15 : memref<10240x128xf32, #tpu.memory_space<hbm>>) target(%arg7 : memref<112x128xf32, #tpu.memory_space<vmem>>) offsets(%dma_start3A_12 : memref<112xi32, #tpu.memory_space<vmem>>) semaphore(%arg10 : memref<!tpu.dma_semaphore, #tpu.memory_space<semaphore_mem>>)
    %run_scoped3A_16 = arith.constant 1 : i32
    "tpu.region"() ({
      %run_scoped3A_31 = tpu.sem_alloc : memref<!tpu.dma_semaphore, #tpu.memory_space<semaphore_mem>>
      %dma_start3A_32 = arith.constant 0 : i32
      %dma_start3A_33 = arith.constant 0 : i32
      %dma_start3A_34 = tpu.memref_slice %arg3[%add3A, %run_scoped3A_16, %dma_start3A_32, %dma_start3A_33] : memref<32x90x2x112xi32, #tpu.memory_space<hbm>> -> memref<1x1x2x112xi32, #tpu.memory_space<hbm>>
      %dma_start3A_35 = tpu.memref_squeeze %dma_start3A_34 : memref<1x1x2x112xi32, #tpu.memory_space<hbm>> -> memref<2x112xi32, #tpu.memory_space<hbm>>
      %dma_start3A_36 = arith.constant 0 : i32
      %dma_start3A_37 = arith.constant 0 : i32
      %dma_start3A_38 = tpu.memref_slice %arg3[%add3A, %run_scoped3A_16, %dma_start3A_36, %dma_start3A_37] : memref<32x90x2x112xi32, #tpu.memory_space<hbm>> -> memref<1x1x2x112xi32, #tpu.memory_space<hbm>>
      %dma_start3A_39 = tpu.memref_squeeze %dma_start3A_38 : memref<1x1x2x112xi32, #tpu.memory_space<hbm>> -> memref<2x112xi32, #tpu.memory_space<hbm>>
      tpu.enqueue_dma source(%dma_start3A_39 : memref<2x112xi32, #tpu.memory_space<hbm>>) target(%arg6 : memref<2x112xi32, #tpu.memory_space<vmem>>) target_semaphore(%run_scoped3A_31 : memref<!tpu.dma_semaphore, #tpu.memory_space<semaphore_mem>>)
      %dma_wait3A_40 = arith.constant 0 : i32
      %dma_wait3A_41 = arith.constant 0 : i32
      %dma_wait3A_42 = tpu.memref_slice %arg3[%add3A, %run_scoped3A_16, %dma_wait3A_40, %dma_wait3A_41] : memref<32x90x2x112xi32, #tpu.memory_space<hbm>> -> memref<1x1x2x112xi32, #tpu.memory_space<hbm>>
      %dma_wait3A_43 = tpu.memref_squeeze %dma_wait3A_42 : memref<1x1x2x112xi32, #tpu.memory_space<hbm>> -> memref<2x112xi32, #tpu.memory_space<hbm>>
      %dma_wait3A_44 = arith.constant 0 : i32
      %dma_wait3A_45 = arith.constant 0 : i32
      %dma_wait3A_46 = tpu.memref_slice %arg3[%add3A, %run_scoped3A_16, %dma_wait3A_44, %dma_wait3A_45] : memref<32x90x2x112xi32, #tpu.memory_space<hbm>> -> memref<1x1x2x112xi32, #tpu.memory_space<hbm>>
      %dma_wait3A_47 = tpu.memref_squeeze %dma_wait3A_46 : memref<1x1x2x112xi32, #tpu.memory_space<hbm>> -> memref<2x112xi32, #tpu.memory_space<hbm>>
      tpu.wait_dma2 semaphore(%run_scoped3A_31 : memref<!tpu.dma_semaphore, #tpu.memory_space<semaphore_mem>>) src(%dma_wait3A_47 : memref<2x112xi32, #tpu.memory_space<hbm>>) dst(%arg6 : memref<2x112xi32, #tpu.memory_space<vmem>>)
      tpu.yield
    }) : () -> ()
    %scan3A_17 = arith.constant 0 : i32
    %scan3A_18 = arith.constant 45 : i32
    %scan3A_19 = arith.addi %scan3A_17, %scan3A_18 : i32
    %scan3A_20 = arith.constant 1 : i32
    scf.for %scan3A_31 = %scan3A_17 to %scan3A_19 step %scan3A_20  : i32 {
      %mul3A_32 = arith.constant 2 : i32
      %mul3A_33 = arith.muli %mul3A_32, %scan3A_31 : i32
      %add3A_34 = arith.constant 2 : i32
      %add3A_35 = arith.addi %mul3A_33, %add3A_34 : i32
      %min3A = arith.constant 89 : i32
      %min3A_36 = arith.minsi %add3A_35, %min3A : i32
      %add3A_37 = arith.constant 3 : i32
      %add3A_38 = arith.addi %mul3A_33, %add3A_37 : i32
      %min3A_39 = arith.constant 89 : i32
      %min3A_40 = arith.minsi %add3A_38, %min3A_39 : i32
      %dma_start3A_41 = arith.constant 0 : i32
      %dma_start3A_42 = arith.constant 0 : i32
      %dma_start3A_43 = tpu.memref_slice %arg6[%dma_start3A_41, %dma_start3A_42] : memref<2x112xi32, #tpu.memory_space<vmem>> -> memref<1x112xi32, #tpu.memory_space<vmem>>
      %dma_start3A_44 = tpu.memref_squeeze %dma_start3A_43 : memref<1x112xi32, #tpu.memory_space<vmem>> -> memref<112xi32, #tpu.memory_space<vmem>>
      %dma_start3A_45 = arith.constant 0 : i32
      %dma_start3A_46 = arith.constant 0 : i32
      %dma_start3A_47 = tpu.memref_slice %arg2[%dma_start3A_45, %dma_start3A_46] : memref<10240x128xf32, #tpu.memory_space<hbm>> -> memref<10240x128xf32, #tpu.memory_space<hbm>>
      tpu.enqueue_indirect_dma source(%dma_start3A_47 : memref<10240x128xf32, #tpu.memory_space<hbm>>) target(%arg8 : memref<112x128xf32, #tpu.memory_space<vmem>>) offsets(%dma_start3A_44 : memref<112xi32, #tpu.memory_space<vmem>>) semaphore(%arg11 : memref<!tpu.dma_semaphore, #tpu.memory_space<semaphore_mem>>)
      %dma_wait3A_48 = arith.constant 0 : i32
      %dma_wait3A_49 = arith.constant 0 : i32
      %dma_wait3A_50 = tpu.memref_slice %arg5[%dma_wait3A_48, %dma_wait3A_49] : memref<2x112xi32, #tpu.memory_space<vmem>> -> memref<1x112xi32, #tpu.memory_space<vmem>>
      %dma_wait3A_51 = tpu.memref_squeeze %dma_wait3A_50 : memref<1x112xi32, #tpu.memory_space<vmem>> -> memref<112xi32, #tpu.memory_space<vmem>>
      %dma_wait3A_52 = arith.constant 0 : i32
      %dma_wait3A_53 = arith.constant 0 : i32
      %dma_wait3A_54 = tpu.memref_slice %arg2[%dma_wait3A_52, %dma_wait3A_53] : memref<10240x128xf32, #tpu.memory_space<hbm>> -> memref<10240x128xf32, #tpu.memory_space<hbm>>
      tpu.wait_indirect_dma semaphore(%arg10 : memref<!tpu.dma_semaphore, #tpu.memory_space<semaphore_mem>>) src(%dma_wait3A_54 : memref<10240x128xf32, #tpu.memory_space<hbm>>) dst(%arg7 : memref<112x128xf32, #tpu.memory_space<vmem>>)
      %run_scoped3A_55 = arith.constant 1 : i32
      "tpu.region"() ({
        %run_scoped3A_103 = tpu.sem_alloc : memref<!tpu.dma_semaphore, #tpu.memory_space<semaphore_mem>>
        %dma_start3A_104 = arith.constant 0 : i32
        %dma_start3A_105 = tpu.memref_slice %arg5[%run_scoped3A_55, %dma_start3A_104] : memref<2x112xi32, #tpu.memory_space<vmem>> -> memref<1x112xi32, #tpu.memory_space<vmem>>
        %dma_start3A_106 = tpu.memref_squeeze %dma_start3A_105 : memref<1x112xi32, #tpu.memory_space<vmem>> -> memref<112xi32, #tpu.memory_space<vmem>>
        %dma_start3A_107 = arith.constant 0 : i32
        %dma_start3A_108 = arith.constant 0 : i32
        %dma_start3A_109 = tpu.memref_slice %arg9[%dma_start3A_107, %dma_start3A_108] : memref<10240x128xf32, #tpu.memory_space<vmem_shared>> -> memref<10240x128xf32, #tpu.memory_space<vmem_shared>>
        tpu.enqueue_indirect_dma source(%arg7 : memref<112x128xf32, #tpu.memory_space<vmem>>) target(%dma_start3A_109 : memref<10240x128xf32, #tpu.memory_space<vmem_shared>>) offsets(%dma_start3A_106 : memref<112xi32, #tpu.memory_space<vmem>>) semaphore(%run_scoped3A_103 : memref<!tpu.dma_semaphore, #tpu.memory_space<semaphore_mem>>) {add = true}
        %dma_wait3A_110 = arith.constant 0 : i32
        %dma_wait3A_111 = tpu.memref_slice %arg5[%run_scoped3A_55, %dma_wait3A_110] : memref<2x112xi32, #tpu.memory_space<vmem>> -> memref<1x112xi32, #tpu.memory_space<vmem>>
        %dma_wait3A_112 = tpu.memref_squeeze %dma_wait3A_111 : memref<1x112xi32, #tpu.memory_space<vmem>> -> memref<112xi32, #tpu.memory_space<vmem>>
        %dma_wait3A_113 = arith.constant 0 : i32
        %dma_wait3A_114 = arith.constant 0 : i32
        %dma_wait3A_115 = tpu.memref_slice %arg9[%dma_wait3A_113, %dma_wait3A_114] : memref<10240x128xf32, #tpu.memory_space<vmem_shared>> -> memref<10240x128xf32, #tpu.memory_space<vmem_shared>>
        tpu.wait_indirect_dma semaphore(%run_scoped3A_103 : memref<!tpu.dma_semaphore, #tpu.memory_space<semaphore_mem>>) src(%arg7 : memref<112x128xf32, #tpu.memory_space<vmem>>) dst(%dma_wait3A_115 : memref<10240x128xf32, #tpu.memory_space<vmem_shared>>)
        tpu.yield
      }) : () -> ()
      %dma_start3A_56 = arith.constant 0 : i32
      %dma_start3A_57 = arith.constant 0 : i32
      %dma_start3A_58 = tpu.memref_slice %arg3[%add3A, %min3A_36, %dma_start3A_56, %dma_start3A_57] : memref<32x90x2x112xi32, #tpu.memory_space<hbm>> -> memref<1x1x2x112xi32, #tpu.memory_space<hbm>>
      %dma_start3A_59 = tpu.memref_squeeze %dma_start3A_58 : memref<1x1x2x112xi32, #tpu.memory_space<hbm>> -> memref<2x112xi32, #tpu.memory_space<hbm>>
      %dma_start3A_60 = arith.constant 0 : i32
      %dma_start3A_61 = arith.constant 0 : i32
      %dma_start3A_62 = tpu.memref_slice %arg3[%add3A, %min3A_36, %dma_start3A_60, %dma_start3A_61] : memref<32x90x2x112xi32, #tpu.memory_space<hbm>> -> memref<1x1x2x112xi32, #tpu.memory_space<hbm>>
      %dma_start3A_63 = tpu.memref_squeeze %dma_start3A_62 : memref<1x1x2x112xi32, #tpu.memory_space<hbm>> -> memref<2x112xi32, #tpu.memory_space<hbm>>
      tpu.enqueue_dma source(%dma_start3A_63 : memref<2x112xi32, #tpu.memory_space<hbm>>) target(%arg5 : memref<2x112xi32, #tpu.memory_space<vmem>>) target_semaphore(%arg12 : memref<!tpu.dma_semaphore, #tpu.memory_space<semaphore_mem>>)
      %dma_wait3A_64 = arith.constant 0 : i32
      %dma_wait3A_65 = arith.constant 0 : i32
      %dma_wait3A_66 = tpu.memref_slice %arg6[%dma_wait3A_64, %dma_wait3A_65] : memref<2x112xi32, #tpu.memory_space<vmem>> -> memref<1x112xi32, #tpu.memory_space<vmem>>
      %dma_wait3A_67 = tpu.memref_squeeze %dma_wait3A_66 : memref<1x112xi32, #tpu.memory_space<vmem>> -> memref<112xi32, #tpu.memory_space<vmem>>
      %dma_wait3A_68 = arith.constant 0 : i32
      %dma_wait3A_69 = arith.constant 0 : i32
      %dma_wait3A_70 = tpu.memref_slice %arg2[%dma_wait3A_68, %dma_wait3A_69] : memref<10240x128xf32, #tpu.memory_space<hbm>> -> memref<10240x128xf32, #tpu.memory_space<hbm>>
      tpu.wait_indirect_dma semaphore(%arg11 : memref<!tpu.dma_semaphore, #tpu.memory_space<semaphore_mem>>) src(%dma_wait3A_70 : memref<10240x128xf32, #tpu.memory_space<hbm>>) dst(%arg8 : memref<112x128xf32, #tpu.memory_space<vmem>>)
      %dma_wait3A_71 = arith.constant 0 : i32
      %dma_wait3A_72 = arith.constant 0 : i32
      %dma_wait3A_73 = tpu.memref_slice %arg3[%add3A, %min3A_36, %dma_wait3A_71, %dma_wait3A_72] : memref<32x90x2x112xi32, #tpu.memory_space<hbm>> -> memref<1x1x2x112xi32, #tpu.memory_space<hbm>>
      %dma_wait3A_74 = tpu.memref_squeeze %dma_wait3A_73 : memref<1x1x2x112xi32, #tpu.memory_space<hbm>> -> memref<2x112xi32, #tpu.memory_space<hbm>>
      %dma_wait3A_75 = arith.constant 0 : i32
      %dma_wait3A_76 = arith.constant 0 : i32
      %dma_wait3A_77 = tpu.memref_slice %arg3[%add3A, %min3A_36, %dma_wait3A_75, %dma_wait3A_76] : memref<32x90x2x112xi32, #tpu.memory_space<hbm>> -> memref<1x1x2x112xi32, #tpu.memory_space<hbm>>
      %dma_wait3A_78 = tpu.memref_squeeze %dma_wait3A_77 : memref<1x1x2x112xi32, #tpu.memory_space<hbm>> -> memref<2x112xi32, #tpu.memory_space<hbm>>
      tpu.wait_dma2 semaphore(%arg12 : memref<!tpu.dma_semaphore, #tpu.memory_space<semaphore_mem>>) src(%dma_wait3A_78 : memref<2x112xi32, #tpu.memory_space<hbm>>) dst(%arg5 : memref<2x112xi32, #tpu.memory_space<vmem>>)
      %dma_start3A_79 = arith.constant 0 : i32
      %dma_start3A_80 = arith.constant 0 : i32
      %dma_start3A_81 = tpu.memref_slice %arg5[%dma_start3A_79, %dma_start3A_80] : memref<2x112xi32, #tpu.memory_space<vmem>> -> memref<1x112xi32, #tpu.memory_space<vmem>>
      %dma_start3A_82 = tpu.memref_squeeze %dma_start3A_81 : memref<1x112xi32, #tpu.memory_space<vmem>> -> memref<112xi32, #tpu.memory_space<vmem>>
      %dma_start3A_83 = arith.constant 0 : i32
      %dma_start3A_84 = arith.constant 0 : i32
      %dma_start3A_85 = tpu.memref_slice %arg2[%dma_start3A_83, %dma_start3A_84] : memref<10240x128xf32, #tpu.memory_space<hbm>> -> memref<10240x128xf32, #tpu.memory_space<hbm>>
      tpu.enqueue_indirect_dma source(%dma_start3A_85 : memref<10240x128xf32, #tpu.memory_space<hbm>>) target(%arg7 : memref<112x128xf32, #tpu.memory_space<vmem>>) offsets(%dma_start3A_82 : memref<112xi32, #tpu.memory_space<vmem>>) semaphore(%arg10 : memref<!tpu.dma_semaphore, #tpu.memory_space<semaphore_mem>>)
      %run_scoped3A_86 = arith.constant 1 : i32
      "tpu.region"() ({
        %run_scoped3A_103 = tpu.sem_alloc : memref<!tpu.dma_semaphore, #tpu.memory_space<semaphore_mem>>
        %dma_start3A_104 = arith.constant 0 : i32
        %dma_start3A_105 = tpu.memref_slice %arg6[%run_scoped3A_86, %dma_start3A_104] : memref<2x112xi32, #tpu.memory_space<vmem>> -> memref<1x112xi32, #tpu.memory_space<vmem>>
        %dma_start3A_106 = tpu.memref_squeeze %dma_start3A_105 : memref<1x112xi32, #tpu.memory_space<vmem>> -> memref<112xi32, #tpu.memory_space<vmem>>
        %dma_start3A_107 = arith.constant 0 : i32
        %dma_start3A_108 = arith.constant 0 : i32
        %dma_start3A_109 = tpu.memref_slice %arg9[%dma_start3A_107, %dma_start3A_108] : memref<10240x128xf32, #tpu.memory_space<vmem_shared>> -> memref<10240x128xf32, #tpu.memory_space<vmem_shared>>
        tpu.enqueue_indirect_dma source(%arg8 : memref<112x128xf32, #tpu.memory_space<vmem>>) target(%dma_start3A_109 : memref<10240x128xf32, #tpu.memory_space<vmem_shared>>) offsets(%dma_start3A_106 : memref<112xi32, #tpu.memory_space<vmem>>) semaphore(%run_scoped3A_103 : memref<!tpu.dma_semaphore, #tpu.memory_space<semaphore_mem>>) {add = true}
        %dma_wait3A_110 = arith.constant 0 : i32
        %dma_wait3A_111 = tpu.memref_slice %arg6[%run_scoped3A_86, %dma_wait3A_110] : memref<2x112xi32, #tpu.memory_space<vmem>> -> memref<1x112xi32, #tpu.memory_space<vmem>>
        %dma_wait3A_112 = tpu.memref_squeeze %dma_wait3A_111 : memref<1x112xi32, #tpu.memory_space<vmem>> -> memref<112xi32, #tpu.memory_space<vmem>>
        %dma_wait3A_113 = arith.constant 0 : i32
        %dma_wait3A_114 = arith.constant 0 : i32
        %dma_wait3A_115 = tpu.memref_slice %arg9[%dma_wait3A_113, %dma_wait3A_114] : memref<10240x128xf32, #tpu.memory_space<vmem_shared>> -> memref<10240x128xf32, #tpu.memory_space<vmem_shared>>
        tpu.wait_indirect_dma semaphore(%run_scoped3A_103 : memref<!tpu.dma_semaphore, #tpu.memory_space<semaphore_mem>>) src(%arg8 : memref<112x128xf32, #tpu.memory_space<vmem>>) dst(%dma_wait3A_115 : memref<10240x128xf32, #tpu.memory_space<vmem_shared>>)
        tpu.yield
      }) : () -> ()
      %dma_start3A_87 = arith.constant 0 : i32
      %dma_start3A_88 = arith.constant 0 : i32
      %dma_start3A_89 = tpu.memref_slice %arg3[%add3A, %min3A_40, %dma_start3A_87, %dma_start3A_88] : memref<32x90x2x112xi32, #tpu.memory_space<hbm>> -> memref<1x1x2x112xi32, #tpu.memory_space<hbm>>
      %dma_start3A_90 = tpu.memref_squeeze %dma_start3A_89 : memref<1x1x2x112xi32, #tpu.memory_space<hbm>> -> memref<2x112xi32, #tpu.memory_space<hbm>>
      %dma_start3A_91 = arith.constant 0 : i32
      %dma_start3A_92 = arith.constant 0 : i32
      %dma_start3A_93 = tpu.memref_slice %arg3[%add3A, %min3A_40, %dma_start3A_91, %dma_start3A_92] : memref<32x90x2x112xi32, #tpu.memory_space<hbm>> -> memref<1x1x2x112xi32, #tpu.memory_space<hbm>>
      %dma_start3A_94 = tpu.memref_squeeze %dma_start3A_93 : memref<1x1x2x112xi32, #tpu.memory_space<hbm>> -> memref<2x112xi32, #tpu.memory_space<hbm>>
      tpu.enqueue_dma source(%dma_start3A_94 : memref<2x112xi32, #tpu.memory_space<hbm>>) target(%arg6 : memref<2x112xi32, #tpu.memory_space<vmem>>) target_semaphore(%arg13 : memref<!tpu.dma_semaphore, #tpu.memory_space<semaphore_mem>>)
      %dma_wait3A_95 = arith.constant 0 : i32
      %dma_wait3A_96 = arith.constant 0 : i32
      %dma_wait3A_97 = tpu.memref_slice %arg3[%add3A, %min3A_40, %dma_wait3A_95, %dma_wait3A_96] : memref<32x90x2x112xi32, #tpu.memory_space<hbm>> -> memref<1x1x2x112xi32, #tpu.memory_space<hbm>>
      %dma_wait3A_98 = tpu.memref_squeeze %dma_wait3A_97 : memref<1x1x2x112xi32, #tpu.memory_space<hbm>> -> memref<2x112xi32, #tpu.memory_space<hbm>>
      %dma_wait3A_99 = arith.constant 0 : i32
      %dma_wait3A_100 = arith.constant 0 : i32
      %dma_wait3A_101 = tpu.memref_slice %arg3[%add3A, %min3A_40, %dma_wait3A_99, %dma_wait3A_100] : memref<32x90x2x112xi32, #tpu.memory_space<hbm>> -> memref<1x1x2x112xi32, #tpu.memory_space<hbm>>
      %dma_wait3A_102 = tpu.memref_squeeze %dma_wait3A_101 : memref<1x1x2x112xi32, #tpu.memory_space<hbm>> -> memref<2x112xi32, #tpu.memory_space<hbm>>
      tpu.wait_dma2 semaphore(%arg13 : memref<!tpu.dma_semaphore, #tpu.memory_space<semaphore_mem>>) src(%dma_wait3A_102 : memref<2x112xi32, #tpu.memory_space<hbm>>) dst(%arg6 : memref<2x112xi32, #tpu.memory_space<vmem>>)
    }
    %scan3A_21 = arith.constant 45 : i32
    %dma_wait3A = arith.constant 0 : i32
    %dma_wait3A_22 = arith.constant 0 : i32
    %dma_wait3A_23 = tpu.memref_slice %arg5[%dma_wait3A, %dma_wait3A_22] : memref<2x112xi32, #tpu.memory_space<vmem>> -> memref<1x112xi32, #tpu.memory_space<vmem>>
    %dma_wait3A_24 = tpu.memref_squeeze %dma_wait3A_23 : memref<1x112xi32, #tpu.memory_space<vmem>> -> memref<112xi32, #tpu.memory_space<vmem>>
    %dma_wait3A_25 = arith.constant 0 : i32
    %dma_wait3A_26 = arith.constant 0 : i32
    %dma_wait3A_27 = tpu.memref_slice %arg2[%dma_wait3A_25, %dma_wait3A_26] : memref<10240x128xf32, #tpu.memory_space<hbm>> -> memref<10240x128xf32, #tpu.memory_space<hbm>>
    tpu.wait_indirect_dma semaphore(%arg10 : memref<!tpu.dma_semaphore, #tpu.memory_space<semaphore_mem>>) src(%dma_wait3A_27 : memref<10240x128xf32, #tpu.memory_space<hbm>>) dst(%arg7 : memref<112x128xf32, #tpu.memory_space<vmem>>)
    %barrier3A_28 = arith.constant 0 : index
    tpu.barrier barrier_id(%barrier3A_28)
    %mul3A_29 = arith.constant 640 : i32
    %mul3A_30 = arith.muli %arg1, %mul3A_29 : i32
    "tpu.region"() ({
      %run_scoped3A_31 = tpu.sem_alloc : memref<!tpu.dma_semaphore, #tpu.memory_space<semaphore_mem>>
      %dma_start3A_32 = arith.constant 0 : i32
      %dma_start3A_33 = tpu.memref_slice %arg4[%arg0, %mul3A_30, %dma_start3A_32] : memref<2x10240x128xf32, #tpu.memory_space<hbm>> -> memref<1x640x128xf32, #tpu.memory_space<hbm>>
      %dma_start3A_34 = tpu.memref_squeeze %dma_start3A_33 : memref<1x640x128xf32, #tpu.memory_space<hbm>> -> memref<640x128xf32, #tpu.memory_space<hbm>>
      %dma_start3A_35 = arith.constant 0 : i32
      %dma_start3A_36 = tpu.memref_slice %arg9[%mul3A_30, %dma_start3A_35] : memref<10240x128xf32, #tpu.memory_space<vmem_shared>> -> memref<640x128xf32, #tpu.memory_space<vmem_shared>>
      tpu.enqueue_dma source(%dma_start3A_36 : memref<640x128xf32, #tpu.memory_space<vmem_shared>>) target(%dma_start3A_34 : memref<640x128xf32, #tpu.memory_space<hbm>>) target_semaphore(%run_scoped3A_31 : memref<!tpu.dma_semaphore, #tpu.memory_space<semaphore_mem>>)
      %dma_wait3A_37 = arith.constant 0 : i32
      %dma_wait3A_38 = tpu.memref_slice %arg4[%arg0, %mul3A_30, %dma_wait3A_37] : memref<2x10240x128xf32, #tpu.memory_space<hbm>> -> memref<1x640x128xf32, #tpu.memory_space<hbm>>
      %dma_wait3A_39 = tpu.memref_squeeze %dma_wait3A_38 : memref<1x640x128xf32, #tpu.memory_space<hbm>> -> memref<640x128xf32, #tpu.memory_space<hbm>>
      %dma_wait3A_40 = arith.constant 0 : i32
      %dma_wait3A_41 = tpu.memref_slice %arg9[%mul3A_30, %dma_wait3A_40] : memref<10240x128xf32, #tpu.memory_space<vmem_shared>> -> memref<640x128xf32, #tpu.memory_space<vmem_shared>>
      tpu.wait_dma2 semaphore(%run_scoped3A_31 : memref<!tpu.dma_semaphore, #tpu.memory_space<semaphore_mem>>) src(%dma_wait3A_41 : memref<640x128xf32, #tpu.memory_space<vmem_shared>>) dst(%dma_wait3A_39 : memref<640x128xf32, #tpu.memory_space<hbm>>)
      tpu.yield
    }) : () -> ()
    return
  }
}

module attributes {stable_mosaic.version = 14 : i64} {
  func.func @_tc_prep_body(%arg0: i32, %arg1: memref<1024x4xf32, #tpu.memory_space<vmem>>, %arg2: memref<1024x128xf32, #tpu.memory_space<vmem>>, %arg3: memref<1024x1xf32, #tpu.memory_space<vmem>>, %arg4: memref<1024x1xf32, #tpu.memory_space<vmem>>, %arg5: memref<1024x128xf32, #tpu.memory_space<vmem>>) attributes {dimension_semantics = [#tpu.dimension_semantics<arbitrary>], iteration_bounds = array<i64: 10>, scalar_prefetch = 0 : i64, scratch_operands = 0 : i64, tpu.core_type = #tpu.core_type<tc>, window_params = [{transform_indices = @transform_0, window_bounds = array<i64: 1024, 4>}, {transform_indices = @transform_1, window_bounds = array<i64: 1024, 128>}, {transform_indices = @transform_2, window_bounds = array<i64: 1024, 1>}, {transform_indices = @transform_3, window_bounds = array<i64: 1024, 1>}, {transform_indices = @transform_4, window_bounds = array<i64: 1024, 128>}]} {
    %get3A = arith.constant 0 : index
    %get3A_0 = arith.constant 0 : index
    %get3A_1 = vector.load %arg1[%get3A, %get3A_0] : memref<1024x4xf32, #tpu.memory_space<vmem>>, vector<1024x4xf32>
    %slice3A = vector.extract_strided_slice %get3A_1 {offsets = [0, 0], sizes = [1024, 1], strides = [1, 1]} : vector<1024x4xf32> to vector<1024x1xf32>
    %slice3A_2 = vector.extract_strided_slice %get3A_1 {offsets = [0, 1], sizes = [1024, 1], strides = [1, 1]} : vector<1024x4xf32> to vector<1024x1xf32>
    %add3A = arith.addf %slice3A, %slice3A_2 : vector<1024x1xf32>
    %add3A_3 = arith.constant 1.000000e+00 : f32
    %add3A_4 = vector.broadcast %add3A_3 : f32 to vector<1024x1xf32>
    %add3A_5 = arith.addf %add3A, %add3A_4 : vector<1024x1xf32>
    %slice3A_6 = vector.extract_strided_slice %get3A_1 {offsets = [0, 2], sizes = [1024, 1], strides = [1, 1]} : vector<1024x4xf32> to vector<1024x1xf32>
    %slice3A_7 = vector.extract_strided_slice %get3A_1 {offsets = [0, 3], sizes = [1024, 1], strides = [1, 1]} : vector<1024x4xf32> to vector<1024x1xf32>
    %add3A_8 = arith.addf %slice3A_6, %slice3A_7 : vector<1024x1xf32>
    %add3A_9 = arith.constant 1.000000e+00 : f32
    %add3A_10 = vector.broadcast %add3A_9 : f32 to vector<1024x1xf32>
    %add3A_11 = arith.addf %add3A_8, %add3A_10 : vector<1024x1xf32>
    %log3A = math.log %add3A_5 : vector<1024x1xf32>
    %mul3A = arith.constant -2.000000e-01 : f32
    %mul3A_12 = vector.broadcast %mul3A : f32 to vector<1024x1xf32>
    %mul3A_13 = arith.mulf %mul3A_12, %log3A : vector<1024x1xf32>
    %exp3A = math.exp %mul3A_13 : vector<1024x1xf32>
    %log3A_14 = math.log %add3A_11 : vector<1024x1xf32>
    %mul3A_15 = arith.constant -8.000000e-01 : f32
    %mul3A_16 = vector.broadcast %mul3A_15 : f32 to vector<1024x1xf32>
    %mul3A_17 = arith.mulf %mul3A_16, %log3A_14 : vector<1024x1xf32>
    %exp3A_18 = math.exp %mul3A_17 : vector<1024x1xf32>
    %swap3A = arith.constant 0 : index
    %swap3A_19 = arith.constant 0 : index
    %swap3A_20 = vector.load %arg3[%swap3A, %swap3A_19] : memref<1024x1xf32, #tpu.memory_space<vmem>>, vector<1024x1xf32>
    tpu.vector_store %arg3[%swap3A, %swap3A_19], %exp3A {strides = array<i32>} : memref<1024x1xf32, #tpu.memory_space<vmem>>, vector<1024x1xf32>,
    %swap3A_21 = arith.constant 0 : index
    %swap3A_22 = arith.constant 0 : index
    %swap3A_23 = vector.load %arg4[%swap3A_21, %swap3A_22] : memref<1024x1xf32, #tpu.memory_space<vmem>>, vector<1024x1xf32>
    tpu.vector_store %arg4[%swap3A_21, %swap3A_22], %exp3A_18 {strides = array<i32>} : memref<1024x1xf32, #tpu.memory_space<vmem>>, vector<1024x1xf32>,
    %get3A_24 = arith.constant 0 : index
    %get3A_25 = arith.constant 0 : index
    %get3A_26 = vector.load %arg2[%get3A_24, %get3A_25] : memref<1024x128xf32, #tpu.memory_space<vmem>>, vector<1024x128xf32>
    %mul3A_27 = vector.broadcast %exp3A_18 : vector<1024x1xf32> to vector<1024x128xf32>
    %mul3A_28 = arith.mulf %get3A_26, %mul3A_27 : vector<1024x128xf32>
    %swap3A_29 = arith.constant 0 : index
    %swap3A_30 = arith.constant 0 : index
    %swap3A_31 = vector.load %arg5[%swap3A_29, %swap3A_30] : memref<1024x128xf32, #tpu.memory_space<vmem>>, vector<1024x128xf32>
    tpu.vector_store %arg5[%swap3A_29, %swap3A_30], %mul3A_28 {strides = array<i32>} : memref<1024x128xf32, #tpu.memory_space<vmem>>, vector<1024x128xf32>,
    return
  }
  func.func @transform_0(%arg0: i32) -> (i32, i32) {
    %c0_i32 = arith.constant 0 : i32
    %c0_i32_0 = arith.constant 0 : i32
    return %arg0, %c0_i32 : i32, i32
  }
  func.func @transform_1(%arg0: i32) -> (i32, i32) {
    %c0_i32 = arith.constant 0 : i32
    %c0_i32_0 = arith.constant 0 : i32
    return %arg0, %c0_i32 : i32, i32
  }
  func.func @transform_2(%arg0: i32) -> (i32, i32) {
    %c0_i32 = arith.constant 0 : i32
    %c0_i32_0 = arith.constant 0 : i32
    return %arg0, %c0_i32 : i32, i32
  }
  func.func @transform_3(%arg0: i32) -> (i32, i32) {
    %c0_i32 = arith.constant 0 : i32
    %c0_i32_0 = arith.constant 0 : i32
    return %arg0, %c0_i32 : i32, i32
  }
  func.func @transform_4(%arg0: i32) -> (i32, i32) {
    %c0_i32 = arith.constant 0 : i32
    %c0_i32_0 = arith.constant 0 : i32
    return %arg0, %c0_i32 : i32, i32
  }
}

module attributes {stable_mosaic.version = 14 : i64} {
  func.func @_tc_mid_body(%arg0: i32, %arg1: memref<2x1024x128xf32, #tpu.memory_space<vmem>>, %arg2: memref<1024x128xf32, #tpu.memory_space<vmem>>, %arg3: memref<1024x1xf32, #tpu.memory_space<vmem>>, %arg4: memref<1024x1xf32, #tpu.memory_space<vmem>>, %arg5: memref<1024x2xf32, #tpu.memory_space<vmem>>, %arg6: memref<128x64xf32, #tpu.memory_space<vmem>>, %arg7: memref<128x64xf32, #tpu.memory_space<vmem>>, %arg8: memref<1x64xf32, #tpu.memory_space<vmem>>, %arg9: memref<1x64xf32, #tpu.memory_space<vmem>>, %arg10: memref<1024x128xf32, #tpu.memory_space<vmem>>, %arg11: memref<1024x1xf32, #tpu.memory_space<vmem>>) attributes {dimension_semantics = [#tpu.dimension_semantics<arbitrary>], iteration_bounds = array<i64: 10>, scalar_prefetch = 0 : i64, scratch_operands = 0 : i64, tpu.core_type = #tpu.core_type<tc>, window_params = [{transform_indices = @transform_0, window_bounds = array<i64: 2, 1024, 128>}, {transform_indices = @transform_1, window_bounds = array<i64: 1024, 128>}, {transform_indices = @transform_2, window_bounds = array<i64: 1024, 1>}, {transform_indices = @transform_3, window_bounds = array<i64: 1024, 1>}, {transform_indices = @transform_4, window_bounds = array<i64: 1024, 2>}, {pipeline_mode = #tpu.pipeline_mode<synchronous>, transform_indices = @transform_5, window_bounds = array<i64: 128, 64>}, {pipeline_mode = #tpu.pipeline_mode<synchronous>, transform_indices = @transform_6, window_bounds = array<i64: 128, 64>}, {pipeline_mode = #tpu.pipeline_mode<synchronous>, transform_indices = @transform_7, window_bounds = array<i64: 1, 64>}, {pipeline_mode = #tpu.pipeline_mode<synchronous>, transform_indices = @transform_8, window_bounds = array<i64: 1, 64>}, {transform_indices = @transform_9, window_bounds = array<i64: 1024, 128>}, {transform_indices = @transform_10, window_bounds = array<i64: 1024, 1>}]} {
    %get3A = arith.constant 0 : index
    %get3A_0 = arith.constant 0 : index
    %get3A_1 = vector.load %arg3[%get3A, %get3A_0] : memref<1024x1xf32, #tpu.memory_space<vmem>>, vector<1024x1xf32>
    %get3A_2 = arith.constant 0 : index
    %get3A_3 = arith.constant 0 : index
    %get3A_4 = vector.load %arg4[%get3A_2, %get3A_3] : memref<1024x1xf32, #tpu.memory_space<vmem>>, vector<1024x1xf32>
    %get3A_5 = arith.constant 0 : index
    %get3A_6 = arith.constant 0 : index
    %get3A_7 = arith.constant 0 : index
    %get3A_8 = vector.load %arg1[%get3A_5, %get3A_6, %get3A_7] : memref<2x1024x128xf32, #tpu.memory_space<vmem>>, vector<1x1024x128xf32>
    %get3A_9 = vector.shape_cast %get3A_8 : vector<1x1024x128xf32> to vector<1024x128xf32>
    %get3A_10 = arith.constant 1 : index
    %get3A_11 = arith.constant 0 : index
    %get3A_12 = arith.constant 0 : index
    %get3A_13 = vector.load %arg1[%get3A_10, %get3A_11, %get3A_12] : memref<2x1024x128xf32, #tpu.memory_space<vmem>>, vector<1x1024x128xf32>
    %get3A_14 = vector.shape_cast %get3A_13 : vector<1x1024x128xf32> to vector<1024x128xf32>
    %add3A = arith.addf %get3A_9, %get3A_14 : vector<1024x128xf32>
    %get3A_15 = arith.constant 0 : index
    %get3A_16 = arith.constant 0 : index
    %get3A_17 = vector.load %arg2[%get3A_15, %get3A_16] : memref<1024x128xf32, #tpu.memory_space<vmem>>, vector<1024x128xf32>
    %add3A_18 = arith.addf %add3A, %get3A_17 : vector<1024x128xf32>
    %mul3A = vector.broadcast %get3A_1 : vector<1024x1xf32> to vector<1024x128xf32>
    %mul3A_19 = arith.mulf %mul3A, %add3A_18 : vector<1024x128xf32>
    %get3A_20 = arith.constant 0 : index
    %get3A_21 = arith.constant 0 : index
    %get3A_22 = vector.load %arg5[%get3A_20, %get3A_21] : memref<1024x2xf32, #tpu.memory_space<vmem>>, vector<1024x2xf32>
    %slice3A = vector.extract_strided_slice %get3A_22 {offsets = [0, 0], sizes = [1024, 1], strides = [1, 1]} : vector<1024x2xf32> to vector<1024x1xf32>
    %slice3A_23 = vector.extract_strided_slice %get3A_22 {offsets = [0, 1], sizes = [1024, 1], strides = [1, 1]} : vector<1024x2xf32> to vector<1024x1xf32>
    %add3A_24 = arith.addf %slice3A, %slice3A_23 : vector<1024x1xf32>
    %add3A_25 = arith.addf %add3A_24, %get3A_4 : vector<1024x1xf32>
    %mul3A_26 = arith.mulf %get3A_1, %add3A_25 : vector<1024x1xf32>
    %get3A_27 = arith.constant 0 : index
    %get3A_28 = arith.constant 0 : index
    %get3A_29 = vector.load %arg6[%get3A_27, %get3A_28] : memref<128x64xf32, #tpu.memory_space<vmem>>, vector<128x64xf32>
    %dot_general3A = arith.constant dense<0.000000e+00> : vector<1024x64xf32>
    %dot_general3A_30 = tpu.matmul %mul3A_19, %get3A_29, %dot_general3A {dimension_numbers = #tpu.dot_dimension_numbers<[1], [0], [0], [1], [0, 0, 1, 1], [], []>, transpose_lhs_hint = false} : vector<1024x128xf32>, vector<128x64xf32>, vector<1024x64xf32> -> vector<1024x64xf32>
    %get3A_31 = arith.constant 0 : index
    %get3A_32 = arith.constant 0 : index
    %get3A_33 = vector.load %arg8[%get3A_31, %get3A_32] : memref<1x64xf32, #tpu.memory_space<vmem>>, vector<1x64xf32>
    %mul3A_34 = vector.broadcast %mul3A_26 : vector<1024x1xf32> to vector<1024x64xf32>
    %mul3A_35 = vector.broadcast %get3A_33 : vector<1x64xf32> to vector<1024x64xf32>
    %mul3A_36 = arith.mulf %mul3A_34, %mul3A_35 : vector<1024x64xf32>
    %add3A_37 = arith.addf %dot_general3A_30, %mul3A_36 : vector<1024x64xf32>
    %max3A = arith.constant 0.000000e+00 : f32
    %max3A_38 = vector.broadcast %max3A : f32 to vector<1024x64xf32>
    %max3A_39 = arith.maximumf %add3A_37, %max3A_38 : vector<1024x64xf32>
    %get3A_40 = arith.constant 0 : index
    %get3A_41 = arith.constant 0 : index
    %get3A_42 = vector.load %arg7[%get3A_40, %get3A_41] : memref<128x64xf32, #tpu.memory_space<vmem>>, vector<128x64xf32>
    %dot_general3A_43 = arith.constant dense<0.000000e+00> : vector<1024x64xf32>
    %dot_general3A_44 = tpu.matmul %mul3A_19, %get3A_42, %dot_general3A_43 {dimension_numbers = #tpu.dot_dimension_numbers<[1], [0], [0], [1], [0, 0, 1, 1], [], []>, transpose_lhs_hint = false} : vector<1024x128xf32>, vector<128x64xf32>, vector<1024x64xf32> -> vector<1024x64xf32>
    %get3A_45 = arith.constant 0 : index
    %get3A_46 = arith.constant 0 : index
    %get3A_47 = vector.load %arg9[%get3A_45, %get3A_46] : memref<1x64xf32, #tpu.memory_space<vmem>>, vector<1x64xf32>
    %mul3A_48 = vector.broadcast %mul3A_26 : vector<1024x1xf32> to vector<1024x64xf32>
    %mul3A_49 = vector.broadcast %get3A_47 : vector<1x64xf32> to vector<1024x64xf32>
    %mul3A_50 = arith.mulf %mul3A_48, %mul3A_49 : vector<1024x64xf32>
    %add3A_51 = arith.addf %dot_general3A_44, %mul3A_50 : vector<1024x64xf32>
    %max3A_52 = arith.constant 0.000000e+00 : f32
    %max3A_53 = vector.broadcast %max3A_52 : f32 to vector<1024x64xf32>
    %max3A_54 = arith.maximumf %add3A_51, %max3A_53 : vector<1024x64xf32>
    %concatenate3A = tpu.concatenate %max3A_54, %max3A_39 in 1 : vector<1024x64xf32>, vector<1024x64xf32> -> vector<1024x128xf32>
    %mul3A_55 = vector.broadcast %get3A_4 : vector<1024x1xf32> to vector<1024x128xf32>
    %mul3A_56 = arith.mulf %mul3A_55, %concatenate3A : vector<1024x128xf32>
    %swap3A = arith.constant 0 : index
    %swap3A_57 = arith.constant 0 : index
    %swap3A_58 = vector.load %arg10[%swap3A, %swap3A_57] : memref<1024x128xf32, #tpu.memory_space<vmem>>, vector<1024x128xf32>
    tpu.vector_store %arg10[%swap3A, %swap3A_57], %mul3A_56 {strides = array<i32>} : memref<1024x128xf32, #tpu.memory_space<vmem>>, vector<1024x128xf32>,
    %swap3A_59 = arith.constant 0 : index
    %swap3A_60 = arith.constant 0 : index
    %swap3A_61 = vector.load %arg11[%swap3A_59, %swap3A_60] : memref<1024x1xf32, #tpu.memory_space<vmem>>, vector<1024x1xf32>
    tpu.vector_store %arg11[%swap3A_59, %swap3A_60], %mul3A_26 {strides = array<i32>} : memref<1024x1xf32, #tpu.memory_space<vmem>>, vector<1024x1xf32>,
    return
  }
  func.func @transform_0(%arg0: i32) -> (i32, i32, i32) {
    %c0_i32 = arith.constant 0 : i32
    %c0_i32_0 = arith.constant 0 : i32
    %c0_i32_1 = arith.constant 0 : i32
    return %c0_i32, %arg0, %c0_i32_0 : i32, i32, i32
  }
  func.func @transform_1(%arg0: i32) -> (i32, i32) {
    %c0_i32 = arith.constant 0 : i32
    %c0_i32_0 = arith.constant 0 : i32
    return %arg0, %c0_i32 : i32, i32
  }
  func.func @transform_2(%arg0: i32) -> (i32, i32) {
    %c0_i32 = arith.constant 0 : i32
    %c0_i32_0 = arith.constant 0 : i32
    return %arg0, %c0_i32 : i32, i32
  }
  func.func @transform_3(%arg0: i32) -> (i32, i32) {
    %c0_i32 = arith.constant 0 : i32
    %c0_i32_0 = arith.constant 0 : i32
    return %arg0, %c0_i32 : i32, i32
  }
  func.func @transform_4(%arg0: i32) -> (i32, i32) {
    %c0_i32 = arith.constant 0 : i32
    %c0_i32_0 = arith.constant 0 : i32
    return %arg0, %c0_i32 : i32, i32
  }
  func.func @transform_5(%arg0: i32) -> (i32, i32) {
    %c0_i32 = arith.constant 0 : i32
    %c0_i32_0 = arith.constant 0 : i32
    %c0_i32_1 = arith.constant 0 : i32
    return %c0_i32, %c0_i32_0 : i32, i32
  }
  func.func @transform_6(%arg0: i32) -> (i32, i32) {
    %c0_i32 = arith.constant 0 : i32
    %c0_i32_0 = arith.constant 0 : i32
    %c0_i32_1 = arith.constant 0 : i32
    return %c0_i32, %c0_i32_0 : i32, i32
  }
  func.func @transform_7(%arg0: i32) -> (i32, i32) {
    %c0_i32 = arith.constant 0 : i32
    %c0_i32_0 = arith.constant 0 : i32
    %c0_i32_1 = arith.constant 0 : i32
    return %c0_i32, %c0_i32_0 : i32, i32
  }
  func.func @transform_8(%arg0: i32) -> (i32, i32) {
    %c0_i32 = arith.constant 0 : i32
    %c0_i32_0 = arith.constant 0 : i32
    %c0_i32_1 = arith.constant 0 : i32
    return %c0_i32, %c0_i32_0 : i32, i32
  }
  func.func @transform_9(%arg0: i32) -> (i32, i32) {
    %c0_i32 = arith.constant 0 : i32
    %c0_i32_0 = arith.constant 0 : i32
    return %arg0, %c0_i32 : i32, i32
  }
  func.func @transform_10(%arg0: i32) -> (i32, i32) {
    %c0_i32 = arith.constant 0 : i32
    %c0_i32_0 = arith.constant 0 : i32
    return %arg0, %c0_i32 : i32, i32
  }
}

module attributes {stable_mosaic.version = 14 : i64} {
  func.func @_tc_final_body(%arg0: i32, %arg1: memref<2x1024x128xf32, #tpu.memory_space<vmem>>, %arg2: memref<1024x128xf32, #tpu.memory_space<vmem>>, %arg3: memref<1024x1xf32, #tpu.memory_space<vmem>>, %arg4: memref<1024x1xf32, #tpu.memory_space<vmem>>, %arg5: memref<64x32xf32, #tpu.memory_space<vmem>>, %arg6: memref<64x32xf32, #tpu.memory_space<vmem>>, %arg7: memref<1x32xf32, #tpu.memory_space<vmem>>, %arg8: memref<1x32xf32, #tpu.memory_space<vmem>>, %arg9: memref<1024x64xf32, #tpu.memory_space<vmem>>) attributes {dimension_semantics = [#tpu.dimension_semantics<arbitrary>], iteration_bounds = array<i64: 10>, scalar_prefetch = 0 : i64, scratch_operands = 0 : i64, tpu.core_type = #tpu.core_type<tc>, window_params = [{transform_indices = @transform_0, window_bounds = array<i64: 2, 1024, 128>}, {transform_indices = @transform_1, window_bounds = array<i64: 1024, 128>}, {transform_indices = @transform_2, window_bounds = array<i64: 1024, 1>}, {transform_indices = @transform_3, window_bounds = array<i64: 1024, 1>}, {pipeline_mode = #tpu.pipeline_mode<synchronous>, transform_indices = @transform_4, window_bounds = array<i64: 64, 32>}, {pipeline_mode = #tpu.pipeline_mode<synchronous>, transform_indices = @transform_5, window_bounds = array<i64: 64, 32>}, {pipeline_mode = #tpu.pipeline_mode<synchronous>, transform_indices = @transform_6, window_bounds = array<i64: 1, 32>}, {pipeline_mode = #tpu.pipeline_mode<synchronous>, transform_indices = @transform_7, window_bounds = array<i64: 1, 32>}, {transform_indices = @transform_8, window_bounds = array<i64: 1024, 64>}]} {
    %get3A = arith.constant 0 : index
    %get3A_0 = arith.constant 0 : index
    %get3A_1 = vector.load %arg3[%get3A, %get3A_0] : memref<1024x1xf32, #tpu.memory_space<vmem>>, vector<1024x1xf32>
    %get3A_2 = arith.constant 0 : index
    %get3A_3 = arith.constant 0 : index
    %get3A_4 = vector.load %arg4[%get3A_2, %get3A_3] : memref<1024x1xf32, #tpu.memory_space<vmem>>, vector<1024x1xf32>
    %get3A_5 = arith.constant 0 : index
    %get3A_6 = arith.constant 0 : index
    %get3A_7 = arith.constant 0 : index
    %get3A_8 = vector.load %arg1[%get3A_5, %get3A_6, %get3A_7] : memref<2x1024x128xf32, #tpu.memory_space<vmem>>, vector<1x1024x128xf32>
    %get3A_9 = vector.shape_cast %get3A_8 : vector<1x1024x128xf32> to vector<1024x128xf32>
    %get3A_10 = arith.constant 1 : index
    %get3A_11 = arith.constant 0 : index
    %get3A_12 = arith.constant 0 : index
    %get3A_13 = vector.load %arg1[%get3A_10, %get3A_11, %get3A_12] : memref<2x1024x128xf32, #tpu.memory_space<vmem>>, vector<1x1024x128xf32>
    %get3A_14 = vector.shape_cast %get3A_13 : vector<1x1024x128xf32> to vector<1024x128xf32>
    %add3A = arith.addf %get3A_9, %get3A_14 : vector<1024x128xf32>
    %get3A_15 = arith.constant 0 : index
    %get3A_16 = arith.constant 0 : index
    %get3A_17 = vector.load %arg2[%get3A_15, %get3A_16] : memref<1024x128xf32, #tpu.memory_space<vmem>>, vector<1024x128xf32>
    %add3A_18 = arith.addf %add3A, %get3A_17 : vector<1024x128xf32>
    %mul3A = vector.broadcast %get3A_1 : vector<1024x1xf32> to vector<1024x128xf32>
    %mul3A_19 = arith.mulf %mul3A, %add3A_18 : vector<1024x128xf32>
    %slice3A = vector.extract_strided_slice %mul3A_19 {offsets = [0, 0], sizes = [1024, 64], strides = [1, 1]} : vector<1024x128xf32> to vector<1024x64xf32>
    %get3A_20 = arith.constant 0 : index
    %get3A_21 = arith.constant 0 : index
    %get3A_22 = vector.load %arg5[%get3A_20, %get3A_21] : memref<64x32xf32, #tpu.memory_space<vmem>>, vector<64x32xf32>
    %dot_general3A = arith.constant dense<0.000000e+00> : vector<1024x32xf32>
    %dot_general3A_23 = tpu.matmul %slice3A, %get3A_22, %dot_general3A {dimension_numbers = #tpu.dot_dimension_numbers<[1], [0], [0], [1], [0, 0, 1, 1], [], []>, transpose_lhs_hint = false} : vector<1024x64xf32>, vector<64x32xf32>, vector<1024x32xf32> -> vector<1024x32xf32>
    %get3A_24 = arith.constant 0 : index
    %get3A_25 = arith.constant 0 : index
    %get3A_26 = vector.load %arg7[%get3A_24, %get3A_25] : memref<1x32xf32, #tpu.memory_space<vmem>>, vector<1x32xf32>
    %mul3A_27 = vector.broadcast %get3A_4 : vector<1024x1xf32> to vector<1024x32xf32>
    %mul3A_28 = vector.broadcast %get3A_26 : vector<1x32xf32> to vector<1024x32xf32>
    %mul3A_29 = arith.mulf %mul3A_27, %mul3A_28 : vector<1024x32xf32>
    %add3A_30 = arith.addf %dot_general3A_23, %mul3A_29 : vector<1024x32xf32>
    %slice3A_31 = vector.extract_strided_slice %mul3A_19 {offsets = [0, 64], sizes = [1024, 64], strides = [1, 1]} : vector<1024x128xf32> to vector<1024x64xf32>
    %get3A_32 = arith.constant 0 : index
    %get3A_33 = arith.constant 0 : index
    %get3A_34 = vector.load %arg6[%get3A_32, %get3A_33] : memref<64x32xf32, #tpu.memory_space<vmem>>, vector<64x32xf32>
    %dot_general3A_35 = arith.constant dense<0.000000e+00> : vector<1024x32xf32>
    %dot_general3A_36 = tpu.matmul %slice3A_31, %get3A_34, %dot_general3A_35 {dimension_numbers = #tpu.dot_dimension_numbers<[1], [0], [0], [1], [0, 0, 1, 1], [], []>, transpose_lhs_hint = false} : vector<1024x64xf32>, vector<64x32xf32>, vector<1024x32xf32> -> vector<1024x32xf32>
    %get3A_37 = arith.constant 0 : index
    %get3A_38 = arith.constant 0 : index
    %get3A_39 = vector.load %arg8[%get3A_37, %get3A_38] : memref<1x32xf32, #tpu.memory_space<vmem>>, vector<1x32xf32>
    %mul3A_40 = vector.broadcast %get3A_4 : vector<1024x1xf32> to vector<1024x32xf32>
    %mul3A_41 = vector.broadcast %get3A_39 : vector<1x32xf32> to vector<1024x32xf32>
    %mul3A_42 = arith.mulf %mul3A_40, %mul3A_41 : vector<1024x32xf32>
    %add3A_43 = arith.addf %dot_general3A_36, %mul3A_42 : vector<1024x32xf32>
    %concatenate3A = tpu.concatenate %add3A_30, %add3A_43 in 1 : vector<1024x32xf32>, vector<1024x32xf32> -> vector<1024x64xf32>
    %swap3A = arith.constant 0 : index
    %swap3A_44 = arith.constant 0 : index
    %swap3A_45 = vector.load %arg9[%swap3A, %swap3A_44] : memref<1024x64xf32, #tpu.memory_space<vmem>>, vector<1024x64xf32>
    tpu.vector_store %arg9[%swap3A, %swap3A_44], %concatenate3A {strides = array<i32>} : memref<1024x64xf32, #tpu.memory_space<vmem>>, vector<1024x64xf32>,
    return
  }
  func.func @transform_0(%arg0: i32) -> (i32, i32, i32) {
    %c0_i32 = arith.constant 0 : i32
    %c0_i32_0 = arith.constant 0 : i32
    %c0_i32_1 = arith.constant 0 : i32
    return %c0_i32, %arg0, %c0_i32_0 : i32, i32, i32
  }
  func.func @transform_1(%arg0: i32) -> (i32, i32) {
    %c0_i32 = arith.constant 0 : i32
    %c0_i32_0 = arith.constant 0 : i32
    return %arg0, %c0_i32 : i32, i32
  }
  func.func @transform_2(%arg0: i32) -> (i32, i32) {
    %c0_i32 = arith.constant 0 : i32
    %c0_i32_0 = arith.constant 0 : i32
    return %arg0, %c0_i32 : i32, i32
  }
  func.func @transform_3(%arg0: i32) -> (i32, i32) {
    %c0_i32 = arith.constant 0 : i32
    %c0_i32_0 = arith.constant 0 : i32
    return %arg0, %c0_i32 : i32, i32
  }
  func.func @transform_4(%arg0: i32) -> (i32, i32) {
    %c0_i32 = arith.constant 0 : i32
    %c0_i32_0 = arith.constant 0 : i32
    %c0_i32_1 = arith.constant 0 : i32
    return %c0_i32, %c0_i32_0 : i32, i32
  }
  func.func @transform_5(%arg0: i32) -> (i32, i32) {
    %c0_i32 = arith.constant 0 : i32
    %c0_i32_0 = arith.constant 0 : i32
    %c0_i32_1 = arith.constant 0 : i32
    return %c0_i32, %c0_i32_0 : i32, i32
  }
  func.func @transform_6(%arg0: i32) -> (i32, i32) {
    %c0_i32 = arith.constant 0 : i32
    %c0_i32_0 = arith.constant 0 : i32
    %c0_i32_1 = arith.constant 0 : i32
    return %c0_i32, %c0_i32_0 : i32, i32
  }
  func.func @transform_7(%arg0: i32) -> (i32, i32) {
    %c0_i32 = arith.constant 0 : i32
    %c0_i32_0 = arith.constant 0 : i32
    %c0_i32_1 = arith.constant 0 : i32
    return %c0_i32, %c0_i32_0 : i32, i32
  }
  func.func @transform_8(%arg0: i32) -> (i32, i32) {
    %c0_i32 = arith.constant 0 : i32
    %c0_i32_0 = arith.constant 0 : i32
    return %arg0, %c0_i32 : i32, i32
  }
}

</mosaic_0001>

<sc_bundles>
// kernel: kernel.11.cloned.1.call-start
scs
__scs_entry_jumppad:
0x0: {  	(pc) =	sbr.rel $0x88, $3  }
0x1: {  	(tag) =	ssettag $0x0;
	lr =	simm.s32 $0x1  }
0x2: {  	[smem:$0x3F97] =	sst lr;
	_ =	strace $0xD0000000  }
0x3: {  	_ = 	snop  }
0x4: {  	_ = 	snop  }
0x5: {  	_ = 	snop  }
0x6: {  	_ = 	snop  }
0x7: {  	_ = 	snop  }
__scs_overlays_trampoline_lowered:
0x8: {  	[smem:$0x3FA6] =	sst s0  }
0x9: {  	[smem:$0x3FA7] =	sst s1  }
0xa: {  	[smem:$0x3FA8] =	sst s2  }
0xb: {  	[smem:$0x3FA9] =	sst s3  }
0xc: {  	[smem:$0x3FAA] =	sst s4  }
0xd: {  	[smem:$0x3FAB] =	sst s5  }
0xe: {  	[smem:$0x3FAC] =	sst s6  }
0xf: {  	[smem:$0x3FAD] =	sst s7  }
0x10: {  	[smem:$0x3FAE] =	sst s8  }
0x11: {  	[smem:$0x3FAF] =	sst s9;
	s0 =	simm.s32 @!p0 $0x0  }
0x12: {  	s1 =	sld [smem:$0x3F95];
	s0 =	simm.s32 @p0 $0x1  }
0x13: {  	[smem:$0x3FB0] =	sst s0;
	s0 =	simm.s32 @!p1 $0x0  }
0x14: {  	s2 =	sld [smem:$0x3F94];
	s0 =	simm.s32 @p1 $0x1  }
0x15: {  	[smem:$0x3FB1] =	sst s0;
	s0 =	simm.s32 @!p2 $0x0  }
0x16: {  	s3 =	sld [smem:$0x3FDB];
	s0 =	simm.s32 @p2 $0x1  }
0x17: {  	s4 =	simm.s32 $0x1BF5;
	[smem:$0x3FB3] =	sst s0  }
0x18: {  	s0 =	sld [smem:$0x3F96];
	_ =	swait.ge [sflag:s4], $0x0  }
0x19: {  	s7 =	sld [smem:$0x3F97]  }
0x1a: {  	s8 =	sadd.s32 $0xFFFFE003, lr  }
0x1b: {  	s9 =	sadd.s32 $0xFFFFFEF7, lr;
	s5 =	simm.s32 $0xFFFFFFFF;
	p2 =	slt.u32 s8, $0xFFFFF086  }
0x1c: {  	p1 =	slt.u32 s9, $0xF7A;
	s5 =	simm.s32 @!p2 $0x0  }
0x1d: {  	s5 =	simm.s32 @p1 $0x1;
	p0 =	seq.s32 s7, s2  }
0x1e: {  	s7 =	smul.u32 @!p0 $0xF7A, s2;
	p2 =	seq.s32 @!p0 s5, $0x0  }
0x1f: {  	s9 =	smul.u32 $0xF7A, s1;
	s8 =	simm.s32 @!p0 $0x1BF5;
	p2 =	por !p2, p0  }
0x20: {  	[sflag:s8] =	ssyncset.s32 @!p0 $0xFFFFF086;
	s6 =	sadd.s32 @!p0 s3, s7;
	s7 =	simm.s32 @!p0 $0x108  }
0x21: {  	s3 =	sadd.s32 s3, s9;
	s6 =	sadd.s32 @!p0 $0x88, s6;
	s7 =	simm.s32 @p2 $0x1082  }
0x22: {  	[simem:s7], [sflag:s8] =	dma.local @!p0 [hbm:s6], $0xF7A  }
0x23: {  	s9 =	sor.u32 $0xD0000000, s2;
	s6 =	simm.s32 $0x108;
	_ =	swait.ge @!p0 [sflag:s8], $0x0  }
0x24: {  	s3 =	sadd.s32 $0x88, s3;
	s6 =	simm.s32 @!p1 $0x1082;
	[sflag:s4] =	ssyncset.s32 $0xFFFFF086  }
0x25: {  	[simem:s6], [sflag:s4] =	dma.local [hbm:s3], $0xF7A  }
0x26: {  	[smem:$0x3F97] =	sst s1;
	(tag) =	ssettag s2;
	_ =	strace s9  }
0x27: {  	s1 =	sld [smem:$0x3FA7]  }
0x28: {  	s2 =	sld [smem:$0x3FA8]  }
0x29: {  	s4 =	sld [smem:$0x3FAA]  }
0x2a: {  	p0 =	seq.s32 s5, $0x0;
	s5 =	sld [smem:$0x3FAB]  }
0x2b: {  	s6 =	sld [smem:$0x3FAC]  }
0x2c: {  	s7 =	sld [smem:$0x3FAD]  }
0x2d: {  	s3 =	simm.s32 $0x108;
	s8 =	sld [smem:$0x3FAE]  }
0x2e: {  	s3 =	simm.s32 @!p0 $0x1082;
	s9 =	sld [smem:$0x3FAF]  }
0x2f: {  	lr =	sadd.s32 s0, s3;
	s0 =	sld [smem:$0x3FA6]  }
0x30: {  	s3 =	sld [smem:$0x3FA9]  }
0x31: {  	[smem:$0x3FB2] =	sst s10  }
0x32: {  	s10 =	sld [smem:$0x3FB0];
	_ =	sdelay $0x3  }
0x33: {  	p0 =	seq.s32 s10, $0x1;
	s10 =	sld [smem:$0x3FB2];
	_ =	sdelay $0x3  }
0x34: {  	[smem:$0x3FB2] =	sst s10  }
0x35: {  	s10 =	sld [smem:$0x3FB1];
	_ =	sdelay $0x3  }
0x36: {  	p1 =	seq.s32 s10, $0x1;
	s10 =	sld [smem:$0x3FB2];
	_ =	sdelay $0x3  }
0x37: {  	[smem:$0x3FB2] =	sst s10  }
0x38: {  	s10 =	sld [smem:$0x3FB3]  }
0x39: {  	_ = 	snop;
	(pc) =	sbr.ind lr, $3  }
0x3a: {  	_ = 	snop  }
0x3b: {  	_ = 	snop  }
0x3c: {  	p2 =	seq.s32 s10, $0x1;
	s10 =	sld [smem:$0x3FB2]  }
0x3d: {  	_ =	shalt  }
0x3e: {  	_ =	shalt  }
0x3f: {  	_ =	shalt  }
0x40: {  	_ =	shalt  }
0x41: {  	_ =	shalt  }
0x42: {  	_ =	shalt  }
0x43: {  	_ =	shalt  }
0x44: {  	_ =	shalt  }
0x45: {  	_ =	shalt  }
0x46: {  	_ =	shalt  }
0x47: {  	_ =	shalt  }
0x48: {  	_ =	shalt  }
0x49: {  	_ =	shalt  }
0x4a: {  	_ =	shalt  }
0x4b: {  	_ =	shalt  }
0x4c: {  	_ =	shalt  }
0x4d: {  	_ =	shalt  }
0x4e: {  	_ =	shalt  }
0x4f: {  	_ =	shalt  }
0x50: {  	_ =	shalt  }
0x51: {  	_ =	shalt  }
0x52: {  	_ =	shalt  }
0x53: {  	_ =	shalt  }
0x54: {  	_ =	shalt  }
0x55: {  	_ =	shalt  }
0x56: {  	_ =	shalt  }
0x57: {  	_ =	shalt  }
0x58: {  	_ =	shalt  }
0x59: {  	_ =	shalt  }
0x5a: {  	_ =	shalt  }
0x5b: {  	_ =	shalt  }
0x5c: {  	_ =	shalt  }
0x5d: {  	_ =	shalt  }
0x5e: {  	_ =	shalt  }
0x5f: {  	_ =	shalt  }
0x60: {  	_ =	shalt  }
0x61: {  	_ =	shalt  }
0x62: {  	_ =	shalt  }
0x63: {  	_ =	shalt  }
0x64: {  	_ =	shalt  }
0x65: {  	_ =	shalt  }
0x66: {  	_ =	shalt  }
0x67: {  	_ =	shalt  }
0x68: {  	_ =	shalt  }
0x69: {  	_ =	shalt  }
0x6a: {  	_ =	shalt  }
0x6b: {  	_ =	shalt  }
0x6c: {  	_ =	shalt  }
0x6d: {  	_ =	shalt  }
0x6e: {  	_ =	shalt  }
0x6f: {  	_ =	shalt  }
0x70: {  	_ =	shalt  }
0x71: {  	_ =	shalt  }
0x72: {  	_ =	shalt  }
0x73: {  	_ =	shalt  }
0x74: {  	_ =	shalt  }
0x75: {  	_ =	shalt  }
0x76: {  	_ =	shalt  }
0x77: {  	_ =	shalt  }
0x78: {  	_ =	shalt  }
0x79: {  	_ =	shalt  }
0x7a: {  	_ =	shalt  }
0x7b: {  	_ =	shalt  }
0x7c: {  	_ =	shalt  }
0x7d: {  	_ =	shalt  }
0x7e: {  	_ =	shalt  }
0x7f: {  	_ =	shalt  }
0x80: {  	_ =	shalt  }
0x81: {  	_ =	shalt  }
0x82: {  	_ =	shalt  }
0x83: {  	_ =	shalt  }
0x84: {  	_ =	shalt  }
0x85: {  	_ =	shalt  }
0x86: {  	_ =	shalt  }
0x87: {  	_ =	shalt  }
.Lfunc_end0:
.L_simem_size_0:
called_computation.1_lowered:
.L_overlay_start_0:
0x88: {  	s2 =	sld [smem:$0x3FD9]  }
0x89: {  	s3 =	sld [smem:$0x3FFE];
	_ =	sdelay $0x1  }
0x8a: {  	s1 =	srdreg.scid  }
0x8b: {  	s0 =	sand.u32 $0x1, s1  }
0x8c: {  	s17 =	sshll.u32 s0, $0xA;
	s2 =	sadd.s32 s3, s2  }
0x8d: {  	s2 =	sadd.s32 s2, s17  }
0x8e: {  	[smem:$0x3FBE] =	sst s2  }
0x8f: {  	_ = 	snop  }
0x90: {  	s2 =	sld [smem:$0x3FD0];
	(tm) =	ssettm $0x1  }
0x91: {  	s18 =	sld [smem:$0x3FFB];
	_ =	sdelay $0x3  }
0x92: {  	_ =	strace s18  }
0x93: {  	s3 =	sld [smem:$0x3FFC];
	_ =	sdelay $0x3  }
0x94: {  	_ =	strace s3  }
0x95: {  	s3 =	sld [smem:$0x3FFD];
	_ =	sdelay $0x3  }
0x96: {  	_ =	strace s3  }
0x97: {  	_ =	strace $0x8FFFFFFF  }
0x98: {  	s19 =	sld [smem:$0x3FDB];
	_ =	sdelay $0x1  }
0x99: {  	s4 =	simm.s32 $_scs_section_size  }
0x9a: {  	s5 =	simm.s32 $_size__tile_overlayer_lowered;
	s6 =	simm.s32 $_tile_overlayer_lowered  }
0x9b: {  	s22 =	simm.s32 $0x1BFF;
	s21 =	sshll.u32 s6, $0x1;
	s3 =	sadd.s32 s4, s19  }
0x9c: {  	s7 =	simm.s32 $0x0;
	s20 =	sshll.u32 s5, $0x1;
	s5 =	sadd.s32 s21, s3  }
0x9d: {  	[timem:s7], [sflag:s22] =	dma.local [hbm:s5], s20  }
0x9e: {  	_ =	swait.ge [sflag:s22], s20  }
0x9f: {  	s4 =	ssub.s32 $0x0, s20;
	[sflag:s22] =	ssyncset.done $0x0  }
0xa0: {  	[sflag:s22] =	ssyncadd.s32 s4;
	_ =	sdelay $0x1  }
0xa1: {  	s23 =	simm.s32 $0x1B8B  }
0xa2: {  	_ =	swait.ge [sflag:s23], $0x1  }
0xa3: {  	[sflag:s23] =	ssyncset.done $0x0  }
0xa4: {  	s25 =	simm.s32 $0x1B8E;
	s24 =	sld [smem:$0x3FFE];
	[sflag:s23] =	ssyncadd.s32 $0xFFFFFFFF  }
0xa5: {  	s26 =	simm.s32 $execute0_lowered;
	[smem:$0x3FD2] =	sst s25  }
0xa6: {  	s5 =	sshll.u32 s26, $0x1;
	_ =	strace $0x80000049;
	[dreg:$0x1] =	wrdreg $0xFFFFFFFF  }
0xa7: {  	s28 =	simm.s32 $_size_execute0_lowered;
	s3 =	sadd.s32 s3, s5;
	[dreg:$0x0] =	wrdreg $0x0  }
0xa8: {  	s5 =	sshll.u32 s28, $0x1;
	[dreg:$0x2] =	wrdreg s3  }
0xa9: {  	[dreg:$0x3] =	wrdreg s5  }
0xaa: {  	[dreg:$0x4] =	wrdreg $0xC0  }
0xab: {  	_ =	task [dreg:s7], $0x5FFFF  }
0xac: {  	[dreg:$0x1] =	wrdreg $0xFFFFFFFF  }
0xad: {  	[dreg:$0x0] =	wrdreg $0x60  }
0xae: {  	[dreg:$0x2] =	wrdreg s24  }
0xaf: {  	[dreg:$0x3] =	wrdreg s2  }
0xb0: {  	[dreg:$0x4] =	wrdreg $0x72000  }
0xb1: {  	[dreg:$0x5] =	wrdreg $0x1B3000  }
0xb2: {  	[dreg:$0x6] =	wrdreg $0x9  }
0xb3: {  	_ =	task.clear_ibuf [dreg:s7], $0x7FFFF;
	_ =	strace $0x90000049  }
0xb4: {  	s29 =	simm.s32 $0x9;
	_ =	strace $0x8000004B  }
0xb5: {  	_ =	swait.ge [sflag:s29], $0x1  }
0xb6: {  	[sflag:s29] =	ssyncadd.s32 $0xFFFFFFFF  }
0xb7: {  	_ =	strace $0x9000004B  }
0xb8: {  	_ =	sfence  }
0xb9: {  	s30 =	sld [smem:$0x0];
	_ =	sdelay $0x2  }
0xba: {  	s31 =	sshll.u32 s1, $0xD;
	s1 =	sshrl.u32 s1, $0x2  }
0xbb: {  	s3 =	sand.u32 $0x4000, s31;
	s1 =	sadd.s32 s1, s30  }
0xbc: {  	s0 =	sor.u32 s3, s0;
	s1 =	sshll.u32 s1, $0x11  }
0xbd: {  	s0 =	sor.u32 s1, s0  }
0xbe: {  	s0 =	sadd.s32 $0x8F2B, s0  }
0xbf: {  	[sflag:s0] =	ssyncadd.remote.s32 $0x1  }
0xc0: {  	_ =	sfence.sel $0xFFFF  }
0xc1: {  	[dreg:$0x0] =	wrdreg $0xFFFFFFFF;
	(pc) =	sbr.abs _section_cstart, $3  }
0xc2: {  	[dreg:$0x1] =	wrdreg $0xFFFFFFFF  }
0xc3: {  	_ =	task.clear_ibuf [dreg:s7], $0x2FFFF;
	_ =	strace $0x9FFFFFFF  }
0xc4: {  	(tm) =	ssettm $0x7FFFFFFF  }
0xc5: {  	_ =	shalt  }
tec
execute0_lowered:
.L_overlay_start_1:
0x0: {  	(tag) =	ssettag $0x1  }
0x1: {  	s0 =	rddreg [dreg:$0x0]  }
0x2: {  	s3 =	rddreg [dreg:$0x1];
	s14 =	stileid.u32  }
0x3: {  	s1 =	rddreg [dreg:$0x2];
	s8 =	smul.u32 $0x14000, s14  }
0x4: {  	s4 =	srdreg.scid;
	s12 =	smul.u32 $0x50000, s14  }
0x5: {  	s2 =	rddreg [dreg:$0x3];
	s10 =	sand.u32 $0x1, s4;
	s24 =	smul.u32 $0x500, s14  }
0x6: {  	s4 =	simm.s32 $0x0;
	s5 =	sadd.s32 $0x19C00, s0;
	s25 =	smul.u32 $0xA00, s14  }
0x7: {  	s6 =	sadd.s32 $0x3400, s0;
	s7 =	smul.u32 $0x140000, s10;
	[smem:$0x7FF] =	sst s4  }
0x8: {  	s9 =	sshll.u32 s10, $0x4;
	s11 =	ssub.s32 $0x2, s10;
	s13 =	sshll.u32 s10, $0x7  }
0x9: {  	s30 =	smul.u32 $0x5A000, s10;
	_ =	strace $0x8000004A;
	s9 =	sor.u32 s14, s9  }
0xa: {  	s22 =	sshrl.u32 s11, $0x1;
	s23 =	sshrl.u32 s12, $0x2;
	s12 =	sor.u32 s13, s24  }
0xb: {  	s29 =	sshrl.u32 s25, $0x2;
	s8 =	sadd.s32 s8, s7;
	s11 =	ssub.s32 s11, s22  }
0xc: {  	s7 =	sadd.s32 $0x69C00, s0;
	s13 =	sadd.s32 s29, s2;
	s10 =	smax.u32 s11, $0x1  }
0xd: {  	s8 =	sshrl.u32 s8, $0x3;
	s24 =	sadd.s32 $0x100, s13;
	[dreg:$0x8] =	wrdreg s10  }
0xe: {  	s29 =	sadd.s32 $0x200, s13;
	s0 =	sadd.s32 s8, s0;
	[dreg:$0x13] =	wrdreg s24  }
0xf: {  	s8 =	sadd.s32 s23, s1;
	s23 =	sadd.s32 $0x80, s13;
	[dreg:$0x15] =	wrdreg s29  }
0x10: {  	s9 =	smul.u32 $0x5A00, s9;
	s0 =	sadd.s32 $0x6A200, s0;
	[dreg:$0x12] =	wrdreg s23  }
0x11: {  	s26 =	sshrl.u32 s12, $0x3;
	s12 =	sadd.s32 $0x2000, s8;
	[dreg:$0x6] =	wrdreg s0  }
0x12: {  	s11 =	smul.u32 $0x5A00, s14;
	s14 =	sadd.s32 $0x4000, s8;
	[dreg:$0x9] =	wrdreg s12  }
0x13: {  	s9 =	sshrl.u32 s9, $0x3;
	s16 =	sadd.s32 $0x8000, s8;
	[dreg:$0xa] =	wrdreg s14  }
0x14: {  	s10 =	simm.s32 $0x5;
	s17 =	sadd.s32 $0xA000, s8;
	[dreg:$0xc] =	wrdreg s16  }
0x15: {  	s9 =	sadd.s32 s6, s9;
	s18 =	sadd.s32 $0xC000, s8;
	[dreg:$0xd] =	wrdreg s17  }
0x16: {  	s19 =	sadd.s32 $0xE000, s8;
	s21 =	sadd.s32 $0x10000, s8;
	[dreg:$0xe] =	wrdreg s18  }
0x17: {  	s22 =	sadd.s32 $0x12000, s8;
	s23 =	simm.s32 $0x0;
	[dreg:$0xf] =	wrdreg s19  }
0x18: {  	s15 =	sadd.s32 $0x20, s9;
	s0 =	sadd.s32 s3, s26;
	[dreg:$0x10] =	wrdreg s21  }
0x19: {  	[dreg:$0x11] =	wrdreg s22;
	s26 =	sadd.s32 $0x180, s13;
	s31 =	sadd.s32 $0xB20, s9  }
0x1a: {  	s12 =	simm.s32 $0x1B200;
	s14 =	simm.s32 $0x100;
	s16 =	simm.s32 $0x1B280  }
0x1b: {  	s17 =	simm.s32 $0x1;
	s18 =	simm.s32 $0x80;
	s19 =	simm.s32 $0x2  }
0x1c: {  	s21 =	simm.s32 $0x180;
	s22 =	simm.s32 $0x4;
	[dreg:$0x5] =	wrdreg s15  }
0x1d: {  	[dreg:$0x7] =	wrdreg s0;
	s15 =	sadd.s32 $0x6000, s8;
	s0 =	sadd.s32 s11, s30  }
0x1e: {  	[dreg:$0x14] =	wrdreg s26;
	s30 =	sadd.s32 $0xB00, s9;
	s11 =	simm.s32 $0x70  }
0x1f: {  	[dreg:$0xb] =	wrdreg s15;
	s20 =	sadd.s32 $0x300, s0;
	s28 =	sadd.s32 $0x200, s0  }
0x20: {  	[dreg:$0x16] =	wrdreg s30;
	s15 =	simm.s32 $0x3A00;
	s3 =	sshrl.u32 s20, $0x3  }
0x21: {  	v0 =	vimm.f32 $0.0e+00;
	s20 =	simm.s32 $0x3;
	s25 =	sadd.s32 s3, s6;
	s3 =	simm.s32 $0x200  }
.LBB2_1:
0x22: {  	s24 =	simm.s32 $0x0;
	s26 =	simm.s32 $0x200  }
.LBB2_2:
0x23: {  	p0 =	sne.s32 s26, $0xDE00;
	[tilespmem:s24+$0x270] =	vst v0  }
0x24: {  	[tilespmem:s24+$0x200] =	vst v0  }
0x25: {  	[tilespmem:s24+$0x210] =	vst v0  }
.Ltmp0:
0x26: {  	[tilespmem:s24+$0x220] =	vst v0;
	(pc) =	sbr.rel @p0 .LBB2_2-.Ltmp0, $4  }
0x27: {  	[tilespmem:s24+$0x230] =	vst v0  }
0x28: {  	[tilespmem:s24+$0x240] =	vst v0  }
0x29: {  	[tilespmem:s24+$0x250] =	vst v0  }
0x2a: {  	[tilespmem:s24+$0x260] =	vst v0;
	s24 =	sshra.s32 s26, $0x2;
	s26 =	sadd.s32 $0x200, s26  }
0x2b: {  	[tilespmem:s24+$0x270] =	vst v0  }
0x2c: {  	[tilespmem:s24+$0x200] =	vst v0  }
0x2d: {  	[tilespmem:s24+$0x210] =	vst v0  }
0x2e: {  	[tilespmem:s24+$0x220] =	vst v0  }
0x2f: {  	[tilespmem:s24+$0x230] =	vst v0  }
0x30: {  	[tilespmem:s24+$0x240] =	vst v0  }
0x31: {  	[tilespmem:s24+$0x250] =	vst v0  }
0x32: {  	[tilespmem:s24+$0x260] =	vst v0  }
0x33: {  	[spmem:s8] =	stream.linear.scatter [tilespmem:s3], [sflag:$0x5], $0x2000, $0x38;
	[tilespmem:$0x1B580] =	vst v63  }
0x34: {  	_ =	swait.ge [sflag:s10], $0x2000  }
0x35: {  	[sflag:s10] =	ssyncset.done $0x0  }
0x36: {  	s30 =	rddreg [dreg:$0x9];
	[sflag:s10] =	ssyncadd.s32 $0xFFFFE000  }
0x37: {  	[spmem:s30] =	stream.linear.scatter [tilespmem:s3], [sflag:$0x5], $0x2000, $0x38;
	[tilespmem:$0x1B580] =	vst v63  }
0x38: {  	_ =	swait.ge [sflag:s10], $0x2000  }
0x39: {  	[sflag:s10] =	ssyncset.done $0x0  }
0x3a: {  	s0 =	rddreg [dreg:$0xa];
	[sflag:s10] =	ssyncadd.s32 $0xFFFFE000  }
0x3b: {  	[spmem:s0] =	stream.linear.scatter [tilespmem:s3], [sflag:$0x5], $0x2000, $0x38;
	[tilespmem:$0x1B580] =	vst v63  }
0x3c: {  	_ =	swait.ge [sflag:s10], $0x2000  }
0x3d: {  	[sflag:s10] =	ssyncset.done $0x0  }
0x3e: {  	s26 =	rddreg [dreg:$0xb];
	[sflag:s10] =	ssyncadd.s32 $0xFFFFE000  }
0x3f: {  	[spmem:s26] =	stream.linear.scatter [tilespmem:s3], [sflag:$0x5], $0x2000, $0x38;
	[tilespmem:$0x1B580] =	vst v63  }
0x40: {  	_ =	swait.ge [sflag:s10], $0x2000  }
0x41: {  	[sflag:s10] =	ssyncset.done $0x0  }
0x42: {  	s29 =	rddreg [dreg:$0xc];
	[sflag:s10] =	ssyncadd.s32 $0xFFFFE000  }
0x43: {  	[spmem:s29] =	stream.linear.scatter [tilespmem:s3], [sflag:$0x5], $0x2000, $0x38;
	[tilespmem:$0x1B580] =	vst v63  }
0x44: {  	_ =	swait.ge [sflag:s10], $0x2000  }
0x45: {  	[sflag:s10] =	ssyncset.done $0x0  }
0x46: {  	s30 =	rddreg [dreg:$0xd];
	[sflag:s10] =	ssyncadd.s32 $0xFFFFE000  }
0x47: {  	[spmem:s30] =	stream.linear.scatter [tilespmem:s3], [sflag:$0x5], $0x2000, $0x38;
	[tilespmem:$0x1B580] =	vst v63  }
0x48: {  	_ =	swait.ge [sflag:s10], $0x2000  }
0x49: {  	[sflag:s10] =	ssyncset.done $0x0  }
0x4a: {  	s0 =	rddreg [dreg:$0xe];
	[sflag:s10] =	ssyncadd.s32 $0xFFFFE000  }
0x4b: {  	[spmem:s0] =	stream.linear.scatter [tilespmem:s3], [sflag:$0x5], $0x2000, $0x38;
	[tilespmem:$0x1B580] =	vst v63  }
0x4c: {  	_ =	swait.ge [sflag:s10], $0x2000  }
0x4d: {  	[sflag:s10] =	ssyncset.done $0x0  }
0x4e: {  	s26 =	rddreg [dreg:$0xf];
	[sflag:s10] =	ssyncadd.s32 $0xFFFFE000  }
0x4f: {  	[spmem:s26] =	stream.linear.scatter [tilespmem:s3], [sflag:$0x5], $0x2000, $0x38;
	[tilespmem:$0x1B580] =	vst v63  }
0x50: {  	_ =	swait.ge [sflag:s10], $0x2000  }
0x51: {  	[sflag:s10] =	ssyncset.done $0x0  }
0x52: {  	s29 =	rddreg [dreg:$0x10];
	[sflag:s10] =	ssyncadd.s32 $0xFFFFE000  }
0x53: {  	[spmem:s29] =	stream.linear.scatter [tilespmem:s3], [sflag:$0x5], $0x2000, $0x38;
	[tilespmem:$0x1B580] =	vst v63  }
0x54: {  	_ =	swait.ge [sflag:s10], $0x2000  }
0x55: {  	[sflag:s10] =	ssyncset.done $0x0  }
0x56: {  	s30 =	rddreg [dreg:$0x11];
	[sflag:s10] =	ssyncadd.s32 $0xFFFFE000  }
0x57: {  	[spmem:s30] =	stream.linear.scatter [tilespmem:s3], [sflag:$0x5], $0x2000, $0x38;
	[tilespmem:$0x1B580] =	vst v63  }
0x58: {  	_ =	swait.ge [sflag:s10], $0x2000  }
0x59: {  	[sflag:s10] =	ssyncset.done $0x0  }
0x5a: {  	[sflag:s10] =	ssyncadd.s32 $0xFFFFE000  }
0x5b: {  	[spmem:s13] =	stream.linear.scatter [tilespmem:s3], [sflag:$0x5], $0x80, $0x38;
	[tilespmem:$0x1B580] =	vst v63  }
0x5c: {  	_ =	swait.ge [sflag:s10], $0x80  }
0x5d: {  	[sflag:s10] =	ssyncset.done $0x0  }
0x5e: {  	s0 =	rddreg [dreg:$0x12];
	[sflag:s10] =	ssyncadd.s32 $0xFFFFFF80  }
0x5f: {  	[spmem:s0] =	stream.linear.scatter [tilespmem:s3], [sflag:$0x5], $0x80, $0x38;
	[tilespmem:$0x1B580] =	vst v63  }
0x60: {  	_ =	swait.ge [sflag:s10], $0x80  }
0x61: {  	[sflag:s10] =	ssyncset.done $0x0  }
0x62: {  	s26 =	rddreg [dreg:$0x13];
	[sflag:s10] =	ssyncadd.s32 $0xFFFFFF80  }
0x63: {  	[spmem:s26] =	stream.linear.scatter [tilespmem:s3], [sflag:$0x5], $0x80, $0x38;
	[tilespmem:$0x1B580] =	vst v63  }
0x64: {  	_ =	swait.ge [sflag:s10], $0x80  }
0x65: {  	[sflag:s10] =	ssyncset.done $0x0  }
0x66: {  	s29 =	rddreg [dreg:$0x14];
	[sflag:s10] =	ssyncadd.s32 $0xFFFFFF80  }
0x67: {  	[spmem:s29] =	stream.linear.scatter [tilespmem:s3], [sflag:$0x5], $0x80, $0x38;
	[tilespmem:$0x1B580] =	vst v63  }
0x68: {  	_ =	swait.ge [sflag:s10], $0x80  }
0x69: {  	[sflag:s10] =	ssyncset.done $0x0  }
0x6a: {  	s30 =	rddreg [dreg:$0x15];
	[sflag:s10] =	ssyncadd.s32 $0xFFFFFF80  }
0x6b: {  	[spmem:s30] =	stream.linear.scatter [tilespmem:s3], [sflag:$0x5], $0x80, $0x38;
	[tilespmem:$0x1B580] =	vst v63  }
0x6c: {  	_ =	swait.ge [sflag:s10], $0x80  }
0x6d: {  	[sflag:s10] =	ssyncset.done $0x0  }
0x6e: {  	[sflag:s10] =	ssyncadd.s32 $0xFFFFFF80  }
0x6f: {  	s0 =	simm.s32 $0x0;
	[bflag:$0x0] =	sbarrier.arrive $0xFFFF  }
0x70: {  	[tilespmem:s0], [sflag:$0x5] =	stream.linear.gather [hbm4b:s9+s0], $0x100, $0x38;
	[tilespmem:$0x1B580] =	vst v63  }
0x71: {  	_ =	swait.ge [sflag:s10], $0x100  }
0x72: {  	[sflag:s10] =	ssyncset.done $0x0  }
0x73: {  	[sflag:s10] =	ssyncadd.s32 $0xFFFFFF00  }
0x74: {  	[tilespmem:s3], [sflag:$0x1] =	stream.indirect.gather [hbm4b:s5+s11], $0x80, s0, s11, $0xb8;
	[tilespmem:$0x1B580] =	vst v63  }
0x75: {  	_ = 	snop  }
0x76: {  	[tilespmem:s12], [sflag:$0x1] =	stream.indirect.gather [hbm4b:s7+s11], $0x1, s0, s11, $0xb8;
	[tilespmem:$0x1B580] =	vst v63  }
0x77: {  	s26 =	rddreg [dreg:$0x5]  }
0x78: {  	[tilespmem:s14], [sflag:$0x5] =	stream.linear.gather [hbm4b:s26+s0], $0x100, $0x38;
	[tilespmem:$0x1B580] =	vst v63  }
0x79: {  	_ =	swait.ge [sflag:s10], $0x100  }
0x7a: {  	[sflag:s10] =	ssyncset.done $0x0  }
0x7b: {  	[sflag:s10] =	ssyncadd.s32 $0xFFFFFF00  }
0x7c: {  	[tilespmem:s15], [sflag:$0x2] =	stream.indirect.gather [hbm4b:s5+s11], $0x80, s14, s11, $0xb8;
	[tilespmem:$0x1B580] =	vst v63  }
0x7d: {  	_ = 	snop  }
0x7e: {  	[tilespmem:s16], [sflag:$0x2] =	stream.indirect.gather [hbm4b:s7+s11], $0x1, s14, s11, $0xb8;
	[tilespmem:$0x1B580] =	vst v63  }
0x7f: {  	_ =	swait.ge [sflag:s17], $0x3800  }
0x80: {  	[sflag:s17] =	ssyncset.done $0x0  }
0x81: {  	[sflag:s17] =	ssyncadd.s32 $0xFFFFC800  }
0x82: {  	_ =	swait.ge [sflag:s17], $0x70  }
0x83: {  	[sflag:s17] =	ssyncset.done $0x0  }
0x84: {  	[sflag:s17] =	ssyncadd.s32 $0xFFFFFF90  }
0x85: {  	[spmem:s1] =	stream.indirect.scatter.add.f32 [tilespmem:s3], [sflag:$0x5], $0x80, s18, s11, $0xb8;
	[tilespmem:$0x1B580] =	vst v63  }
0x86: {  	_ =	swait.ge [sflag:s10], $0x3800  }
0x87: {  	[sflag:s10] =	ssyncset.done $0x0  }
0x88: {  	[sflag:s10] =	ssyncadd.s32 $0xFFFFC800  }
0x89: {  	[spmem:s2] =	stream.indirect.scatter.add.f32 [tilespmem:s12], [sflag:$0x5], $0x1, s18, s11, $0xb8;
	[tilespmem:$0x1B580] =	vst v63  }
0x8a: {  	_ =	swait.ge [sflag:s10], $0x70  }
0x8b: {  	s29 =	sshrl.u32 s28, $0x3;
	[sflag:s10] =	ssyncset.done $0x0  }
0x8c: {  	s24 =	sadd.s32 s6, s29;
	[sflag:s10] =	ssyncadd.s32 $0xFFFFFF90  }
0x8d: {  	[tilespmem:s4], [sflag:$0x3] =	stream.linear.gather [hbm4b:s24+s4], $0x100, $0x38;
	[tilespmem:$0x1B580] =	vst v63  }
0x8e: {  	_ =	swait.ge [sflag:s19], $0x3800  }
0x8f: {  	[sflag:s19] =	ssyncset.done $0x0  }
0x90: {  	[sflag:s19] =	ssyncadd.s32 $0xFFFFC800  }
0x91: {  	_ =	swait.ge [sflag:s19], $0x70  }
0x92: {  	[sflag:s19] =	ssyncset.done $0x0  }
0x93: {  	[sflag:s19] =	ssyncadd.s32 $0xFFFFFF90  }
0x94: {  	_ =	swait.ge [sflag:s20], $0x100  }
0x95: {  	[sflag:s20] =	ssyncset.done $0x0  }
0x96: {  	[sflag:s20] =	ssyncadd.s32 $0xFFFFFF00  }
0x97: {  	[tilespmem:s3], [sflag:$0x1] =	stream.indirect.gather [hbm4b:s5+s11], $0x80, s4, s11, $0xb8;
	[tilespmem:$0x1B580] =	vst v63  }
0x98: {  	_ = 	snop  }
0x99: {  	[tilespmem:s12], [sflag:$0x1] =	stream.indirect.gather [hbm4b:s7+s11], $0x1, s4, s11, $0xb8;
	[tilespmem:$0x1B580] =	vst v63  }
0x9a: {  	_ = 	snop  }
0x9b: {  	[spmem:s1] =	stream.indirect.scatter.add.f32 [tilespmem:s15], [sflag:$0x5], $0x80, s21, s11, $0xb8;
	[tilespmem:$0x1B580] =	vst v63  }
0x9c: {  	_ =	swait.ge [sflag:s10], $0x3800  }
0x9d: {  	[sflag:s10] =	ssyncset.done $0x0  }
0x9e: {  	[sflag:s10] =	ssyncadd.s32 $0xFFFFC800  }
0x9f: {  	[spmem:s2] =	stream.indirect.scatter.add.f32 [tilespmem:s16], [sflag:$0x5], $0x1, s21, s11, $0xb8;
	[tilespmem:$0x1B580] =	vst v63  }
0xa0: {  	_ =	swait.ge [sflag:s10], $0x70  }
0xa1: {  	[sflag:s10] =	ssyncset.done $0x0  }
0xa2: {  	s30 =	sadd.s32 $0x0, s25;
	[sflag:s10] =	ssyncadd.s32 $0xFFFFFF90  }
0xa3: {  	[tilespmem:s14], [sflag:$0x4] =	stream.linear.gather [hbm4b:s30+s4], $0x100, $0x38;
	[tilespmem:$0x1B580] =	vst v63  }
0xa4: {  	_ =	swait.ge [sflag:s22], $0x100  }
0xa5: {  	s26 =	simm.s32 $0x40;
	s24 =	smov.u32 s28;
	[sflag:s22] =	ssyncset.done $0x0  }
.LBB2_4:
0xa6: {  	p0 =	sne.s32 s26, $0xA80;
	[sflag:s22] =	ssyncadd.s32 $0xFFFFFF00;
	s24 =	sadd.s32 $0x200, s24  }
0xa7: {  	[tilespmem:s15], [sflag:$0x2] =	stream.indirect.gather [hbm4b:s5+s11], $0x80, s14, s11, $0xb8;
	[tilespmem:$0x1B580] =	vst v63  }
0xa8: {  	s29 =	smov.u32 s26;
	s26 =	sadd.s32 $0x40, s26  }
0xa9: {  	[tilespmem:s16], [sflag:$0x2] =	stream.indirect.gather [hbm4b:s7+s11], $0x1, s14, s11, $0xb8;
	[tilespmem:$0x1B580] =	vst v63  }
0xaa: {  	_ =	swait.ge [sflag:s17], $0x3800  }
0xab: {  	[sflag:s17] =	ssyncset.done $0x0  }
0xac: {  	[sflag:s17] =	ssyncadd.s32 $0xFFFFC800  }
0xad: {  	_ =	swait.ge [sflag:s17], $0x70  }
0xae: {  	[sflag:s17] =	ssyncset.done $0x0  }
0xaf: {  	[sflag:s17] =	ssyncadd.s32 $0xFFFFFF90  }
0xb0: {  	[spmem:s1] =	stream.indirect.scatter.add.f32 [tilespmem:s3], [sflag:$0x5], $0x80, s18, s11, $0xb8;
	[tilespmem:$0x1B580] =	vst v63  }
0xb1: {  	_ =	swait.ge [sflag:s10], $0x3800  }
0xb2: {  	[sflag:s10] =	ssyncset.done $0x0  }
0xb3: {  	[sflag:s10] =	ssyncadd.s32 $0xFFFFC800  }
0xb4: {  	[spmem:s2] =	stream.indirect.scatter.add.f32 [tilespmem:s12], [sflag:$0x5], $0x1, s18, s11, $0xb8;
	[tilespmem:$0x1B580] =	vst v63  }
0xb5: {  	_ =	swait.ge [sflag:s10], $0x70  }
0xb6: {  	s30 =	sshrl.u32 s24, $0x3;
	[sflag:s10] =	ssyncset.done $0x0  }
0xb7: {  	s30 =	sadd.s32 s6, s30;
	[sflag:s10] =	ssyncadd.s32 $0xFFFFFF90  }
0xb8: {  	[tilespmem:s4], [sflag:$0x3] =	stream.linear.gather [hbm4b:s30+s4], $0x100, $0x38;
	[tilespmem:$0x1B580] =	vst v63  }
0xb9: {  	_ =	swait.ge [sflag:s19], $0x3800  }
0xba: {  	[sflag:s19] =	ssyncset.done $0x0  }
0xbb: {  	[sflag:s19] =	ssyncadd.s32 $0xFFFFC800  }
0xbc: {  	_ =	swait.ge [sflag:s19], $0x70  }
0xbd: {  	[sflag:s19] =	ssyncset.done $0x0  }
0xbe: {  	[sflag:s19] =	ssyncadd.s32 $0xFFFFFF90  }
0xbf: {  	_ =	swait.ge [sflag:s20], $0x100  }
0xc0: {  	[sflag:s20] =	ssyncset.done $0x0  }
0xc1: {  	[sflag:s20] =	ssyncadd.s32 $0xFFFFFF00  }
0xc2: {  	[tilespmem:s3], [sflag:$0x1] =	stream.indirect.gather [hbm4b:s5+s11], $0x80, s4, s11, $0xb8;
	[tilespmem:$0x1B580] =	vst v63  }
0xc3: {  	_ = 	snop  }
0xc4: {  	[tilespmem:s12], [sflag:$0x1] =	stream.indirect.gather [hbm4b:s7+s11], $0x1, s4, s11, $0xb8;
	[tilespmem:$0x1B580] =	vst v63  }
0xc5: {  	_ = 	snop  }
0xc6: {  	[spmem:s1] =	stream.indirect.scatter.add.f32 [tilespmem:s15], [sflag:$0x5], $0x80, s21, s11, $0xb8;
	[tilespmem:$0x1B580] =	vst v63  }
0xc7: {  	_ =	swait.ge [sflag:s10], $0x3800  }
0xc8: {  	[sflag:s10] =	ssyncset.done $0x0  }
0xc9: {  	[sflag:s10] =	ssyncadd.s32 $0xFFFFC800  }
0xca: {  	[spmem:s2] =	stream.indirect.scatter.add.f32 [tilespmem:s16], [sflag:$0x5], $0x1, s21, s11, $0xb8;
	[tilespmem:$0x1B580] =	vst v63  }
0xcb: {  	_ =	swait.ge [sflag:s10], $0x70  }
.Ltmp1:
0xcc: {  	[sflag:s10] =	ssyncset.done $0x0;
	(pc) =	sbr.rel @p0 .LBB2_4-.Ltmp1, $4  }
0xcd: {  	s29 =	sadd.s32 s29, s25;
	[sflag:s10] =	ssyncadd.s32 $0xFFFFFF90  }
0xce: {  	[tilespmem:s14], [sflag:$0x4] =	stream.linear.gather [hbm4b:s29+s4], $0x100, $0x38;
	[tilespmem:$0x1B580] =	vst v63  }
0xcf: {  	_ =	swait.ge [sflag:s22], $0x100  }
0xd0: {  	[sflag:s22] =	ssyncset.done $0x0  }
0xd1: {  	[sflag:s22] =	ssyncadd.s32 $0xFFFFFF00  }
0xd2: {  	[tilespmem:s15], [sflag:$0x2] =	stream.indirect.gather [hbm4b:s5+s11], $0x80, s14, s11, $0xb8;
	[tilespmem:$0x1B580] =	vst v63  }
0xd3: {  	_ = 	snop  }
0xd4: {  	[tilespmem:s16], [sflag:$0x2] =	stream.indirect.gather [hbm4b:s7+s11], $0x1, s14, s11, $0xb8;
	[tilespmem:$0x1B580] =	vst v63  }
0xd5: {  	_ =	swait.ge [sflag:s17], $0x3800  }
0xd6: {  	[sflag:s17] =	ssyncset.done $0x0  }
0xd7: {  	[sflag:s17] =	ssyncadd.s32 $0xFFFFC800  }
0xd8: {  	_ =	swait.ge [sflag:s17], $0x70  }
0xd9: {  	[sflag:s17] =	ssyncset.done $0x0  }
0xda: {  	[sflag:s17] =	ssyncadd.s32 $0xFFFFFF90  }
0xdb: {  	[spmem:s1] =	stream.indirect.scatter.add.f32 [tilespmem:s3], [sflag:$0x5], $0x80, s18, s11, $0xb8;
	[tilespmem:$0x1B580] =	vst v63  }
0xdc: {  	_ =	swait.ge [sflag:s10], $0x3800  }
0xdd: {  	[sflag:s10] =	ssyncset.done $0x0  }
0xde: {  	[sflag:s10] =	ssyncadd.s32 $0xFFFFC800  }
0xdf: {  	[spmem:s2] =	stream.indirect.scatter.add.f32 [tilespmem:s12], [sflag:$0x5], $0x1, s18, s11, $0xb8;
	[tilespmem:$0x1B580] =	vst v63  }
0xe0: {  	_ =	swait.ge [sflag:s10], $0x70  }
0xe1: {  	[sflag:s10] =	ssyncset.done $0x0  }
0xe2: {  	s0 =	rddreg [dreg:$0x16];
	[sflag:s10] =	ssyncadd.s32 $0xFFFFFF90  }
0xe3: {  	[tilespmem:s4], [sflag:$0x3] =	stream.linear.gather [hbm4b:s0+s4], $0x100, $0x38;
	[tilespmem:$0x1B580] =	vst v63  }
0xe4: {  	_ =	swait.ge [sflag:s19], $0x3800  }
0xe5: {  	[sflag:s19] =	ssyncset.done $0x0  }
0xe6: {  	[sflag:s19] =	ssyncadd.s32 $0xFFFFC800  }
0xe7: {  	_ =	swait.ge [sflag:s19], $0x70  }
0xe8: {  	[sflag:s19] =	ssyncset.done $0x0  }
0xe9: {  	[sflag:s19] =	ssyncadd.s32 $0xFFFFFF90  }
0xea: {  	_ =	swait.ge [sflag:s20], $0x100  }
0xeb: {  	[sflag:s20] =	ssyncset.done $0x0  }
0xec: {  	[sflag:s20] =	ssyncadd.s32 $0xFFFFFF00  }
0xed: {  	[tilespmem:s3], [sflag:$0x1] =	stream.indirect.gather [hbm4b:s5+s11], $0x80, s4, s11, $0xb8;
	[tilespmem:$0x1B580] =	vst v63  }
0xee: {  	_ = 	snop  }
0xef: {  	[tilespmem:s12], [sflag:$0x1] =	stream.indirect.gather [hbm4b:s7+s11], $0x1, s4, s11, $0xb8;
	[tilespmem:$0x1B580] =	vst v63  }
0xf0: {  	_ = 	snop  }
0xf1: {  	[spmem:s1] =	stream.indirect.scatter.add.f32 [tilespmem:s15], [sflag:$0x5], $0x80, s21, s11, $0xb8;
	[tilespmem:$0x1B580] =	vst v63  }
0xf2: {  	_ =	swait.ge [sflag:s10], $0x3800  }
0xf3: {  	[sflag:s10] =	ssyncset.done $0x0  }
0xf4: {  	[sflag:s10] =	ssyncadd.s32 $0xFFFFC800  }
0xf5: {  	[spmem:s2] =	stream.indirect.scatter.add.f32 [tilespmem:s16], [sflag:$0x5], $0x1, s21, s11, $0xb8;
	[tilespmem:$0x1B580] =	vst v63  }
0xf6: {  	_ =	swait.ge [sflag:s10], $0x70  }
0xf7: {  	[sflag:s10] =	ssyncset.done $0x0  }
0xf8: {  	[sflag:s10] =	ssyncadd.s32 $0xFFFFFF90  }
0xf9: {  	[tilespmem:s14], [sflag:$0x4] =	stream.linear.gather [hbm4b:s31+s4], $0x100, $0x38;
	[tilespmem:$0x1B580] =	vst v63  }
0xfa: {  	_ =	swait.ge [sflag:s22], $0x100  }
0xfb: {  	[sflag:s22] =	ssyncset.done $0x0  }
0xfc: {  	[sflag:s22] =	ssyncadd.s32 $0xFFFFFF00  }
0xfd: {  	[tilespmem:s15], [sflag:$0x2] =	stream.indirect.gather [hbm4b:s5+s11], $0x80, s14, s11, $0xb8;
	[tilespmem:$0x1B580] =	vst v63  }
0xfe: {  	_ = 	snop  }
0xff: {  	[tilespmem:s16], [sflag:$0x2] =	stream.indirect.gather [hbm4b:s7+s11], $0x1, s14, s11, $0xb8;
	[tilespmem:$0x1B580] =	vst v63  }
0x100: {  	_ =	swait.ge [sflag:s17], $0x3800  }
0x101: {  	[sflag:s17] =	ssyncset.done $0x0  }
0x102: {  	[sflag:s17] =	ssyncadd.s32 $0xFFFFC800  }
0x103: {  	_ =	swait.ge [sflag:s17], $0x70  }
0x104: {  	[sflag:s17] =	ssyncset.done $0x0  }
0x105: {  	[sflag:s17] =	ssyncadd.s32 $0xFFFFFF90  }
0x106: {  	[spmem:s1] =	stream.indirect.scatter.add.f32 [tilespmem:s3], [sflag:$0x5], $0x80, s18, s11, $0xb8;
	[tilespmem:$0x1B580] =	vst v63  }
0x107: {  	_ =	swait.ge [sflag:s10], $0x3800  }
0x108: {  	[sflag:s10] =	ssyncset.done $0x0  }
0x109: {  	[sflag:s10] =	ssyncadd.s32 $0xFFFFC800  }
0x10a: {  	[spmem:s2] =	stream.indirect.scatter.add.f32 [tilespmem:s12], [sflag:$0x5], $0x1, s18, s11, $0xb8;
	[tilespmem:$0x1B580] =	vst v63  }
0x10b: {  	_ =	swait.ge [sflag:s10], $0x70  }
0x10c: {  	[sflag:s10] =	ssyncset.done $0x0  }
0x10d: {  	[sflag:s10] =	ssyncadd.s32 $0xFFFFFF90  }
0x10e: {  	[tilespmem:s4], [sflag:$0x3] =	stream.linear.gather [hbm4b:s31+s4], $0x100, $0x38;
	[tilespmem:$0x1B580] =	vst v63  }
0x10f: {  	_ =	swait.ge [sflag:s19], $0x3800  }
0x110: {  	[sflag:s19] =	ssyncset.done $0x0  }
0x111: {  	[sflag:s19] =	ssyncadd.s32 $0xFFFFC800  }
0x112: {  	_ =	swait.ge [sflag:s19], $0x70  }
0x113: {  	[sflag:s19] =	ssyncset.done $0x0  }
0x114: {  	[sflag:s19] =	ssyncadd.s32 $0xFFFFFF90  }
0x115: {  	_ =	swait.ge [sflag:s20], $0x100  }
0x116: {  	[sflag:s20] =	ssyncset.done $0x0  }
0x117: {  	[sflag:s20] =	ssyncadd.s32 $0xFFFFFF00  }
0x118: {  	[tilespmem:s3], [sflag:$0x1] =	stream.indirect.gather [hbm4b:s5+s11], $0x80, s4, s11, $0xb8;
	[tilespmem:$0x1B580] =	vst v63  }
0x119: {  	_ = 	snop  }
0x11a: {  	[tilespmem:s12], [sflag:$0x1] =	stream.indirect.gather [hbm4b:s7+s11], $0x1, s4, s11, $0xb8;
	[tilespmem:$0x1B580] =	vst v63  }
0x11b: {  	_ = 	snop  }
0x11c: {  	[spmem:s1] =	stream.indirect.scatter.add.f32 [tilespmem:s15], [sflag:$0x5], $0x80, s21, s11, $0xb8;
	[tilespmem:$0x1B580] =	vst v63  }
0x11d: {  	_ =	swait.ge [sflag:s10], $0x3800  }
0x11e: {  	[sflag:s10] =	ssyncset.done $0x0  }
0x11f: {  	[sflag:s10] =	ssyncadd.s32 $0xFFFFC800  }
0x120: {  	[spmem:s2] =	stream.indirect.scatter.add.f32 [tilespmem:s16], [sflag:$0x5], $0x1, s21, s11, $0xb8;
	[tilespmem:$0x1B580] =	vst v63  }
0x121: {  	_ =	swait.ge [sflag:s10], $0x70  }
0x122: {  	[sflag:s10] =	ssyncset.done $0x0  }
0x123: {  	[sflag:s10] =	ssyncadd.s32 $0xFFFFFF90  }
0x124: {  	[tilespmem:s14], [sflag:$0x4] =	stream.linear.gather [hbm4b:s31+s4], $0x100, $0x38;
	[tilespmem:$0x1B580] =	vst v63  }
0x125: {  	_ =	swait.ge [sflag:s22], $0x100  }
0x126: {  	[sflag:s22] =	ssyncset.done $0x0  }
0x127: {  	[sflag:s22] =	ssyncadd.s32 $0xFFFFFF00  }
0x128: {  	_ =	swait.ge [sflag:s17], $0x3800  }
0x129: {  	[sflag:s17] =	ssyncset.done $0x0  }
0x12a: {  	[sflag:s17] =	ssyncadd.s32 $0xFFFFC800  }
0x12b: {  	_ =	swait.ge [sflag:s17], $0x70  }
0x12c: {  	[sflag:s17] =	ssyncset.done $0x0  }
0x12d: {  	s24 =	stileid.u32;
	[sflag:s17] =	ssyncadd.s32 $0xFFFFFF90  }
0x12e: {  	s24 =	sshll.u32 s24, $0x6;
	[bflag:$0x0] =	sbarrier.arrive $0xFFFF  }
0x12f: {  	s26 =	sshrl.u32 s8, $0x3;
	s24 =	sor.u32 $0x1C05, s24;
	s29 =	rddreg [dreg:$0x6]  }
0x130: {  	[hbm:s29], [sflag:s24] =	dma.local [spmem:s26], $0x2800  }
0x131: {  	_ =	swait.ge [sflag:s10], $0x2800  }
0x132: {  	s30 =	simm.s32 $0x20;
	s0 =	simm.s32 $0x10;
	[sflag:s10] =	ssyncset.done $0x0  }
0x133: {  	s26 =	sshrl.u32 s13, $0x3;
	s29 =	rddreg [dreg:$0x7];
	[sflag:s10] =	ssyncadd.s32 $0xFFFFD800  }
0x134: {  	[hbm:s29@s30], [sflag:s24] =	dma.strided [spmem:s26@s0], $0x50, s17, $0x10   }
0x135: {  	_ =	swait.ge [sflag:s10], $0x50  }
0x136: {  	s23 =	sadd.s32 $0x1, s23;
	s30 =	rddreg [dreg:$0x8]  }
0x137: {  	p0 =	sne.s32 s23, s30  }
.Ltmp2:
0x138: {  	_ = 	snop;
	(pc) =	sbr.rel @p0 .LBB2_1-.Ltmp2, $3  }
0x139: {  	_ =	sdelay $0x1  }
0x13a: {  	[sflag:s10] =	ssyncset.done $0x0  }
0x13b: {  	[sflag:s10] =	ssyncadd.s32 $0xFFFFFFB0  }
0x13c: {  	_ =	sfence.sel $0x180000  }
0x13d: {  	[bflag:$0x0] =	sbarrier.arrive $0xFFFF  }
0x13e: {  	_ =	strace $0x9000004A  }
0x13f: {  	s0 =	stileid.u32;
	[bflag:$0x2] =	sbarrier.arrive $0xFFFF  }
0x140: {  	p0 =	sne.s32 s0, $0x0;
	s0 =	rddreg [dreg:$0x4]  }
0x141: {  	s0 =	sadd.s32 @!p0 $0x100000, s0  }
0x142: {  	[sflag:s0] =	ssyncadd.tile.s32 @!p0 $0x1;
	_ =	shalt  }
.Lfunc_end2:
_tile_overlayer_lowered:
.L_overlay_start_2:
0x143: {  	(tag) =	ssettag $0x2  }
0x144: {  	s0 =	rddreg [dreg:$0x0];
	s2 =	stileid.u32  }
0x145: {  	s1 =	rddreg [dreg:$0x1];
	p0 =	sne.s32 s2, $0x0  }
0x146: {  	s3 =	rddreg [dreg:$0x2];
	[bflag:$0x3] =	sbarrier.arrive $0xFFFF;
	s2 =	simm.s32 @!p0 $0x1C05  }
0x147: {  	[timem:s3], [sflag:s2] =	dma.local @!p0 [hbm:s0], s1  }
0x148: {  	s0 =	simm.s32 @!p0 $0x5  }
0x149: {  	_ =	swait.ge @!p0 [sflag:s0], s1  }
0x14a: {  	s1 =	ssub.s32 @!p0 $0x0, s1;
	[sflag:s0] =	ssyncset.done @!p0 $0x0  }
0x14b: {  	[sflag:s0] =	ssyncadd.s32 @!p0 s1  }
0x14c: {  	[bflag:$0x3] =	sbarrier.arrive $0xFFFF  }
0x14d: {  	_ =	shalt  }

// kernel: kernel.14.cloned.1.call-start
scs
__scs_entry_jumppad:
0x0: {  	(pc) =	sbr.rel $0x88, $3  }
0x1: {  	(tag) =	ssettag $0x0;
	lr =	simm.s32 $0x1  }
0x2: {  	[smem:$0x3F97] =	sst lr;
	_ =	strace $0xD0000000  }
0x3: {  	_ = 	snop  }
0x4: {  	_ = 	snop  }
0x5: {  	_ = 	snop  }
0x6: {  	_ = 	snop  }
0x7: {  	_ = 	snop  }
__scs_overlays_trampoline_lowered:
0x8: {  	[smem:$0x3FA6] =	sst s0  }
0x9: {  	[smem:$0x3FA7] =	sst s1  }
0xa: {  	[smem:$0x3FA8] =	sst s2  }
0xb: {  	[smem:$0x3FA9] =	sst s3  }
0xc: {  	[smem:$0x3FAA] =	sst s4  }
0xd: {  	[smem:$0x3FAB] =	sst s5  }
0xe: {  	[smem:$0x3FAC] =	sst s6  }
0xf: {  	[smem:$0x3FAD] =	sst s7  }
0x10: {  	[smem:$0x3FAE] =	sst s8  }
0x11: {  	[smem:$0x3FAF] =	sst s9;
	s0 =	simm.s32 @!p0 $0x0  }
0x12: {  	s1 =	sld [smem:$0x3F95];
	s0 =	simm.s32 @p0 $0x1  }
0x13: {  	[smem:$0x3FB0] =	sst s0;
	s0 =	simm.s32 @!p1 $0x0  }
0x14: {  	s2 =	sld [smem:$0x3F94];
	s0 =	simm.s32 @p1 $0x1  }
0x15: {  	[smem:$0x3FB1] =	sst s0;
	s0 =	simm.s32 @!p2 $0x0  }
0x16: {  	s3 =	sld [smem:$0x3FDB];
	s0 =	simm.s32 @p2 $0x1  }
0x17: {  	s4 =	simm.s32 $0x1BF5;
	[smem:$0x3FB3] =	sst s0  }
0x18: {  	s0 =	sld [smem:$0x3F96];
	_ =	swait.ge [sflag:s4], $0x0  }
0x19: {  	s7 =	sld [smem:$0x3F97]  }
0x1a: {  	s8 =	sadd.s32 $0xFFFFE003, lr  }
0x1b: {  	s9 =	sadd.s32 $0xFFFFFEF7, lr;
	s5 =	simm.s32 $0xFFFFFFFF;
	p2 =	slt.u32 s8, $0xFFFFF086  }
0x1c: {  	p1 =	slt.u32 s9, $0xF7A;
	s5 =	simm.s32 @!p2 $0x0  }
0x1d: {  	s5 =	simm.s32 @p1 $0x1;
	p0 =	seq.s32 s7, s2  }
0x1e: {  	s7 =	smul.u32 @!p0 $0xF7A, s2;
	p2 =	seq.s32 @!p0 s5, $0x0  }
0x1f: {  	s9 =	smul.u32 $0xF7A, s1;
	s8 =	simm.s32 @!p0 $0x1BF5;
	p2 =	por !p2, p0  }
0x20: {  	[sflag:s8] =	ssyncset.s32 @!p0 $0xFFFFF086;
	s6 =	sadd.s32 @!p0 s3, s7;
	s7 =	simm.s32 @!p0 $0x108  }
0x21: {  	s3 =	sadd.s32 s3, s9;
	s6 =	sadd.s32 @!p0 $0x88, s6;
	s7 =	simm.s32 @p2 $0x1082  }
0x22: {  	[simem:s7], [sflag:s8] =	dma.local @!p0 [hbm:s6], $0xF7A  }
0x23: {  	s9 =	sor.u32 $0xD0000000, s2;
	s6 =	simm.s32 $0x108;
	_ =	swait.ge @!p0 [sflag:s8], $0x0  }
0x24: {  	s3 =	sadd.s32 $0x88, s3;
	s6 =	simm.s32 @!p1 $0x1082;
	[sflag:s4] =	ssyncset.s32 $0xFFFFF086  }
0x25: {  	[simem:s6], [sflag:s4] =	dma.local [hbm:s3], $0xF7A  }
0x26: {  	[smem:$0x3F97] =	sst s1;
	(tag) =	ssettag s2;
	_ =	strace s9  }
0x27: {  	s1 =	sld [smem:$0x3FA7]  }
0x28: {  	s2 =	sld [smem:$0x3FA8]  }
0x29: {  	s4 =	sld [smem:$0x3FAA]  }
0x2a: {  	p0 =	seq.s32 s5, $0x0;
	s5 =	sld [smem:$0x3FAB]  }
0x2b: {  	s6 =	sld [smem:$0x3FAC]  }
0x2c: {  	s7 =	sld [smem:$0x3FAD]  }
0x2d: {  	s3 =	simm.s32 $0x108;
	s8 =	sld [smem:$0x3FAE]  }
0x2e: {  	s3 =	simm.s32 @!p0 $0x1082;
	s9 =	sld [smem:$0x3FAF]  }
0x2f: {  	lr =	sadd.s32 s0, s3;
	s0 =	sld [smem:$0x3FA6]  }
0x30: {  	s3 =	sld [smem:$0x3FA9]  }
0x31: {  	[smem:$0x3FB2] =	sst s10  }
0x32: {  	s10 =	sld [smem:$0x3FB0];
	_ =	sdelay $0x3  }
0x33: {  	p0 =	seq.s32 s10, $0x1;
	s10 =	sld [smem:$0x3FB2];
	_ =	sdelay $0x3  }
0x34: {  	[smem:$0x3FB2] =	sst s10  }
0x35: {  	s10 =	sld [smem:$0x3FB1];
	_ =	sdelay $0x3  }
0x36: {  	p1 =	seq.s32 s10, $0x1;
	s10 =	sld [smem:$0x3FB2];
	_ =	sdelay $0x3  }
0x37: {  	[smem:$0x3FB2] =	sst s10  }
0x38: {  	s10 =	sld [smem:$0x3FB3]  }
0x39: {  	_ = 	snop;
	(pc) =	sbr.ind lr, $3  }
0x3a: {  	_ = 	snop  }
0x3b: {  	_ = 	snop  }
0x3c: {  	p2 =	seq.s32 s10, $0x1;
	s10 =	sld [smem:$0x3FB2]  }
0x3d: {  	_ =	shalt  }
0x3e: {  	_ =	shalt  }
0x3f: {  	_ =	shalt  }
0x40: {  	_ =	shalt  }
0x41: {  	_ =	shalt  }
0x42: {  	_ =	shalt  }
0x43: {  	_ =	shalt  }
0x44: {  	_ =	shalt  }
0x45: {  	_ =	shalt  }
0x46: {  	_ =	shalt  }
0x47: {  	_ =	shalt  }
0x48: {  	_ =	shalt  }
0x49: {  	_ =	shalt  }
0x4a: {  	_ =	shalt  }
0x4b: {  	_ =	shalt  }
0x4c: {  	_ =	shalt  }
0x4d: {  	_ =	shalt  }
0x4e: {  	_ =	shalt  }
0x4f: {  	_ =	shalt  }
0x50: {  	_ =	shalt  }
0x51: {  	_ =	shalt  }
0x52: {  	_ =	shalt  }
0x53: {  	_ =	shalt  }
0x54: {  	_ =	shalt  }
0x55: {  	_ =	shalt  }
0x56: {  	_ =	shalt  }
0x57: {  	_ =	shalt  }
0x58: {  	_ =	shalt  }
0x59: {  	_ =	shalt  }
0x5a: {  	_ =	shalt  }
0x5b: {  	_ =	shalt  }
0x5c: {  	_ =	shalt  }
0x5d: {  	_ =	shalt  }
0x5e: {  	_ =	shalt  }
0x5f: {  	_ =	shalt  }
0x60: {  	_ =	shalt  }
0x61: {  	_ =	shalt  }
0x62: {  	_ =	shalt  }
0x63: {  	_ =	shalt  }
0x64: {  	_ =	shalt  }
0x65: {  	_ =	shalt  }
0x66: {  	_ =	shalt  }
0x67: {  	_ =	shalt  }
0x68: {  	_ =	shalt  }
0x69: {  	_ =	shalt  }
0x6a: {  	_ =	shalt  }
0x6b: {  	_ =	shalt  }
0x6c: {  	_ =	shalt  }
0x6d: {  	_ =	shalt  }
0x6e: {  	_ =	shalt  }
0x6f: {  	_ =	shalt  }
0x70: {  	_ =	shalt  }
0x71: {  	_ =	shalt  }
0x72: {  	_ =	shalt  }
0x73: {  	_ =	shalt  }
0x74: {  	_ =	shalt  }
0x75: {  	_ =	shalt  }
0x76: {  	_ =	shalt  }
0x77: {  	_ =	shalt  }
0x78: {  	_ =	shalt  }
0x79: {  	_ =	shalt  }
0x7a: {  	_ =	shalt  }
0x7b: {  	_ =	shalt  }
0x7c: {  	_ =	shalt  }
0x7d: {  	_ =	shalt  }
0x7e: {  	_ =	shalt  }
0x7f: {  	_ =	shalt  }
0x80: {  	_ =	shalt  }
0x81: {  	_ =	shalt  }
0x82: {  	_ =	shalt  }
0x83: {  	_ =	shalt  }
0x84: {  	_ =	shalt  }
0x85: {  	_ =	shalt  }
0x86: {  	_ =	shalt  }
0x87: {  	_ =	shalt  }
.Lfunc_end0:
.L_simem_size_0:
called_computation.2_lowered:
.L_overlay_start_0:
0x88: {  	s2 =	sld [smem:$0x3FD9]  }
0x89: {  	s3 =	sld [smem:$0x3FFE];
	_ =	sdelay $0x1  }
0x8a: {  	s1 =	srdreg.scid  }
0x8b: {  	s0 =	sand.u32 $0x1, s1  }
0x8c: {  	s16 =	sshll.u32 s0, $0xA;
	s2 =	sadd.s32 s3, s2  }
0x8d: {  	s2 =	sadd.s32 s2, s16  }
0x8e: {  	[smem:$0x3FBE] =	sst s2  }
0x8f: {  	_ = 	snop  }
0x90: {  	(tm) =	ssettm $0x1  }
0x91: {  	s17 =	sld [smem:$0x3FFB];
	_ =	sdelay $0x3  }
0x92: {  	_ =	strace s17  }
0x93: {  	s2 =	sld [smem:$0x3FFC];
	_ =	sdelay $0x3  }
0x94: {  	_ =	strace s2  }
0x95: {  	s2 =	sld [smem:$0x3FFD];
	_ =	sdelay $0x3  }
0x96: {  	_ =	strace s2  }
0x97: {  	_ =	strace $0x8FFFFFFF  }
0x98: {  	s18 =	sld [smem:$0x3FDB];
	_ =	sdelay $0x1  }
0x99: {  	s19 =	simm.s32 $_scs_section_size  }
0x9a: {  	s4 =	simm.s32 $_size__tile_overlayer_lowered;
	s5 =	simm.s32 $_tile_overlayer_lowered  }
0x9b: {  	s22 =	simm.s32 $0x1BFF;
	s21 =	sshll.u32 s5, $0x1;
	s2 =	sadd.s32 s19, s18  }
0x9c: {  	s6 =	simm.s32 $0x0;
	s20 =	sshll.u32 s4, $0x1;
	s4 =	sadd.s32 s21, s2  }
0x9d: {  	[timem:s6], [sflag:s22] =	dma.local [hbm:s4], s20  }
0x9e: {  	_ =	swait.ge [sflag:s22], s20  }
0x9f: {  	s3 =	ssub.s32 $0x0, s20;
	[sflag:s22] =	ssyncset.done $0x0  }
0xa0: {  	[sflag:s22] =	ssyncadd.s32 s3;
	_ =	sdelay $0x1  }
0xa1: {  	s23 =	simm.s32 $0x1B8B  }
0xa2: {  	_ =	swait.ge [sflag:s23], $0x1  }
0xa3: {  	[sflag:s23] =	ssyncset.done $0x0  }
0xa4: {  	s25 =	simm.s32 $0x1B8E;
	s24 =	sld [smem:$0x3FFE];
	[sflag:s23] =	ssyncadd.s32 $0xFFFFFFFF  }
0xa5: {  	s26 =	simm.s32 $execute0_lowered;
	[smem:$0x3FD2] =	sst s25  }
0xa6: {  	s4 =	sshll.u32 s26, $0x1;
	_ =	strace $0x8000004C;
	[dreg:$0x1] =	wrdreg $0xFFFFFFFF  }
0xa7: {  	s28 =	simm.s32 $_size_execute0_lowered;
	s2 =	sadd.s32 s2, s4;
	[dreg:$0x0] =	wrdreg $0x0  }
0xa8: {  	s4 =	sshll.u32 s28, $0x1;
	[dreg:$0x2] =	wrdreg s2  }
0xa9: {  	[dreg:$0x3] =	wrdreg s4  }
0xaa: {  	[dreg:$0x4] =	wrdreg $0xC0  }
0xab: {  	_ =	task [dreg:s6], $0x5FFFF  }
0xac: {  	[dreg:$0x1] =	wrdreg $0xFFFFFFFF  }
0xad: {  	[dreg:$0x0] =	wrdreg $0x60  }
0xae: {  	[dreg:$0x2] =	wrdreg s24  }
0xaf: {  	[dreg:$0x3] =	wrdreg $0x72000  }
0xb0: {  	[dreg:$0x4] =	wrdreg $0x9  }
0xb1: {  	_ =	task.clear_ibuf [dreg:s6], $0x5FFFF;
	_ =	strace $0x9000004C  }
0xb2: {  	s29 =	simm.s32 $0x9;
	_ =	strace $0x8000004E  }
0xb3: {  	_ =	swait.ge [sflag:s29], $0x1  }
0xb4: {  	[sflag:s29] =	ssyncadd.s32 $0xFFFFFFFF  }
0xb5: {  	_ =	strace $0x9000004E  }
0xb6: {  	_ =	sfence  }
0xb7: {  	s30 =	sld [smem:$0x0];
	_ =	sdelay $0x2  }
0xb8: {  	s31 =	sshll.u32 s1, $0xD;
	s1 =	sshrl.u32 s1, $0x2  }
0xb9: {  	s3 =	sand.u32 $0x4000, s31;
	s1 =	sadd.s32 s1, s30  }
0xba: {  	s0 =	sor.u32 s3, s0;
	s1 =	sshll.u32 s1, $0x11  }
0xbb: {  	s0 =	sor.u32 s1, s0  }
0xbc: {  	s0 =	sadd.s32 $0x8F2B, s0  }
0xbd: {  	[sflag:s0] =	ssyncadd.remote.s32 $0x1  }
0xbe: {  	_ =	sfence.sel $0xFFFF  }
0xbf: {  	[dreg:$0x0] =	wrdreg $0xFFFFFFFF;
	(pc) =	sbr.abs _section_cstart, $3  }
0xc0: {  	[dreg:$0x1] =	wrdreg $0xFFFFFFFF  }
0xc1: {  	_ =	task.clear_ibuf [dreg:s6], $0x2FFFF;
	_ =	strace $0x9FFFFFFF  }
0xc2: {  	(tm) =	ssettm $0x7FFFFFFF  }
0xc3: {  	_ =	shalt  }
tec
execute0_lowered:
.L_overlay_start_1:
0x0: {  	(tag) =	ssettag $0x1  }
0x1: {  	s0 =	rddreg [dreg:$0x0]  }
0x2: {  	s1 =	rddreg [dreg:$0x1];
	s11 =	stileid.u32  }
0x3: {  	s2 =	srdreg.scid;
	s3 =	simm.s32 $0x0;
	s5 =	smul.u32 $0x14000, s11  }
0x4: {  	s28 =	simm.s32 $0x100;
	s29 =	simm.s32 $0x3A00;
	s7 =	smul.u32 $0x50000, s11  }
0x5: {  	s30 =	simm.s32 $0x1;
	s2 =	sand.u32 $0x1, s2;
	s23 =	smul.u32 $0x5A00, s11  }
0x6: {  	s31 =	simm.s32 $0x80;
	[smem:$0x7FF] =	sst s3;
	s4 =	smul.u32 $0x140000, s2  }
0x7: {  	_ =	strace $0x8000004D;
	s6 =	sshll.u32 s2, $0x4;
	s18 =	ssub.s32 $0x2, s2  }
0x8: {  	s20 =	smul.u32 $0x5A000, s2;
	s6 =	sor.u32 s11, s6;
	s9 =	sshrl.u32 s18, $0x1  }
0x9: {  	s7 =	sshrl.u32 s7, $0x2;
	s5 =	sadd.s32 s5, s4;
	s6 =	smul.u32 $0x5A00, s6  }
0xa: {  	s4 =	sadd.s32 $0x19C00, s0;
	s8 =	sshrl.u32 s5, $0x3;
	s5 =	sadd.s32 $0x3400, s0  }
0xb: {  	s0 =	sadd.s32 s8, s0;
	s10 =	sshrl.u32 s6, $0x3;
	s8 =	ssub.s32 s18, s9  }
0xc: {  	s6 =	sadd.s32 s7, s1;
	s9 =	simm.s32 $0x4;
	s7 =	sadd.s32 s5, s10  }
0xd: {  	s0 =	sadd.s32 $0x41C00, s0;
	s21 =	smax.u32 s8, $0x1;
	s22 =	sadd.s32 $0x2000, s6  }
0xe: {  	s24 =	sadd.s32 $0x4000, s6;
	s25 =	sadd.s32 $0x6000, s6;
	[dreg:$0x4] =	wrdreg s0  }
0xf: {  	s26 =	sadd.s32 $0x8000, s6;
	s15 =	sadd.s32 $0xA000, s6;
	[dreg:$0x5] =	wrdreg s21  }
0x10: {  	s16 =	sadd.s32 $0xC000, s6;
	s17 =	sadd.s32 $0xE000, s6;
	[dreg:$0x6] =	wrdreg s22  }
0x11: {  	s18 =	sadd.s32 $0x10000, s6;
	s8 =	simm.s32 $0x180;
	[dreg:$0x7] =	wrdreg s24  }
0x12: {  	s10 =	simm.s32 $0x0;
	s19 =	sadd.s32 $0x20, s7;
	[dreg:$0x8] =	wrdreg s25  }
0x13: {  	[dreg:$0x9] =	wrdreg s26;
	s0 =	sadd.s32 s23, s20;
	s20 =	sadd.s32 $0xB20, s7  }
0x14: {  	s21 =	sadd.s32 $0xB00, s7;
	s24 =	simm.s32 $0x200;
	s25 =	simm.s32 $0x5  }
0x15: {  	s26 =	simm.s32 $0x70;
	[dreg:$0x3] =	wrdreg s19;
	s2 =	sadd.s32 $0x300, s0  }
0x16: {  	s19 =	sadd.s32 $0x12000, s6;
	s12 =	sadd.s32 $0x200, s0;
	s2 =	sshrl.u32 s2, $0x3  }
0x17: {  	v0 =	vimm.f32 $0.0e+00;
	s0 =	simm.s32 $0x2;
	s23 =	sadd.s32 s2, s5;
	s2 =	simm.s32 $0x3  }
.LBB2_1:
0x18: {  	s11 =	simm.s32 $0x0;
	s22 =	simm.s32 $0x200  }
.LBB2_2:
0x19: {  	p0 =	sne.s32 s22, $0xDE00;
	[tilespmem:s11+$0x270] =	vst v0  }
0x1a: {  	[tilespmem:s11+$0x200] =	vst v0  }
0x1b: {  	[tilespmem:s11+$0x210] =	vst v0  }
.Ltmp0:
0x1c: {  	[tilespmem:s11+$0x220] =	vst v0;
	(pc) =	sbr.rel @p0 .LBB2_2-.Ltmp0, $4  }
0x1d: {  	[tilespmem:s11+$0x230] =	vst v0  }
0x1e: {  	[tilespmem:s11+$0x240] =	vst v0  }
0x1f: {  	[tilespmem:s11+$0x250] =	vst v0  }
0x20: {  	[tilespmem:s11+$0x260] =	vst v0;
	s11 =	sshra.s32 s22, $0x2;
	s22 =	sadd.s32 $0x200, s22  }
0x21: {  	[tilespmem:s11+$0x270] =	vst v0  }
0x22: {  	[tilespmem:s11+$0x200] =	vst v0  }
0x23: {  	[tilespmem:s11+$0x210] =	vst v0  }
0x24: {  	[tilespmem:s11+$0x220] =	vst v0  }
0x25: {  	[tilespmem:s11+$0x230] =	vst v0  }
0x26: {  	[tilespmem:s11+$0x240] =	vst v0  }
0x27: {  	[tilespmem:s11+$0x250] =	vst v0  }
0x28: {  	[tilespmem:s11+$0x260] =	vst v0  }
0x29: {  	[spmem:s6] =	stream.linear.scatter [tilespmem:s24], [sflag:$0x5], $0x2000, $0x38;
	[tilespmem:$0x1B200] =	vst v63  }
0x2a: {  	_ =	swait.ge [sflag:s25], $0x2000  }
0x2b: {  	[sflag:s25] =	ssyncset.done $0x0  }
0x2c: {  	s14 =	rddreg [dreg:$0x6];
	[sflag:s25] =	ssyncadd.s32 $0xFFFFE000  }
0x2d: {  	[spmem:s14] =	stream.linear.scatter [tilespmem:s24], [sflag:$0x5], $0x2000, $0x38;
	[tilespmem:$0x1B200] =	vst v63  }
0x2e: {  	_ =	swait.ge [sflag:s25], $0x2000  }
0x2f: {  	[sflag:s25] =	ssyncset.done $0x0  }
0x30: {  	s22 =	rddreg [dreg:$0x7];
	[sflag:s25] =	ssyncadd.s32 $0xFFFFE000  }
0x31: {  	[spmem:s22] =	stream.linear.scatter [tilespmem:s24], [sflag:$0x5], $0x2000, $0x38;
	[tilespmem:$0x1B200] =	vst v63  }
0x32: {  	_ =	swait.ge [sflag:s25], $0x2000  }
0x33: {  	[sflag:s25] =	ssyncset.done $0x0  }
0x34: {  	s13 =	rddreg [dreg:$0x8];
	[sflag:s25] =	ssyncadd.s32 $0xFFFFE000  }
0x35: {  	[spmem:s13] =	stream.linear.scatter [tilespmem:s24], [sflag:$0x5], $0x2000, $0x38;
	[tilespmem:$0x1B200] =	vst v63  }
0x36: {  	_ =	swait.ge [sflag:s25], $0x2000  }
0x37: {  	[sflag:s25] =	ssyncset.done $0x0  }
0x38: {  	s14 =	rddreg [dreg:$0x9];
	[sflag:s25] =	ssyncadd.s32 $0xFFFFE000  }
0x39: {  	[spmem:s14] =	stream.linear.scatter [tilespmem:s24], [sflag:$0x5], $0x2000, $0x38;
	[tilespmem:$0x1B200] =	vst v63  }
0x3a: {  	_ =	swait.ge [sflag:s25], $0x2000  }
0x3b: {  	[sflag:s25] =	ssyncset.done $0x0  }
0x3c: {  	[sflag:s25] =	ssyncadd.s32 $0xFFFFE000  }
0x3d: {  	[spmem:s15] =	stream.linear.scatter [tilespmem:s24], [sflag:$0x5], $0x2000, $0x38;
	[tilespmem:$0x1B200] =	vst v63  }
0x3e: {  	_ =	swait.ge [sflag:s25], $0x2000  }
0x3f: {  	[sflag:s25] =	ssyncset.done $0x0  }
0x40: {  	[sflag:s25] =	ssyncadd.s32 $0xFFFFE000  }
0x41: {  	[spmem:s16] =	stream.linear.scatter [tilespmem:s24], [sflag:$0x5], $0x2000, $0x38;
	[tilespmem:$0x1B200] =	vst v63  }
0x42: {  	_ =	swait.ge [sflag:s25], $0x2000  }
0x43: {  	[sflag:s25] =	ssyncset.done $0x0  }
0x44: {  	[sflag:s25] =	ssyncadd.s32 $0xFFFFE000  }
0x45: {  	[spmem:s17] =	stream.linear.scatter [tilespmem:s24], [sflag:$0x5], $0x2000, $0x38;
	[tilespmem:$0x1B200] =	vst v63  }
0x46: {  	_ =	swait.ge [sflag:s25], $0x2000  }
0x47: {  	[sflag:s25] =	ssyncset.done $0x0  }
0x48: {  	[sflag:s25] =	ssyncadd.s32 $0xFFFFE000  }
0x49: {  	[spmem:s18] =	stream.linear.scatter [tilespmem:s24], [sflag:$0x5], $0x2000, $0x38;
	[tilespmem:$0x1B200] =	vst v63  }
0x4a: {  	_ =	swait.ge [sflag:s25], $0x2000  }
0x4b: {  	[sflag:s25] =	ssyncset.done $0x0  }
0x4c: {  	[sflag:s25] =	ssyncadd.s32 $0xFFFFE000  }
0x4d: {  	[spmem:s19] =	stream.linear.scatter [tilespmem:s24], [sflag:$0x5], $0x2000, $0x38;
	[tilespmem:$0x1B200] =	vst v63  }
0x4e: {  	_ =	swait.ge [sflag:s25], $0x2000  }
0x4f: {  	[sflag:s25] =	ssyncset.done $0x0  }
0x50: {  	[sflag:s25] =	ssyncadd.s32 $0xFFFFE000  }
0x51: {  	s22 =	simm.s32 $0x0;
	[bflag:$0x0] =	sbarrier.arrive $0xFFFF  }
0x52: {  	[tilespmem:s22], [sflag:$0x5] =	stream.linear.gather [hbm4b:s7+s22], $0x100, $0x38;
	[tilespmem:$0x1B200] =	vst v63  }
0x53: {  	_ =	swait.ge [sflag:s25], $0x100  }
0x54: {  	[sflag:s25] =	ssyncset.done $0x0  }
0x55: {  	[sflag:s25] =	ssyncadd.s32 $0xFFFFFF00  }
0x56: {  	[tilespmem:s24], [sflag:$0x1] =	stream.indirect.gather [hbm4b:s4+s26], $0x80, s22, s26, $0xb8;
	[tilespmem:$0x1B200] =	vst v63  }
0x57: {  	s13 =	rddreg [dreg:$0x3]  }
0x58: {  	[tilespmem:s28], [sflag:$0x5] =	stream.linear.gather [hbm4b:s13+s22], $0x100, $0x38;
	[tilespmem:$0x1B200] =	vst v63  }
0x59: {  	_ =	swait.ge [sflag:s25], $0x100  }
0x5a: {  	[sflag:s25] =	ssyncset.done $0x0  }
0x5b: {  	[sflag:s25] =	ssyncadd.s32 $0xFFFFFF00  }
0x5c: {  	[tilespmem:s29], [sflag:$0x2] =	stream.indirect.gather [hbm4b:s4+s26], $0x80, s28, s26, $0xb8;
	[tilespmem:$0x1B200] =	vst v63  }
0x5d: {  	_ =	swait.ge [sflag:s30], $0x3800  }
0x5e: {  	[sflag:s30] =	ssyncset.done $0x0  }
0x5f: {  	[sflag:s30] =	ssyncadd.s32 $0xFFFFC800  }
0x60: {  	[spmem:s1] =	stream.indirect.scatter.add.f32 [tilespmem:s24], [sflag:$0x5], $0x80, s31, s26, $0xb8;
	[tilespmem:$0x1B200] =	vst v63  }
0x61: {  	_ =	swait.ge [sflag:s25], $0x3800  }
0x62: {  	s14 =	sshrl.u32 s12, $0x3;
	[sflag:s25] =	ssyncset.done $0x0  }
0x63: {  	s11 =	sadd.s32 s5, s14;
	[sflag:s25] =	ssyncadd.s32 $0xFFFFC800  }
0x64: {  	[tilespmem:s3], [sflag:$0x3] =	stream.linear.gather [hbm4b:s11+s3], $0x100, $0x38;
	[tilespmem:$0x1B200] =	vst v63  }
0x65: {  	_ =	swait.ge [sflag:s0], $0x3800  }
0x66: {  	[sflag:s0] =	ssyncset.done $0x0  }
0x67: {  	[sflag:s0] =	ssyncadd.s32 $0xFFFFC800  }
0x68: {  	_ =	swait.ge [sflag:s2], $0x100  }
0x69: {  	[sflag:s2] =	ssyncset.done $0x0  }
0x6a: {  	[sflag:s2] =	ssyncadd.s32 $0xFFFFFF00  }
0x6b: {  	[tilespmem:s24], [sflag:$0x1] =	stream.indirect.gather [hbm4b:s4+s26], $0x80, s3, s26, $0xb8;
	[tilespmem:$0x1B200] =	vst v63  }
0x6c: {  	_ = 	snop  }
0x6d: {  	[spmem:s1] =	stream.indirect.scatter.add.f32 [tilespmem:s29], [sflag:$0x5], $0x80, s8, s26, $0xb8;
	[tilespmem:$0x1B200] =	vst v63  }
0x6e: {  	_ =	swait.ge [sflag:s25], $0x3800  }
0x6f: {  	[sflag:s25] =	ssyncset.done $0x0  }
0x70: {  	s22 =	sadd.s32 $0x0, s23;
	[sflag:s25] =	ssyncadd.s32 $0xFFFFC800  }
0x71: {  	[tilespmem:s28], [sflag:$0x4] =	stream.linear.gather [hbm4b:s22+s3], $0x100, $0x38;
	[tilespmem:$0x1B200] =	vst v63  }
0x72: {  	_ =	swait.ge [sflag:s9], $0x100  }
0x73: {  	s11 =	simm.s32 $0x40;
	s22 =	smov.u32 s12;
	[sflag:s9] =	ssyncset.done $0x0  }
.LBB2_4:
0x74: {  	p0 =	sne.s32 s11, $0xA80;
	[sflag:s9] =	ssyncadd.s32 $0xFFFFFF00;
	s22 =	sadd.s32 $0x200, s22  }
0x75: {  	[tilespmem:s29], [sflag:$0x2] =	stream.indirect.gather [hbm4b:s4+s26], $0x80, s28, s26, $0xb8;
	[tilespmem:$0x1B200] =	vst v63  }
0x76: {  	s13 =	smov.u32 s11;
	s11 =	sadd.s32 $0x40, s11;
	_ =	swait.ge [sflag:s30], $0x3800  }
0x77: {  	[sflag:s30] =	ssyncset.done $0x0  }
0x78: {  	[sflag:s30] =	ssyncadd.s32 $0xFFFFC800  }
0x79: {  	[spmem:s1] =	stream.indirect.scatter.add.f32 [tilespmem:s24], [sflag:$0x5], $0x80, s31, s26, $0xb8;
	[tilespmem:$0x1B200] =	vst v63  }
0x7a: {  	_ =	swait.ge [sflag:s25], $0x3800  }
0x7b: {  	s14 =	sshrl.u32 s22, $0x3;
	[sflag:s25] =	ssyncset.done $0x0  }
0x7c: {  	s14 =	sadd.s32 s5, s14;
	[sflag:s25] =	ssyncadd.s32 $0xFFFFC800  }
0x7d: {  	[tilespmem:s3], [sflag:$0x3] =	stream.linear.gather [hbm4b:s14+s3], $0x100, $0x38;
	[tilespmem:$0x1B200] =	vst v63  }
0x7e: {  	_ =	swait.ge [sflag:s0], $0x3800  }
0x7f: {  	[sflag:s0] =	ssyncset.done $0x0  }
0x80: {  	[sflag:s0] =	ssyncadd.s32 $0xFFFFC800  }
0x81: {  	_ =	swait.ge [sflag:s2], $0x100  }
0x82: {  	[sflag:s2] =	ssyncset.done $0x0  }
0x83: {  	[sflag:s2] =	ssyncadd.s32 $0xFFFFFF00  }
0x84: {  	[tilespmem:s24], [sflag:$0x1] =	stream.indirect.gather [hbm4b:s4+s26], $0x80, s3, s26, $0xb8;
	[tilespmem:$0x1B200] =	vst v63  }
0x85: {  	_ = 	snop  }
0x86: {  	[spmem:s1] =	stream.indirect.scatter.add.f32 [tilespmem:s29], [sflag:$0x5], $0x80, s8, s26, $0xb8;
	[tilespmem:$0x1B200] =	vst v63  }
0x87: {  	_ =	swait.ge [sflag:s25], $0x3800  }
.Ltmp1:
0x88: {  	[sflag:s25] =	ssyncset.done $0x0;
	(pc) =	sbr.rel @p0 .LBB2_4-.Ltmp1, $4  }
0x89: {  	s13 =	sadd.s32 s13, s23;
	[sflag:s25] =	ssyncadd.s32 $0xFFFFC800  }
0x8a: {  	[tilespmem:s28], [sflag:$0x4] =	stream.linear.gather [hbm4b:s13+s3], $0x100, $0x38;
	[tilespmem:$0x1B200] =	vst v63  }
0x8b: {  	_ =	swait.ge [sflag:s9], $0x100  }
0x8c: {  	[sflag:s9] =	ssyncset.done $0x0  }
0x8d: {  	[sflag:s9] =	ssyncadd.s32 $0xFFFFFF00  }
0x8e: {  	[tilespmem:s29], [sflag:$0x2] =	stream.indirect.gather [hbm4b:s4+s26], $0x80, s28, s26, $0xb8;
	[tilespmem:$0x1B200] =	vst v63  }
0x8f: {  	_ =	swait.ge [sflag:s30], $0x3800  }
0x90: {  	[sflag:s30] =	ssyncset.done $0x0  }
0x91: {  	[sflag:s30] =	ssyncadd.s32 $0xFFFFC800  }
0x92: {  	[spmem:s1] =	stream.indirect.scatter.add.f32 [tilespmem:s24], [sflag:$0x5], $0x80, s31, s26, $0xb8;
	[tilespmem:$0x1B200] =	vst v63  }
0x93: {  	_ =	swait.ge [sflag:s25], $0x3800  }
0x94: {  	[sflag:s25] =	ssyncset.done $0x0  }
0x95: {  	[sflag:s25] =	ssyncadd.s32 $0xFFFFC800  }
0x96: {  	[tilespmem:s3], [sflag:$0x3] =	stream.linear.gather [hbm4b:s21+s3], $0x100, $0x38;
	[tilespmem:$0x1B200] =	vst v63  }
0x97: {  	_ =	swait.ge [sflag:s0], $0x3800  }
0x98: {  	[sflag:s0] =	ssyncset.done $0x0  }
0x99: {  	[sflag:s0] =	ssyncadd.s32 $0xFFFFC800  }
0x9a: {  	_ =	swait.ge [sflag:s2], $0x100  }
0x9b: {  	[sflag:s2] =	ssyncset.done $0x0  }
0x9c: {  	[sflag:s2] =	ssyncadd.s32 $0xFFFFFF00  }
0x9d: {  	[tilespmem:s24], [sflag:$0x1] =	stream.indirect.gather [hbm4b:s4+s26], $0x80, s3, s26, $0xb8;
	[tilespmem:$0x1B200] =	vst v63  }
0x9e: {  	_ = 	snop  }
0x9f: {  	[spmem:s1] =	stream.indirect.scatter.add.f32 [tilespmem:s29], [sflag:$0x5], $0x80, s8, s26, $0xb8;
	[tilespmem:$0x1B200] =	vst v63  }
0xa0: {  	_ =	swait.ge [sflag:s25], $0x3800  }
0xa1: {  	[sflag:s25] =	ssyncset.done $0x0  }
0xa2: {  	[sflag:s25] =	ssyncadd.s32 $0xFFFFC800  }
0xa3: {  	[tilespmem:s28], [sflag:$0x4] =	stream.linear.gather [hbm4b:s20+s3], $0x100, $0x38;
	[tilespmem:$0x1B200] =	vst v63  }
0xa4: {  	_ =	swait.ge [sflag:s9], $0x100  }
0xa5: {  	[sflag:s9] =	ssyncset.done $0x0  }
0xa6: {  	[sflag:s9] =	ssyncadd.s32 $0xFFFFFF00  }
0xa7: {  	[tilespmem:s29], [sflag:$0x2] =	stream.indirect.gather [hbm4b:s4+s26], $0x80, s28, s26, $0xb8;
	[tilespmem:$0x1B200] =	vst v63  }
0xa8: {  	_ =	swait.ge [sflag:s30], $0x3800  }
0xa9: {  	[sflag:s30] =	ssyncset.done $0x0  }
0xaa: {  	[sflag:s30] =	ssyncadd.s32 $0xFFFFC800  }
0xab: {  	[spmem:s1] =	stream.indirect.scatter.add.f32 [tilespmem:s24], [sflag:$0x5], $0x80, s31, s26, $0xb8;
	[tilespmem:$0x1B200] =	vst v63  }
0xac: {  	_ =	swait.ge [sflag:s25], $0x3800  }
0xad: {  	[sflag:s25] =	ssyncset.done $0x0  }
0xae: {  	[sflag:s25] =	ssyncadd.s32 $0xFFFFC800  }
0xaf: {  	[tilespmem:s3], [sflag:$0x3] =	stream.linear.gather [hbm4b:s20+s3], $0x100, $0x38;
	[tilespmem:$0x1B200] =	vst v63  }
0xb0: {  	_ =	swait.ge [sflag:s0], $0x3800  }
0xb1: {  	[sflag:s0] =	ssyncset.done $0x0  }
0xb2: {  	[sflag:s0] =	ssyncadd.s32 $0xFFFFC800  }
0xb3: {  	_ =	swait.ge [sflag:s2], $0x100  }
0xb4: {  	[sflag:s2] =	ssyncset.done $0x0  }
0xb5: {  	[sflag:s2] =	ssyncadd.s32 $0xFFFFFF00  }
0xb6: {  	[tilespmem:s24], [sflag:$0x1] =	stream.indirect.gather [hbm4b:s4+s26], $0x80, s3, s26, $0xb8;
	[tilespmem:$0x1B200] =	vst v63  }
0xb7: {  	_ = 	snop  }
0xb8: {  	[spmem:s1] =	stream.indirect.scatter.add.f32 [tilespmem:s29], [sflag:$0x5], $0x80, s8, s26, $0xb8;
	[tilespmem:$0x1B200] =	vst v63  }
0xb9: {  	_ =	swait.ge [sflag:s25], $0x3800  }
0xba: {  	[sflag:s25] =	ssyncset.done $0x0  }
0xbb: {  	[sflag:s25] =	ssyncadd.s32 $0xFFFFC800  }
0xbc: {  	[tilespmem:s28], [sflag:$0x4] =	stream.linear.gather [hbm4b:s20+s3], $0x100, $0x38;
	[tilespmem:$0x1B200] =	vst v63  }
0xbd: {  	_ =	swait.ge [sflag:s9], $0x100  }
0xbe: {  	[sflag:s9] =	ssyncset.done $0x0  }
0xbf: {  	[sflag:s9] =	ssyncadd.s32 $0xFFFFFF00  }
0xc0: {  	_ =	swait.ge [sflag:s30], $0x3800  }
0xc1: {  	[sflag:s30] =	ssyncset.done $0x0  }
0xc2: {  	s11 =	stileid.u32;
	[sflag:s30] =	ssyncadd.s32 $0xFFFFC800  }
0xc3: {  	s11 =	sshll.u32 s11, $0x6;
	[bflag:$0x0] =	sbarrier.arrive $0xFFFF  }
0xc4: {  	s13 =	sshrl.u32 s6, $0x3;
	s11 =	sor.u32 $0x1C05, s11;
	s14 =	rddreg [dreg:$0x4]  }
0xc5: {  	[hbm:s14], [sflag:s11] =	dma.local [spmem:s13], $0x2800  }
0xc6: {  	_ =	swait.ge [sflag:s25], $0x2800  }
0xc7: {  	s10 =	sadd.s32 $0x1, s10;
	s22 =	rddreg [dreg:$0x5]  }
0xc8: {  	p0 =	sne.s32 s10, s22  }
.Ltmp2:
0xc9: {  	_ = 	snop;
	(pc) =	sbr.rel @p0 .LBB2_1-.Ltmp2, $3  }
0xca: {  	_ =	sdelay $0x1  }
0xcb: {  	[sflag:s25] =	ssyncset.done $0x0  }
0xcc: {  	[sflag:s25] =	ssyncadd.s32 $0xFFFFD800  }
0xcd: {  	_ =	sfence.sel $0x180000  }
0xce: {  	[bflag:$0x0] =	sbarrier.arrive $0xFFFF  }
0xcf: {  	_ =	strace $0x9000004D  }
0xd0: {  	s0 =	stileid.u32;
	[bflag:$0x2] =	sbarrier.arrive $0xFFFF  }
0xd1: {  	p0 =	sne.s32 s0, $0x0;
	s0 =	rddreg [dreg:$0x2]  }
0xd2: {  	s0 =	sadd.s32 @!p0 $0x100000, s0  }
0xd3: {  	[sflag:s0] =	ssyncadd.tile.s32 @!p0 $0x1;
	_ =	shalt  }
.Lfunc_end2:
_tile_overlayer_lowered:
.L_overlay_start_2:
0xd4: {  	(tag) =	ssettag $0x2  }
0xd5: {  	s0 =	rddreg [dreg:$0x0];
	s2 =	stileid.u32  }
0xd6: {  	s1 =	rddreg [dreg:$0x1];
	p0 =	sne.s32 s2, $0x0  }
0xd7: {  	s3 =	rddreg [dreg:$0x2];
	[bflag:$0x3] =	sbarrier.arrive $0xFFFF;
	s2 =	simm.s32 @!p0 $0x1C05  }
0xd8: {  	[timem:s3], [sflag:s2] =	dma.local @!p0 [hbm:s0], s1  }
0xd9: {  	s0 =	simm.s32 @!p0 $0x5  }
0xda: {  	_ =	swait.ge @!p0 [sflag:s0], s1  }
0xdb: {  	s1 =	ssub.s32 @!p0 $0x0, s1;
	[sflag:s0] =	ssyncset.done @!p0 $0x0  }
0xdc: {  	[sflag:s0] =	ssyncadd.s32 @!p0 s1  }
0xdd: {  	[bflag:$0x3] =	sbarrier.arrive $0xFFFF  }
0xde: {  	_ =	shalt  }

// kernel: kernel.8.cloned.1.call-start
scs
__scs_entry_jumppad:
0x0: {  	(pc) =	sbr.rel $0x88, $3  }
0x1: {  	(tag) =	ssettag $0x0;
	lr =	simm.s32 $0x1  }
0x2: {  	[smem:$0x3F97] =	sst lr;
	_ =	strace $0xD0000000  }
0x3: {  	_ = 	snop  }
0x4: {  	_ = 	snop  }
0x5: {  	_ = 	snop  }
0x6: {  	_ = 	snop  }
0x7: {  	_ = 	snop  }
__scs_overlays_trampoline_lowered:
0x8: {  	[smem:$0x3FA6] =	sst s0  }
0x9: {  	[smem:$0x3FA7] =	sst s1  }
0xa: {  	[smem:$0x3FA8] =	sst s2  }
0xb: {  	[smem:$0x3FA9] =	sst s3  }
0xc: {  	[smem:$0x3FAA] =	sst s4  }
0xd: {  	[smem:$0x3FAB] =	sst s5  }
0xe: {  	[smem:$0x3FAC] =	sst s6  }
0xf: {  	[smem:$0x3FAD] =	sst s7  }
0x10: {  	[smem:$0x3FAE] =	sst s8  }
0x11: {  	[smem:$0x3FAF] =	sst s9;
	s0 =	simm.s32 @!p0 $0x0  }
0x12: {  	s1 =	sld [smem:$0x3F95];
	s0 =	simm.s32 @p0 $0x1  }
0x13: {  	[smem:$0x3FB0] =	sst s0;
	s0 =	simm.s32 @!p1 $0x0  }
0x14: {  	s2 =	sld [smem:$0x3F94];
	s0 =	simm.s32 @p1 $0x1  }
0x15: {  	[smem:$0x3FB1] =	sst s0;
	s0 =	simm.s32 @!p2 $0x0  }
0x16: {  	s3 =	sld [smem:$0x3FDB];
	s0 =	simm.s32 @p2 $0x1  }
0x17: {  	s4 =	simm.s32 $0x1BF5;
	[smem:$0x3FB3] =	sst s0  }
0x18: {  	s0 =	sld [smem:$0x3F96];
	_ =	swait.ge [sflag:s4], $0x0  }
0x19: {  	s7 =	sld [smem:$0x3F97]  }
0x1a: {  	s8 =	sadd.s32 $0xFFFFE003, lr  }
0x1b: {  	s9 =	sadd.s32 $0xFFFFFEF7, lr;
	s5 =	simm.s32 $0xFFFFFFFF;
	p2 =	slt.u32 s8, $0xFFFFF086  }
0x1c: {  	p1 =	slt.u32 s9, $0xF7A;
	s5 =	simm.s32 @!p2 $0x0  }
0x1d: {  	s5 =	simm.s32 @p1 $0x1;
	p0 =	seq.s32 s7, s2  }
0x1e: {  	s7 =	smul.u32 @!p0 $0xF7A, s2;
	p2 =	seq.s32 @!p0 s5, $0x0  }
0x1f: {  	s9 =	smul.u32 $0xF7A, s1;
	s8 =	simm.s32 @!p0 $0x1BF5;
	p2 =	por !p2, p0  }
0x20: {  	[sflag:s8] =	ssyncset.s32 @!p0 $0xFFFFF086;
	s6 =	sadd.s32 @!p0 s3, s7;
	s7 =	simm.s32 @!p0 $0x108  }
0x21: {  	s3 =	sadd.s32 s3, s9;
	s6 =	sadd.s32 @!p0 $0x88, s6;
	s7 =	simm.s32 @p2 $0x1082  }
0x22: {  	[simem:s7], [sflag:s8] =	dma.local @!p0 [hbm:s6], $0xF7A  }
0x23: {  	s9 =	sor.u32 $0xD0000000, s2;
	s6 =	simm.s32 $0x108;
	_ =	swait.ge @!p0 [sflag:s8], $0x0  }
0x24: {  	s3 =	sadd.s32 $0x88, s3;
	s6 =	simm.s32 @!p1 $0x1082;
	[sflag:s4] =	ssyncset.s32 $0xFFFFF086  }
0x25: {  	[simem:s6], [sflag:s4] =	dma.local [hbm:s3], $0xF7A  }
0x26: {  	[smem:$0x3F97] =	sst s1;
	(tag) =	ssettag s2;
	_ =	strace s9  }
0x27: {  	s1 =	sld [smem:$0x3FA7]  }
0x28: {  	s2 =	sld [smem:$0x3FA8]  }
0x29: {  	s4 =	sld [smem:$0x3FAA]  }
0x2a: {  	p0 =	seq.s32 s5, $0x0;
	s5 =	sld [smem:$0x3FAB]  }
0x2b: {  	s6 =	sld [smem:$0x3FAC]  }
0x2c: {  	s7 =	sld [smem:$0x3FAD]  }
0x2d: {  	s3 =	simm.s32 $0x108;
	s8 =	sld [smem:$0x3FAE]  }
0x2e: {  	s3 =	simm.s32 @!p0 $0x1082;
	s9 =	sld [smem:$0x3FAF]  }
0x2f: {  	lr =	sadd.s32 s0, s3;
	s0 =	sld [smem:$0x3FA6]  }
0x30: {  	s3 =	sld [smem:$0x3FA9]  }
0x31: {  	[smem:$0x3FB2] =	sst s10  }
0x32: {  	s10 =	sld [smem:$0x3FB0];
	_ =	sdelay $0x3  }
0x33: {  	p0 =	seq.s32 s10, $0x1;
	s10 =	sld [smem:$0x3FB2];
	_ =	sdelay $0x3  }
0x34: {  	[smem:$0x3FB2] =	sst s10  }
0x35: {  	s10 =	sld [smem:$0x3FB1];
	_ =	sdelay $0x3  }
0x36: {  	p1 =	seq.s32 s10, $0x1;
	s10 =	sld [smem:$0x3FB2];
	_ =	sdelay $0x3  }
0x37: {  	[smem:$0x3FB2] =	sst s10  }
0x38: {  	s10 =	sld [smem:$0x3FB3]  }
0x39: {  	_ = 	snop;
	(pc) =	sbr.ind lr, $3  }
0x3a: {  	_ = 	snop  }
0x3b: {  	_ = 	snop  }
0x3c: {  	p2 =	seq.s32 s10, $0x1;
	s10 =	sld [smem:$0x3FB2]  }
0x3d: {  	_ =	shalt  }
0x3e: {  	_ =	shalt  }
0x3f: {  	_ =	shalt  }
0x40: {  	_ =	shalt  }
0x41: {  	_ =	shalt  }
0x42: {  	_ =	shalt  }
0x43: {  	_ =	shalt  }
0x44: {  	_ =	shalt  }
0x45: {  	_ =	shalt  }
0x46: {  	_ =	shalt  }
0x47: {  	_ =	shalt  }
0x48: {  	_ =	shalt  }
0x49: {  	_ =	shalt  }
0x4a: {  	_ =	shalt  }
0x4b: {  	_ =	shalt  }
0x4c: {  	_ =	shalt  }
0x4d: {  	_ =	shalt  }
0x4e: {  	_ =	shalt  }
0x4f: {  	_ =	shalt  }
0x50: {  	_ =	shalt  }
0x51: {  	_ =	shalt  }
0x52: {  	_ =	shalt  }
0x53: {  	_ =	shalt  }
0x54: {  	_ =	shalt  }
0x55: {  	_ =	shalt  }
0x56: {  	_ =	shalt  }
0x57: {  	_ =	shalt  }
0x58: {  	_ =	shalt  }
0x59: {  	_ =	shalt  }
0x5a: {  	_ =	shalt  }
0x5b: {  	_ =	shalt  }
0x5c: {  	_ =	shalt  }
0x5d: {  	_ =	shalt  }
0x5e: {  	_ =	shalt  }
0x5f: {  	_ =	shalt  }
0x60: {  	_ =	shalt  }
0x61: {  	_ =	shalt  }
0x62: {  	_ =	shalt  }
0x63: {  	_ =	shalt  }
0x64: {  	_ =	shalt  }
0x65: {  	_ =	shalt  }
0x66: {  	_ =	shalt  }
0x67: {  	_ =	shalt  }
0x68: {  	_ =	shalt  }
0x69: {  	_ =	shalt  }
0x6a: {  	_ =	shalt  }
0x6b: {  	_ =	shalt  }
0x6c: {  	_ =	shalt  }
0x6d: {  	_ =	shalt  }
0x6e: {  	_ =	shalt  }
0x6f: {  	_ =	shalt  }
0x70: {  	_ =	shalt  }
0x71: {  	_ =	shalt  }
0x72: {  	_ =	shalt  }
0x73: {  	_ =	shalt  }
0x74: {  	_ =	shalt  }
0x75: {  	_ =	shalt  }
0x76: {  	_ =	shalt  }
0x77: {  	_ =	shalt  }
0x78: {  	_ =	shalt  }
0x79: {  	_ =	shalt  }
0x7a: {  	_ =	shalt  }
0x7b: {  	_ =	shalt  }
0x7c: {  	_ =	shalt  }
0x7d: {  	_ =	shalt  }
0x7e: {  	_ =	shalt  }
0x7f: {  	_ =	shalt  }
0x80: {  	_ =	shalt  }
0x81: {  	_ =	shalt  }
0x82: {  	_ =	shalt  }
0x83: {  	_ =	shalt  }
0x84: {  	_ =	shalt  }
0x85: {  	_ =	shalt  }
0x86: {  	_ =	shalt  }
0x87: {  	_ =	shalt  }
.Lfunc_end0:
.L_simem_size_0:
called_computation_lowered:
.L_overlay_start_0:
0x88: {  	s2 =	sld [smem:$0x3FD9]  }
0x89: {  	s3 =	sld [smem:$0x3FFE];
	_ =	sdelay $0x1  }
0x8a: {  	s1 =	srdreg.scid  }
0x8b: {  	s0 =	sand.u32 $0x1, s1  }
0x8c: {  	s17 =	sshll.u32 s0, $0xA;
	s2 =	sadd.s32 s3, s2  }
0x8d: {  	s2 =	sadd.s32 s2, s17  }
0x8e: {  	[smem:$0x3FBE] =	sst s2  }
0x8f: {  	_ = 	snop  }
0x90: {  	s2 =	sld [smem:$0x3FD0];
	(tm) =	ssettm $0x1  }
0x91: {  	s18 =	sld [smem:$0x3FFB];
	_ =	sdelay $0x3  }
0x92: {  	_ =	strace s18  }
0x93: {  	s3 =	sld [smem:$0x3FFC];
	_ =	sdelay $0x3  }
0x94: {  	_ =	strace s3  }
0x95: {  	s3 =	sld [smem:$0x3FFD];
	_ =	sdelay $0x3  }
0x96: {  	_ =	strace s3  }
0x97: {  	_ =	strace $0x8FFFFFFF  }
0x98: {  	s19 =	sld [smem:$0x3FDB];
	_ =	sdelay $0x1  }
0x99: {  	s4 =	simm.s32 $_scs_section_size  }
0x9a: {  	s5 =	simm.s32 $_size__tile_overlayer_lowered;
	s6 =	simm.s32 $_tile_overlayer_lowered  }
0x9b: {  	s22 =	simm.s32 $0x1BFF;
	s21 =	sshll.u32 s6, $0x1;
	s3 =	sadd.s32 s4, s19  }
0x9c: {  	s7 =	simm.s32 $0x0;
	s20 =	sshll.u32 s5, $0x1;
	s5 =	sadd.s32 s21, s3  }
0x9d: {  	[timem:s7], [sflag:s22] =	dma.local [hbm:s5], s20  }
0x9e: {  	_ =	swait.ge [sflag:s22], s20  }
0x9f: {  	s4 =	ssub.s32 $0x0, s20;
	[sflag:s22] =	ssyncset.done $0x0  }
0xa0: {  	[sflag:s22] =	ssyncadd.s32 s4;
	_ =	sdelay $0x1  }
0xa1: {  	s23 =	simm.s32 $0x1B8B  }
0xa2: {  	_ =	swait.ge [sflag:s23], $0x1  }
0xa3: {  	[sflag:s23] =	ssyncset.done $0x0  }
0xa4: {  	s25 =	simm.s32 $0x1B8E;
	s24 =	sld [smem:$0x3FFE];
	[sflag:s23] =	ssyncadd.s32 $0xFFFFFFFF  }
0xa5: {  	s26 =	simm.s32 $execute0_lowered;
	[smem:$0x3FD2] =	sst s25  }
0xa6: {  	s5 =	sshll.u32 s26, $0x1;
	_ =	strace $0x80000046;
	[dreg:$0x1] =	wrdreg $0xFFFFFFFF  }
0xa7: {  	s28 =	simm.s32 $_size_execute0_lowered;
	s3 =	sadd.s32 s3, s5;
	[dreg:$0x0] =	wrdreg $0x0  }
0xa8: {  	s5 =	sshll.u32 s28, $0x1;
	[dreg:$0x2] =	wrdreg s3  }
0xa9: {  	[dreg:$0x3] =	wrdreg s5  }
0xaa: {  	[dreg:$0x4] =	wrdreg $0xC0  }
0xab: {  	_ =	task [dreg:s7], $0x5FFFF  }
0xac: {  	[dreg:$0x1] =	wrdreg $0xFFFFFFFF  }
0xad: {  	[dreg:$0x0] =	wrdreg $0x60  }
0xae: {  	[dreg:$0x2] =	wrdreg s24  }
0xaf: {  	[dreg:$0x3] =	wrdreg s2  }
0xb0: {  	[dreg:$0x4] =	wrdreg $0x5B000  }
0xb1: {  	[dreg:$0x5] =	wrdreg $0x5D800  }
0xb2: {  	[dreg:$0x6] =	wrdreg $0x9  }
0xb3: {  	_ =	task.clear_ibuf [dreg:s7], $0x7FFFF;
	_ =	strace $0x90000046  }
0xb4: {  	s29 =	simm.s32 $0x9;
	_ =	strace $0x80000048  }
0xb5: {  	_ =	swait.ge [sflag:s29], $0x1  }
0xb6: {  	[sflag:s29] =	ssyncadd.s32 $0xFFFFFFFF  }
0xb7: {  	_ =	strace $0x90000048  }
0xb8: {  	_ =	sfence  }
0xb9: {  	s30 =	sld [smem:$0x0];
	_ =	sdelay $0x2  }
0xba: {  	s31 =	sshll.u32 s1, $0xD;
	s1 =	sshrl.u32 s1, $0x2  }
0xbb: {  	s3 =	sand.u32 $0x4000, s31;
	s1 =	sadd.s32 s1, s30  }
0xbc: {  	s0 =	sor.u32 s3, s0;
	s1 =	sshll.u32 s1, $0x11  }
0xbd: {  	s0 =	sor.u32 s1, s0  }
0xbe: {  	s0 =	sadd.s32 $0x8F2B, s0  }
0xbf: {  	[sflag:s0] =	ssyncadd.remote.s32 $0x1  }
0xc0: {  	_ =	sfence.sel $0xFFFF  }
0xc1: {  	[dreg:$0x0] =	wrdreg $0xFFFFFFFF;
	(pc) =	sbr.abs _section_cstart, $3  }
0xc2: {  	[dreg:$0x1] =	wrdreg $0xFFFFFFFF  }
0xc3: {  	_ =	task.clear_ibuf [dreg:s7], $0x2FFFF;
	_ =	strace $0x9FFFFFFF  }
0xc4: {  	(tm) =	ssettm $0x7FFFFFFF  }
0xc5: {  	_ =	shalt  }
tec
execute0_lowered:
.L_overlay_start_1:
0x0: {  	(tag) =	ssettag $0x1  }
0x1: {  	s0 =	rddreg [dreg:$0x0]  }
0x2: {  	s4 =	rddreg [dreg:$0x1]  }
0x3: {  	s1 =	srdreg.scid;
	s2 =	rddreg [dreg:$0x2]  }
0x4: {  	s8 =	stileid.u32;
	s3 =	rddreg [dreg:$0x3];
	s6 =	simm.s32 $0x0  }
0x5: {  	s30 =	simm.s32 $0x5A80;
	s31 =	simm.s32 $0x1;
	s1 =	sand.u32 $0x1, s1  }
0x6: {  	[smem:$0x7FF] =	sst s6;
	s21 =	smul.u32 $0x500, s8;
	s5 =	sshll.u32 s1, $0x4  }
0x7: {  	_ =	strace $0x80000047;
	s7 =	sshll.u32 s1, $0x7;
	s1 =	ssub.s32 $0x2, s1  }
0x8: {  	s5 =	sor.u32 s8, s5;
	s6 =	sor.u32 s7, s21;
	s8 =	smul.u32 $0x280, s8  }
0x9: {  	s22 =	sshrl.u32 s1, $0x1;
	s5 =	smul.u32 $0xB40, s5;
	s6 =	sshrl.u32 s6, $0x3  }
0xa: {  	s1 =	ssub.s32 s1, s22;
	s4 =	sadd.s32 s4, s6;
	s23 =	sor.u32 $0x40, s8  }
0xb: {  	s1 =	smax.u32 s1, $0x1;
	s25 =	sadd.s32 $0x80, s8;
	s7 =	sadd.s32 $0x180, s8  }
0xc: {  	s9 =	sadd.s32 $0x1C0, s8;
	s10 =	sadd.s32 $0x200, s8;
	s11 =	sadd.s32 $0x240, s8  }
0xd: {  	s5 =	sadd.s32 s5, s0;
	s0 =	sadd.s32 s6, s0;
	[dreg:$0x6] =	wrdreg s4  }
0xe: {  	[dreg:$0x8] =	wrdreg s1;
	s24 =	sadd.s32 s23, s2;
	s26 =	sadd.s32 s25, s2  }
0xf: {  	s4 =	sadd.s32 $0xC0, s8;
	s12 =	sadd.s32 s25, s3;
	s6 =	sadd.s32 $0x140, s8  }
0x10: {  	s19 =	sadd.s32 s7, s2;
	s20 =	sadd.s32 s7, s3;
	s21 =	sadd.s32 s9, s2  }
0x11: {  	s22 =	sadd.s32 s9, s3;
	s25 =	sadd.s32 s8, s2;
	s28 =	sadd.s32 s11, s2  }
0x12: {  	s29 =	sadd.s32 s11, s3;
	s1 =	simm.s32 $0x70;
	[dreg:$0x9] =	wrdreg s24  }
0x13: {  	s5 =	sadd.s32 $0x3400, s5;
	s0 =	sadd.s32 $0x19C00, s0;
	[dreg:$0xb] =	wrdreg s26  }
0x14: {  	s13 =	sadd.s32 s4, s2;
	s14 =	sadd.s32 s4, s3;
	s17 =	sadd.s32 s6, s2  }
0x15: {  	s18 =	sadd.s32 s6, s3;
	s24 =	sadd.s32 s10, s3;
	s26 =	sadd.s32 s8, s3  }
0x16: {  	s4 =	simm.s32 $0x5A00;
	s6 =	simm.s32 $0x0;
	[dreg:$0x5] =	wrdreg s5  }
0x17: {  	[dreg:$0x7] =	wrdreg s0;
	s0 =	sadd.s32 s23, s3;
	s5 =	sadd.s32 $0x100, s8  }
0x18: {  	s23 =	sadd.s32 s10, s2;
	[dreg:$0xa] =	wrdreg s0;
	s15 =	sadd.s32 s5, s2  }
0x19: {  	v0 =	vimm.f32 $1.000000000e+00;
	v1 =	vimm.f32 $0.0e+00;
	s16 =	sadd.s32 s5, s3;
	s0 =	simm.s32 $0x20;
	s5 =	simm.s32 $0x10  }
.LBB2_1:
0x1a: {  	[tilespmem:$0x5A00] =	vst v0  }
0x1b: {  	[tilespmem:$0x5A80] =	vst v1  }
0x1c: {  	[tilespmem:$0x5A10] =	vst v0  }
0x1d: {  	[tilespmem:$0x5A90] =	vst v1  }
0x1e: {  	[tilespmem:$0x5A20] =	vst v0  }
0x1f: {  	[tilespmem:$0x5AA0] =	vst v1  }
0x20: {  	[tilespmem:$0x5A30] =	vst v0  }
0x21: {  	[tilespmem:$0x5AB0] =	vst v1  }
0x22: {  	[tilespmem:$0x5A40] =	vst v0  }
0x23: {  	[tilespmem:$0x5AC0] =	vst v1  }
0x24: {  	[tilespmem:$0x5A50] =	vst v0  }
0x25: {  	[tilespmem:$0x5AD0] =	vst v1  }
0x26: {  	[tilespmem:$0x5A60] =	vst v0  }
0x27: {  	[tilespmem:$0x5AE0] =	vst v1  }
0x28: {  	[spmem:s25] =	stream.linear.scatter [tilespmem:s30], [sflag:$0x1], $0x40, $0x38;
	[tilespmem:$0x6000] =	vst v63  }
0x29: {  	_ =	swait.ge [sflag:s31], $0x40  }
0x2a: {  	[sflag:s31] =	ssyncset.done $0x0  }
0x2b: {  	[sflag:s31] =	ssyncadd.s32 $0xFFFFFFC0  }
0x2c: {  	[spmem:s26] =	stream.linear.scatter [tilespmem:s30], [sflag:$0x1], $0x40, $0x38;
	[tilespmem:$0x6000] =	vst v63  }
0x2d: {  	_ =	swait.ge [sflag:s31], $0x40  }
0x2e: {  	[sflag:s31] =	ssyncset.done $0x0  }
0x2f: {  	s7 =	rddreg [dreg:$0x9];
	[sflag:s31] =	ssyncadd.s32 $0xFFFFFFC0  }
0x30: {  	[spmem:s7] =	stream.linear.scatter [tilespmem:s30], [sflag:$0x1], $0x40, $0x38;
	[tilespmem:$0x6000] =	vst v63  }
0x31: {  	_ =	swait.ge [sflag:s31], $0x40  }
0x32: {  	[sflag:s31] =	ssyncset.done $0x0  }
0x33: {  	s11 =	rddreg [dreg:$0xa];
	[sflag:s31] =	ssyncadd.s32 $0xFFFFFFC0  }
0x34: {  	[spmem:s11] =	stream.linear.scatter [tilespmem:s30], [sflag:$0x1], $0x40, $0x38;
	[tilespmem:$0x6000] =	vst v63  }
0x35: {  	_ =	swait.ge [sflag:s31], $0x40  }
0x36: {  	[sflag:s31] =	ssyncset.done $0x0  }
0x37: {  	s8 =	rddreg [dreg:$0xb];
	[sflag:s31] =	ssyncadd.s32 $0xFFFFFFC0  }
0x38: {  	[spmem:s8] =	stream.linear.scatter [tilespmem:s30], [sflag:$0x1], $0x40, $0x38;
	[tilespmem:$0x6000] =	vst v63  }
0x39: {  	_ =	swait.ge [sflag:s31], $0x40  }
0x3a: {  	[sflag:s31] =	ssyncset.done $0x0  }
0x3b: {  	[sflag:s31] =	ssyncadd.s32 $0xFFFFFFC0  }
0x3c: {  	[spmem:s12] =	stream.linear.scatter [tilespmem:s30], [sflag:$0x1], $0x40, $0x38;
	[tilespmem:$0x6000] =	vst v63  }
0x3d: {  	_ =	swait.ge [sflag:s31], $0x40  }
0x3e: {  	[sflag:s31] =	ssyncset.done $0x0  }
0x3f: {  	[sflag:s31] =	ssyncadd.s32 $0xFFFFFFC0  }
0x40: {  	[spmem:s13] =	stream.linear.scatter [tilespmem:s30], [sflag:$0x1], $0x40, $0x38;
	[tilespmem:$0x6000] =	vst v63  }
0x41: {  	_ =	swait.ge [sflag:s31], $0x40  }
0x42: {  	[sflag:s31] =	ssyncset.done $0x0  }
0x43: {  	[sflag:s31] =	ssyncadd.s32 $0xFFFFFFC0  }
0x44: {  	[spmem:s14] =	stream.linear.scatter [tilespmem:s30], [sflag:$0x1], $0x40, $0x38;
	[tilespmem:$0x6000] =	vst v63  }
0x45: {  	_ =	swait.ge [sflag:s31], $0x40  }
0x46: {  	[sflag:s31] =	ssyncset.done $0x0  }
0x47: {  	[sflag:s31] =	ssyncadd.s32 $0xFFFFFFC0  }
0x48: {  	[spmem:s15] =	stream.linear.scatter [tilespmem:s30], [sflag:$0x1], $0x40, $0x38;
	[tilespmem:$0x6000] =	vst v63  }
0x49: {  	_ =	swait.ge [sflag:s31], $0x40  }
0x4a: {  	[sflag:s31] =	ssyncset.done $0x0  }
0x4b: {  	[sflag:s31] =	ssyncadd.s32 $0xFFFFFFC0  }
0x4c: {  	[spmem:s16] =	stream.linear.scatter [tilespmem:s30], [sflag:$0x1], $0x40, $0x38;
	[tilespmem:$0x6000] =	vst v63  }
0x4d: {  	_ =	swait.ge [sflag:s31], $0x40  }
0x4e: {  	[sflag:s31] =	ssyncset.done $0x0  }
0x4f: {  	[sflag:s31] =	ssyncadd.s32 $0xFFFFFFC0  }
0x50: {  	[spmem:s17] =	stream.linear.scatter [tilespmem:s30], [sflag:$0x1], $0x40, $0x38;
	[tilespmem:$0x6000] =	vst v63  }
0x51: {  	_ =	swait.ge [sflag:s31], $0x40  }
0x52: {  	[sflag:s31] =	ssyncset.done $0x0  }
0x53: {  	[sflag:s31] =	ssyncadd.s32 $0xFFFFFFC0  }
0x54: {  	[spmem:s18] =	stream.linear.scatter [tilespmem:s30], [sflag:$0x1], $0x40, $0x38;
	[tilespmem:$0x6000] =	vst v63  }
0x55: {  	_ =	swait.ge [sflag:s31], $0x40  }
0x56: {  	[sflag:s31] =	ssyncset.done $0x0  }
0x57: {  	[sflag:s31] =	ssyncadd.s32 $0xFFFFFFC0  }
0x58: {  	[spmem:s19] =	stream.linear.scatter [tilespmem:s30], [sflag:$0x1], $0x40, $0x38;
	[tilespmem:$0x6000] =	vst v63  }
0x59: {  	_ =	swait.ge [sflag:s31], $0x40  }
0x5a: {  	[sflag:s31] =	ssyncset.done $0x0  }
0x5b: {  	[sflag:s31] =	ssyncadd.s32 $0xFFFFFFC0  }
0x5c: {  	[spmem:s20] =	stream.linear.scatter [tilespmem:s30], [sflag:$0x1], $0x40, $0x38;
	[tilespmem:$0x6000] =	vst v63  }
0x5d: {  	_ =	swait.ge [sflag:s31], $0x40  }
0x5e: {  	[sflag:s31] =	ssyncset.done $0x0  }
0x5f: {  	[sflag:s31] =	ssyncadd.s32 $0xFFFFFFC0  }
0x60: {  	[spmem:s21] =	stream.linear.scatter [tilespmem:s30], [sflag:$0x1], $0x40, $0x38;
	[tilespmem:$0x6000] =	vst v63  }
0x61: {  	_ =	swait.ge [sflag:s31], $0x40  }
0x62: {  	[sflag:s31] =	ssyncset.done $0x0  }
0x63: {  	[sflag:s31] =	ssyncadd.s32 $0xFFFFFFC0  }
0x64: {  	[spmem:s22] =	stream.linear.scatter [tilespmem:s30], [sflag:$0x1], $0x40, $0x38;
	[tilespmem:$0x6000] =	vst v63  }
0x65: {  	_ =	swait.ge [sflag:s31], $0x40  }
0x66: {  	[sflag:s31] =	ssyncset.done $0x0  }
0x67: {  	[sflag:s31] =	ssyncadd.s32 $0xFFFFFFC0  }
0x68: {  	[spmem:s23] =	stream.linear.scatter [tilespmem:s30], [sflag:$0x1], $0x40, $0x38;
	[tilespmem:$0x6000] =	vst v63  }
0x69: {  	_ =	swait.ge [sflag:s31], $0x40  }
0x6a: {  	[sflag:s31] =	ssyncset.done $0x0  }
0x6b: {  	[sflag:s31] =	ssyncadd.s32 $0xFFFFFFC0  }
0x6c: {  	[spmem:s24] =	stream.linear.scatter [tilespmem:s30], [sflag:$0x1], $0x40, $0x38;
	[tilespmem:$0x6000] =	vst v63  }
0x6d: {  	_ =	swait.ge [sflag:s31], $0x40  }
0x6e: {  	[sflag:s31] =	ssyncset.done $0x0  }
0x6f: {  	[sflag:s31] =	ssyncadd.s32 $0xFFFFFFC0  }
0x70: {  	[spmem:s28] =	stream.linear.scatter [tilespmem:s30], [sflag:$0x1], $0x40, $0x38;
	[tilespmem:$0x6000] =	vst v63  }
0x71: {  	_ =	swait.ge [sflag:s31], $0x40  }
0x72: {  	[sflag:s31] =	ssyncset.done $0x0  }
0x73: {  	[sflag:s31] =	ssyncadd.s32 $0xFFFFFFC0  }
0x74: {  	[spmem:s29] =	stream.linear.scatter [tilespmem:s30], [sflag:$0x1], $0x40, $0x38;
	[tilespmem:$0x6000] =	vst v63  }
0x75: {  	_ =	swait.ge [sflag:s31], $0x40  }
0x76: {  	[sflag:s31] =	ssyncset.done $0x0  }
0x77: {  	s9 =	simm.s32 $0x0;
	s8 =	rddreg [dreg:$0x5];
	[sflag:s31] =	ssyncadd.s32 $0xFFFFFFC0  }
0x78: {  	[tilespmem:s9], [sflag:$0x1] =	stream.linear.gather [hbm4b:s8+s9], $0x5A00, $0x38;
	[tilespmem:$0x6000] =	vst v63  }
0x79: {  	_ =	swait.ge [sflag:s31], $0x5A00  }
0x7a: {  	[sflag:s31] =	ssyncset.done $0x0  }
0x7b: {  	[sflag:s31] =	ssyncadd.s32 $0xFFFFA600  }
0x7c: {  	s10 =	simm.s32 $0x80;
	[bflag:$0x0] =	sbarrier.arrive $0xFFFF  }
0x7d: {  	[spmem:s2] =	stream.indirect.scatter.add.f32 [tilespmem:s4], [sflag:$0x1], $0x1, s10, s1, $0xb8;
	[tilespmem:$0x6000] =	vst v63  }
0x7e: {  	_ =	swait.ge [sflag:s31], $0x70  }
0x7f: {  	[sflag:s31] =	ssyncset.done $0x0  }
0x80: {  	s11 =	simm.s32 $0x0;
	[sflag:s31] =	ssyncadd.s32 $0xFFFFFF90  }
0x81: {  	[spmem:s3] =	stream.indirect.scatter.add.f32 [tilespmem:s4], [sflag:$0x1], $0x1, s11, s1, $0xb8;
	[tilespmem:$0x6000] =	vst v63  }
0x82: {  	_ =	swait.ge [sflag:s31], $0x70  }
0x83: {  	s7 =	simm.s32 $0x100;
	s8 =	simm.s32 $0x800;
	[sflag:s31] =	ssyncset.done $0x0  }
.LBB2_2:
0x84: {  	s9 =	sadd.s32 $0x80, s7  }
0x85: {  	[sflag:s31] =	ssyncadd.s32 $0xFFFFFF90;
	s10 =	smov.u32 s8;
	s11 =	sadd.s32 $0x400, s8  }
0x86: {  	[spmem:s2] =	stream.indirect.scatter.add.f32 [tilespmem:s4], [sflag:$0x1], $0x1, s9, s1, $0xb8;
	[tilespmem:$0x6000] =	vst v63  }
0x87: {  	p0 =	sne.s32 s8, $0x16400;
	_ =	swait.ge [sflag:s31], $0x70  }
.Ltmp0:
0x88: {  	[sflag:s31] =	ssyncset.done $0x0;
	(pc) =	sbr.rel @p0 .LBB2_2-.Ltmp0, $4  }
0x89: {  	[sflag:s31] =	ssyncadd.s32 $0xFFFFFF90  }
0x8a: {  	[spmem:s3] =	stream.indirect.scatter.add.f32 [tilespmem:s4], [sflag:$0x1], $0x1, s7, s1, $0xb8;
	[tilespmem:$0x6000] =	vst v63  }
0x8b: {  	_ =	swait.ge [sflag:s31], $0x70  }
0x8c: {  	s8 =	smov.u32 s11;
	s7 =	sshra.s32 s10, $0x2;
	[sflag:s31] =	ssyncset.done $0x0  }
0x8d: {  	s8 =	sadd.s32 $0x80, s7;
	[sflag:s31] =	ssyncadd.s32 $0xFFFFFF90  }
0x8e: {  	[spmem:s2] =	stream.indirect.scatter.add.f32 [tilespmem:s4], [sflag:$0x1], $0x1, s8, s1, $0xb8;
	[tilespmem:$0x6000] =	vst v63  }
0x8f: {  	_ =	swait.ge [sflag:s31], $0x70  }
0x90: {  	[sflag:s31] =	ssyncset.done $0x0  }
0x91: {  	[sflag:s31] =	ssyncadd.s32 $0xFFFFFF90  }
0x92: {  	[spmem:s3] =	stream.indirect.scatter.add.f32 [tilespmem:s4], [sflag:$0x1], $0x1, s7, s1, $0xb8;
	[tilespmem:$0x6000] =	vst v63  }
0x93: {  	_ =	swait.ge [sflag:s31], $0x70  }
0x94: {  	[sflag:s31] =	ssyncset.done $0x0  }
0x95: {  	s10 =	stileid.u32;
	[sflag:s31] =	ssyncadd.s32 $0xFFFFFF90  }
0x96: {  	s7 =	sshll.u32 s10, $0x6;
	[bflag:$0x0] =	sbarrier.arrive $0xFFFF  }
0x97: {  	s11 =	sshrl.u32 s25, $0x3;
	s7 =	sor.u32 $0x1C01, s7;
	s9 =	rddreg [dreg:$0x6]  }
0x98: {  	[hbm:s9@s0], [sflag:s7] =	dma.strided [spmem:s11@s5], $0x50, s31, $0x10   }
0x99: {  	_ =	swait.ge [sflag:s31], $0x50  }
0x9a: {  	[sflag:s31] =	ssyncset.done $0x0  }
0x9b: {  	s9 =	sshrl.u32 s26, $0x3;
	s10 =	rddreg [dreg:$0x7];
	[sflag:s31] =	ssyncadd.s32 $0xFFFFFFB0  }
0x9c: {  	[hbm:s10@s0], [sflag:s7] =	dma.strided [spmem:s9@s5], $0x50, s31, $0x10   }
0x9d: {  	_ =	swait.ge [sflag:s31], $0x50  }
0x9e: {  	s6 =	sadd.s32 $0x1, s6;
	s11 =	rddreg [dreg:$0x8]  }
0x9f: {  	p0 =	sne.s32 s6, s11  }
.Ltmp1:
0xa0: {  	_ = 	snop;
	(pc) =	sbr.rel @p0 .LBB2_1-.Ltmp1, $3  }
0xa1: {  	_ =	sdelay $0x1  }
0xa2: {  	[sflag:s31] =	ssyncset.done $0x0  }
0xa3: {  	[sflag:s31] =	ssyncadd.s32 $0xFFFFFFB0  }
0xa4: {  	_ =	sfence.sel $0x180000  }
0xa5: {  	[bflag:$0x0] =	sbarrier.arrive $0xFFFF  }
0xa6: {  	_ =	strace $0x90000047  }
0xa7: {  	s0 =	stileid.u32;
	[bflag:$0x2] =	sbarrier.arrive $0xFFFF  }
0xa8: {  	p0 =	sne.s32 s0, $0x0;
	s0 =	rddreg [dreg:$0x4]  }
0xa9: {  	s0 =	sadd.s32 @!p0 $0x100000, s0  }
0xaa: {  	[sflag:s0] =	ssyncadd.tile.s32 @!p0 $0x1;
	_ =	shalt  }
.Lfunc_end2:
_tile_overlayer_lowered:
.L_overlay_start_2:
0xab: {  	(tag) =	ssettag $0x2  }
0xac: {  	s0 =	rddreg [dreg:$0x0];
	s2 =	stileid.u32  }
0xad: {  	s1 =	rddreg [dreg:$0x1];
	p0 =	sne.s32 s2, $0x0  }
0xae: {  	s3 =	rddreg [dreg:$0x2];
	[bflag:$0x3] =	sbarrier.arrive $0xFFFF;
	s2 =	simm.s32 @!p0 $0x1C01  }
0xaf: {  	[timem:s3], [sflag:s2] =	dma.local @!p0 [hbm:s0], s1  }
0xb0: {  	s0 =	simm.s32 @!p0 $0x1  }
0xb1: {  	_ =	swait.ge @!p0 [sflag:s0], s1  }
0xb2: {  	s1 =	ssub.s32 @!p0 $0x0, s1;
	[sflag:s0] =	ssyncset.done @!p0 $0x0  }
0xb3: {  	[sflag:s0] =	ssyncadd.s32 @!p0 s1  }
0xb4: {  	[bflag:$0x3] =	sbarrier.arrive $0xFFFF  }
0xb5: {  	_ =	shalt  }

</sc_bundles>
